<compile_context>
chip_gen: v7x
topology: tpu7x:2x2x1
jax: 0.10.2.dev20260603
libtpu: 0.0.44.dev20260713+nightly
codegen_flags: <defaults>
</compile_context>

<pallas_src>
import functools

import jax
import jax.numpy as jnp
from jax.experimental import pallas as pl
from jax.experimental.pallas import tpu as pltpu
from jax.experimental.pallas import tpu_sc as plsc

B, C, N, K = 8, 64, 2048, 16
BN_ROWS = B * N
BNK = B * N * K
TN = 256
TR = 128
TRK = TR * K
G = BNK // TRK
NEG_BIG = 3.0e38


def _p1_body(x_ref, w1a_ref, wc_ref, idx_ref, z_ref, c1_ref):
    b = pl.program_id(0)
    i = pl.program_id(1)
    xall_t = x_ref[0]

    @pl.when(i == 0)
    def _():
        zval = jax.lax.dot_general(
            xall_t, w1a_ref[...], (((0,), (1,)), ((), ())),
            preferred_element_type=jnp.float32)
        z_ref[0] = jnp.concatenate(
            [zval, jnp.zeros((N, C), jnp.float32)], axis=1)
        c1_ref[0] = jax.lax.dot_general(
            xall_t, wc_ref[...], (((0,), (1,)), ((), ())),
            preferred_element_type=jnp.float32)

    xt_t = x_ref[0, :, pl.ds(i * TN, TN)]
    prod = jax.lax.dot_general(
        xt_t, xall_t, (((0,), (0,)), ((), ())),
        preferred_element_type=jnp.float32)
    nall = jnp.sum(xall_t * xall_t, axis=0, keepdims=True)
    dist = nall - 2.0 * prod

    col = jax.lax.broadcasted_iota(jnp.int32, (TN, N), 1)
    picks = []
    for _k in range(K):
        m = jnp.min(dist, axis=1, keepdims=True)
        sel = dist <= m
        ik = jnp.min(jnp.where(sel, col, N), axis=1, keepdims=True)
        dist = jnp.where(sel, NEG_BIG, dist)
        picks.append(ik)
    idx_ref[0] = jnp.concatenate(picks, axis=1) + b * N


def _p1(x, w1a, wc):
    nb = x.shape[0]
    return pl.pallas_call(
        _p1_body,
        grid=(nb, N // TN),
        in_specs=[
            pl.BlockSpec((1, C, N), lambda b, i: (b, 0, 0)),
            pl.BlockSpec((C, C), lambda b, i: (0, 0)),
            pl.BlockSpec((C, C), lambda b, i: (0, 0)),
        ],
        out_specs=[
            pl.BlockSpec((1, TN, K), lambda b, i: (b, i, 0)),
            pl.BlockSpec((1, N, 2 * C), lambda b, i: (b, 0, 0)),
            pl.BlockSpec((1, N, C), lambda b, i: (b, 0, 0)),
        ],
        out_shape=[
            jax.ShapeDtypeStruct((nb, N, K), jnp.int32),
            jax.ShapeDtypeStruct((nb, N, 2 * C), jnp.float32),
            jax.ShapeDtypeStruct((nb, N, C), jnp.float32),
        ],
        compiler_params=pltpu.CompilerParams(
            dimension_semantics=("parallel", "arbitrary")),
    )(x, w1a, wc)


_NW = 32
_GCH = 256
_GCHUNKS = BNK // (_NW * _GCH)


def _sc_gather(z_flat, idx_flat):
    mesh = plsc.VectorSubcoreMesh(core_axis_name="c", subcore_axis_name="s")
    nbk = idx_flat.shape[0]
    chunks = nbk // (_NW * _GCH)

    @functools.partial(
        pl.kernel, mesh=mesh,
        out_type=jax.ShapeDtypeStruct((nbk, 2 * C), jnp.float32),
        scratch_types=[
            pltpu.VMEM((_GCH,), jnp.int32),
            pltpu.VMEM((_GCH,), jnp.int32),
            pltpu.VMEM((_GCH, 2 * C), jnp.float32),
            pltpu.VMEM((_GCH, 2 * C), jnp.float32),
            pltpu.SemaphoreType.DMA,
            pltpu.SemaphoreType.DMA,
        ],
    )
    def _gather_kernel(table_hbm, idx_hbm, out_hbm,
                       idx_v0, idx_v1, rows_v0, rows_v1, sem0, sem1):
        wid = jax.lax.axis_index("s") * 2 + jax.lax.axis_index("c")
        first = wid * chunks
        idx_bufs = (idx_v0, idx_v1)
        row_bufs = (rows_v0, rows_v1)
        sems = (sem0, sem1)

        def _start(j, p):
            pltpu.sync_copy(idx_hbm.at[pl.ds(j * _GCH, _GCH)], idx_bufs[p])
            pltpu.make_async_copy(
                table_hbm.at[idx_bufs[p]], row_bufs[p], sems[p]).start()

        def _drain(j, p):
            pltpu.make_async_copy(
                table_hbm.at[idx_bufs[p]], row_bufs[p], sems[p]).wait()
            pltpu.sync_copy(row_bufs[p], out_hbm.at[pl.ds(j * _GCH, _GCH)])

        _start(first, 0)

        @pl.loop(0, chunks - 2, step=2)
        def _(jj):
            j = first + jj
            _start(j + 1, 1)
            _drain(j, 0)
            _start(j + 2, 0)
            _drain(j + 1, 1)

        _start(first + chunks - 1, 1)
        _drain(first + chunks - 2, 0)
        _drain(first + chunks - 1, 1)

    return _gather_kernel(z_flat, idx_flat)


def _expand_c1(c1_ref):
    c1b = c1_ref[...]
    return jnp.broadcast_to(c1b[:, None, :], (TR, K, C)).reshape(TRK, C)


def _stats_rows(h):
    s = jnp.sum(h, axis=0, keepdims=True)
    ss = jnp.sum(h * h, axis=0, keepdims=True)
    return jnp.concatenate(
        [s, ss, jnp.zeros((6, h.shape[1]), jnp.float32)], axis=0)


def _p3_body(zg_ref, c1_ref, st_ref):
    h = _expand_c1(c1_ref) - zg_ref[:, :C]
    st_ref[0] = _stats_rows(h)


def _p3(zg, c1_flat):
    return pl.pallas_call(
        _p3_body,
        grid=(zg.shape[0] // TRK,),
        in_specs=[
            pl.BlockSpec((TRK, 2 * C), lambda g: (g, 0)),
            pl.BlockSpec((TR, C), lambda g: (g, 0)),
        ],
        out_specs=pl.BlockSpec((1, 8, C), lambda g: (g, 0, 0)),
        out_shape=jax.ShapeDtypeStruct((zg.shape[0] // TRK, 8, C),
                                       jnp.float32),
        compiler_params=pltpu.CompilerParams(
            dimension_semantics=("parallel",)),
    )(zg, c1_flat)


def _lrelu(x):
    return jnp.where(x > 0, x, 0.2 * x)


def _p4_body(zg_ref, c1_ref, st1_ref, w2t_ref, h2_ref, st_ref):
    h1p = _expand_c1(c1_ref) - zg_ref[:, :C]
    h1 = _lrelu(st1_ref[0:1, :] * h1p + st1_ref[1:2, :])
    h2p = jnp.dot(h1, w2t_ref[...], preferred_element_type=jnp.float32)
    h2_ref[...] = h2p.astype(jnp.bfloat16)
    st_ref[0] = _stats_rows(h2p)


def _p4(zg, c1_flat, st1, w2t):
    return pl.pallas_call(
        _p4_body,
        grid=(zg.shape[0] // TRK,),
        in_specs=[
            pl.BlockSpec((TRK, 2 * C), lambda g: (g, 0)),
            pl.BlockSpec((TR, C), lambda g: (g, 0)),
            pl.BlockSpec((8, C), lambda g: (0, 0)),
            pl.BlockSpec((C, C), lambda g: (0, 0)),
        ],
        out_specs=[
            pl.BlockSpec((TRK, C), lambda g: (g, 0)),
            pl.BlockSpec((1, 8, C), lambda g: (g, 0, 0)),
        ],
        out_shape=[
            jax.ShapeDtypeStruct((zg.shape[0], C), jnp.bfloat16),
            jax.ShapeDtypeStruct((zg.shape[0] // TRK, 8, C), jnp.float32),
        ],
        compiler_params=pltpu.CompilerParams(
            dimension_semantics=("parallel",)),
    )(zg, c1_flat, st1, w2t)


def _p5_body(h2_ref, st2_ref, w3t_ref, mlpt_ref, bias_ref, out_ref):
    h2f = h2_ref[...].astype(jnp.float32)
    h2 = _lrelu(st2_ref[0:1, :] * h2f + st2_ref[1:2, :])
    h3 = jnp.dot(h2, w3t_ref[...], preferred_element_type=jnp.float32)
    h3m = jnp.max(h3.reshape(TR, K, 2 * C), axis=1) + bias_ref[0:1, :]
    h4 = jnp.dot(h3m, mlpt_ref[...], preferred_element_type=jnp.float32)
    h4 = h4 + bias_ref[1:2, :]
    pair = jnp.concatenate(
        [h4[:, None, :C], h4[:, None, C:]], axis=1)
    out_ref[0] = pair.reshape(2 * TR, C).T


def _p5(h2, st2, w3t, mlpt, bias):
    return pl.pallas_call(
        _p5_body,
        grid=(h2.shape[0] // TRK,),
        in_specs=[
            pl.BlockSpec((TRK, C), lambda g: (g, 0)),
            pl.BlockSpec((8, C), lambda g: (0, 0)),
            pl.BlockSpec((C, 2 * C), lambda g: (0, 0)),
            pl.BlockSpec((2 * C, 2 * C), lambda g: (0, 0)),
            pl.BlockSpec((8, 2 * C), lambda g: (0, 0)),
        ],
        out_specs=pl.BlockSpec(
            (1, C, 2 * TR), lambda g: (g // (N // TR), 0, g % (N // TR))),
        out_shape=jax.ShapeDtypeStruct(
            (h2.shape[0] // (N * K), C, 2 * N), jnp.float32),
        compiler_params=pltpu.CompilerParams(
            dimension_semantics=("parallel",)),
    )(h2, st2, w3t, mlpt, bias)


def _bn_coeffs(partials_list, g, be):
    sums = sum(jnp.sum(p, axis=0) for p in partials_list)
    mean = sums[0] / BNK
    var = sums[1] / BNK - mean * mean
    s = g / jnp.sqrt(var + 1e-5)
    t = be - mean * s
    pad = jnp.zeros((6, s.shape[0]), jnp.float32)
    return jnp.concatenate([s[None], t[None], pad], axis=0)


PARTS = 4
NB = B // PARTS


def kernel(inputs, w1, b1, g1, be1, w2, b2, g2, be2, w3, b3, mlp_w, mlp_b):
    w1a = w1[:, :C]
    wc = w1a + w1[:, C:]

    parts = []
    for p in range(PARTS):
        x = jax.lax.slice_in_dim(inputs, p * NB, (p + 1) * NB, axis=0)
        idx, z, c1 = _p1(x, w1a, wc)
        zg = _sc_gather(z.reshape(NB * N, 2 * C), idx.reshape(NB * N * K))
        parts.append((zg, c1.reshape(NB * N, C)))

    st1 = _bn_coeffs([_p3(zg, c1f) for zg, c1f in parts], g1, be1)

    h2s, st2_parts = [], []
    for zg, c1f in parts:
        h2, sp = _p4(zg, c1f, st1, w2.T)
        h2s.append(h2)
        st2_parts.append(sp)
    st2 = _bn_coeffs(st2_parts, g2, be2)

    bias = jnp.concatenate(
        [b3[None], mlp_b[None], jnp.zeros((6, 2 * C), jnp.float32)], axis=0)
    outs = [_p5(h2, st2, w3.T, mlp_w.T, bias) for h2 in h2s]
    return jnp.concatenate(outs, axis=0)

# --- scband reference (transcript-rebuilt; emitter-appended) ---
"""Pipeline reference for scband-node-shuffle-44873818309134 (READ-ONLY COPY).

The authoritative reference and input builder live on the scoring server;
editing this copy changes nothing except your own understanding.
"""

import jax, jax.numpy as jnp
import numpy as np

B, C, N = 8, 64, 2048
K = 16
SCALE = 2
ES = min(SCALE, 4)
C_EDGE = C * ES
OUT_C = 64
MLP_OUT = OUT_C * SCALE
C_HALF = C_EDGE // 2


def setup_inputs(seed: int = 0) -> dict:
    key = jax.random.key(seed)
    ks = jax.random.split(key, 12)
    inputs = jax.random.normal(ks[0], (B, C, N), dtype=jnp.float32)
    w1 = jax.random.normal(ks[1], (C_HALF, 2 * C), dtype=jnp.float32) * 0.05
    b1 = jnp.zeros((C_HALF,), dtype=jnp.float32)
    g1 = jnp.ones((C_HALF,), dtype=jnp.float32)
    be1 = jnp.zeros((C_HALF,), dtype=jnp.float32)
    w2 = jax.random.normal(ks[2], (C_HALF, C_HALF), dtype=jnp.float32) * 0.05
    b2 = jnp.zeros((C_HALF,), dtype=jnp.float32)
    g2 = jnp.ones((C_HALF,), dtype=jnp.float32)
    be2 = jnp.zeros((C_HALF,), dtype=jnp.float32)
    w3 = jax.random.normal(ks[3], (C_EDGE, C_HALF), dtype=jnp.float32) * 0.05
    b3 = jnp.zeros((C_EDGE,), dtype=jnp.float32)
    g3 = jnp.ones((MLP_OUT,), dtype=jnp.float32)
    be3 = jnp.zeros((MLP_OUT,), dtype=jnp.float32)
    mlp_w = jax.random.normal(ks[4], (MLP_OUT, C_EDGE), dtype=jnp.float32) * 0.05
    mlp_b = jnp.zeros((MLP_OUT,), dtype=jnp.float32)
    return {"inputs": inputs, "w1": w1, "b1": b1, "g1": g1, "be1": be1,
            "w2": w2, "b2": b2, "g2": g2, "be2": be2,
            "w3": w3, "b3": b3, "mlp_w": mlp_w, "mlp_b": mlp_b}


def _square_distance(src, dst):
    # src: [B,N,C], dst: [B,M,C]
    dist = -2.0 * jnp.einsum('bnc,bmc->bnm', src, dst)
    dist = dist + jnp.sum(src ** 2, axis=-1)[:, :, None]
    dist = dist + jnp.sum(dst ** 2, axis=-1)[:, None, :]
    return dist


def _lrelu(x):
    return jnp.where(x > 0, x, 0.2 * x)


def _bn(h, g, b, axes):
    mean = jnp.mean(h, axis=axes, keepdims=True)
    var = jnp.var(h, axis=axes, keepdims=True)
    sh = [1] * h.ndim
    sh[1] = -1
    return (h - mean) / jnp.sqrt(var + 1e-5) * g.reshape(sh) + b.reshape(sh)


def reference(inputs, w1, b1, g1, be1, w2, b2, g2, be2, w3, b3, mlp_w, mlp_b):
    # group_local: kNN grouping
    xyz = jnp.transpose(inputs, (0, 2, 1))  # [B,N,C]
    dist = _square_distance(xyz, xyz)       # [B,N,N]
    _, idx = jax.lax.top_k(-dist, K)         # [B,N,K] smallest distances
    group = jax.vmap(lambda pts, i: pts[i])(xyz, idx)  # [B,N,K,C]
    group_xyz = jnp.transpose(group, (0, 3, 1, 2))     # [B,C,N,K]
    central = jnp.broadcast_to(inputs[:, :, :, None], (B, C, N, K))
    edge = central - group_xyz
    feature = jnp.concatenate([edge, central], axis=1)  # [B,2C,N,K]
    # EdgeConv 1x1 conv stack (training-mode BN: batch stats)
    h = jnp.einsum('oc,bcnk->bonk', w1, feature) + b1[None, :, None, None]
    h = _lrelu(_bn(h, g1, be1, (0, 2, 3)))
    h = jnp.einsum('oc,bcnk->bonk', w2, h) + b2[None, :, None, None]
    h = _lrelu(_bn(h, g2, be2, (0, 2, 3)))
    h = jnp.einsum('oc,bcnk->bonk', w3, h) + b3[None, :, None, None]
    h = jnp.max(h, axis=-1)  # [B,C_EDGE,N]
    # MLP_CONV: single Conv1d (no intermediate layers -> no BN applied)
    h = jnp.einsum('oc,bcn->bon', mlp_w, h) + mlp_b[None, :, None]  # [B,MLP_OUT,N]
    # point shuffler
    x = jnp.transpose(h, (0, 2, 1))                      # [B,N,MLP_OUT]
    x = x.reshape(B, N, SCALE, MLP_OUT // SCALE)
    x = x.reshape(B, N * SCALE, MLP_OUT // SCALE)
    out = jnp.transpose(x, (0, 2, 1))                    # [B, OUT_C, 2N]
    return out

if __name__ == "__main__":
    import jax
    _d = setup_inputs()
    print(jax.jit(kernel)(*tuple(_d.values())))

</pallas_src>

<mosaic_0001>
#map = affine_map<(d0, d1) -> (0, 0)>
#map1 = affine_map<(d0, d1) -> (0)>
module attributes {stable_mosaic.version = 14 : i64} {
  func.func @_gather_kernel(%arg0: i32, %arg1: i32, %arg2: memref<4096x128xf32, #tpu.memory_space<hbm>>, %arg3: memref<65536xi32, #tpu.memory_space<hbm>>, %arg4: memref<65536x128xf32, #tpu.memory_space<hbm>>, %arg5: memref<256xi32, #tpu.memory_space<vmem>>, %arg6: memref<256xi32, #tpu.memory_space<vmem>>, %arg7: memref<256x128xf32, #tpu.memory_space<vmem>>, %arg8: memref<256x128xf32, #tpu.memory_space<vmem>>, %arg9: memref<!tpu.dma_semaphore, #tpu.memory_space<semaphore_mem>>, %arg10: memref<!tpu.dma_semaphore, #tpu.memory_space<semaphore_mem>>) attributes {dimension_semantics = [#tpu.dimension_semantics<core_parallel>, #tpu.dimension_semantics<subcore_parallel>], iteration_bounds = array<i64: 2, 16>, scalar_prefetch = 0 : i64, scratch_operands = 6 : i64, tpu.core_type = #tpu.core_type<sc_vector_subcore>, window_params = [{transform_indices = #map}, {transform_indices = #map1}, {transform_indices = #map}]} {
    %mul3A = arith.constant 2 : i32
    %mul3A_0 = arith.muli %arg1, %mul3A : i32
    %add3A = arith.addi %mul3A_0, %arg0 : i32
    %mul3A_1 = arith.constant 8 : i32
    %mul3A_2 = arith.muli %add3A, %mul3A_1 : i32
    %mul3A_3 = arith.constant 256 : i32
    %mul3A_4 = arith.muli %mul3A_2, %mul3A_3 : i32
    "tpu.region"() ({
      %run_scoped3A = tpu.sem_alloc : memref<!tpu.dma_semaphore, #tpu.memory_space<semaphore_mem>>
      %dma_start3A_36 = tpu.memref_slice %arg3[%mul3A_4] : memref<65536xi32, #tpu.memory_space<hbm>> -> memref<256xi32, #tpu.memory_space<hbm>>
      %dma_start3A_37 = tpu.memref_slice %arg3[%mul3A_4] : memref<65536xi32, #tpu.memory_space<hbm>> -> memref<256xi32, #tpu.memory_space<hbm>>
      tpu.enqueue_dma source(%dma_start3A_37 : memref<256xi32, #tpu.memory_space<hbm>>) target(%arg5 : memref<256xi32, #tpu.memory_space<vmem>>) target_semaphore(%run_scoped3A : memref<!tpu.dma_semaphore, #tpu.memory_space<semaphore_mem>>)
      %dma_wait3A_38 = tpu.memref_slice %arg3[%mul3A_4] : memref<65536xi32, #tpu.memory_space<hbm>> -> memref<256xi32, #tpu.memory_space<hbm>>
      %dma_wait3A_39 = tpu.memref_slice %arg3[%mul3A_4] : memref<65536xi32, #tpu.memory_space<hbm>> -> memref<256xi32, #tpu.memory_space<hbm>>
      tpu.wait_dma2 semaphore(%run_scoped3A : memref<!tpu.dma_semaphore, #tpu.memory_space<semaphore_mem>>) src(%dma_wait3A_39 : memref<256xi32, #tpu.memory_space<hbm>>) dst(%arg5 : memref<256xi32, #tpu.memory_space<vmem>>)
      tpu.yield
    }) : () -> ()
    %dma_start3A = arith.constant 0 : i32
    %dma_start3A_5 = arith.constant 0 : i32
    %dma_start3A_6 = tpu.memref_slice %arg2[%dma_start3A, %dma_start3A_5] : memref<4096x128xf32, #tpu.memory_space<hbm>> -> memref<4096x128xf32, #tpu.memory_space<hbm>>
    tpu.enqueue_indirect_dma source(%dma_start3A_6 : memref<4096x128xf32, #tpu.memory_space<hbm>>) target(%arg7 : memref<256x128xf32, #tpu.memory_space<vmem>>) offsets(%arg5 : memref<256xi32, #tpu.memory_space<vmem>>) semaphore(%arg9 : memref<!tpu.dma_semaphore, #tpu.memory_space<semaphore_mem>>)
    %scan3A = arith.constant 0 : i32
    %scan3A_7 = arith.constant 3 : i32
    %scan3A_8 = arith.addi %scan3A, %scan3A_7 : i32
    %scan3A_9 = arith.constant 1 : i32
    scf.for %scan3A_36 = %scan3A to %scan3A_8 step %scan3A_9  : i32 {
      %mul3A_37 = arith.constant 2 : i32
      %mul3A_38 = arith.muli %scan3A_36, %mul3A_37 : i32
      %add3A_39 = arith.constant 0 : i32
      %add3A_40 = arith.addi %add3A_39, %mul3A_38 : i32
      %add3A_41 = arith.addi %mul3A_2, %add3A_40 : i32
      %add3A_42 = arith.constant 1 : i32
      %add3A_43 = arith.addi %add3A_41, %add3A_42 : i32
      %mul3A_44 = arith.constant 256 : i32
      %mul3A_45 = arith.muli %add3A_43, %mul3A_44 : i32
      "tpu.region"() ({
        %run_scoped3A = tpu.sem_alloc : memref<!tpu.dma_semaphore, #tpu.memory_space<semaphore_mem>>
        %dma_start3A_68 = tpu.memref_slice %arg3[%mul3A_45] : memref<65536xi32, #tpu.memory_space<hbm>> -> memref<256xi32, #tpu.memory_space<hbm>>
        %dma_start3A_69 = tpu.memref_slice %arg3[%mul3A_45] : memref<65536xi32, #tpu.memory_space<hbm>> -> memref<256xi32, #tpu.memory_space<hbm>>
        tpu.enqueue_dma source(%dma_start3A_69 : memref<256xi32, #tpu.memory_space<hbm>>) target(%arg6 : memref<256xi32, #tpu.memory_space<vmem>>) target_semaphore(%run_scoped3A : memref<!tpu.dma_semaphore, #tpu.memory_space<semaphore_mem>>)
        %dma_wait3A_70 = tpu.memref_slice %arg3[%mul3A_45] : memref<65536xi32, #tpu.memory_space<hbm>> -> memref<256xi32, #tpu.memory_space<hbm>>
        %dma_wait3A_71 = tpu.memref_slice %arg3[%mul3A_45] : memref<65536xi32, #tpu.memory_space<hbm>> -> memref<256xi32, #tpu.memory_space<hbm>>
        tpu.wait_dma2 semaphore(%run_scoped3A : memref<!tpu.dma_semaphore, #tpu.memory_space<semaphore_mem>>) src(%dma_wait3A_71 : memref<256xi32, #tpu.memory_space<hbm>>) dst(%arg6 : memref<256xi32, #tpu.memory_space<vmem>>)
        tpu.yield
      }) : () -> ()
      %dma_start3A_46 = arith.constant 0 : i32
      %dma_start3A_47 = arith.constant 0 : i32
      %dma_start3A_48 = tpu.memref_slice %arg2[%dma_start3A_46, %dma_start3A_47] : memref<4096x128xf32, #tpu.memory_space<hbm>> -> memref<4096x128xf32, #tpu.memory_space<hbm>>
      tpu.enqueue_indirect_dma source(%dma_start3A_48 : memref<4096x128xf32, #tpu.memory_space<hbm>>) target(%arg8 : memref<256x128xf32, #tpu.memory_space<vmem>>) offsets(%arg6 : memref<256xi32, #tpu.memory_space<vmem>>) semaphore(%arg10 : memref<!tpu.dma_semaphore, #tpu.memory_space<semaphore_mem>>)
      %dma_wait3A_49 = arith.constant 0 : i32
      %dma_wait3A_50 = arith.constant 0 : i32
      %dma_wait3A_51 = tpu.memref_slice %arg2[%dma_wait3A_49, %dma_wait3A_50] : memref<4096x128xf32, #tpu.memory_space<hbm>> -> memref<4096x128xf32, #tpu.memory_space<hbm>>
      tpu.wait_indirect_dma semaphore(%arg9 : memref<!tpu.dma_semaphore, #tpu.memory_space<semaphore_mem>>) src(%dma_wait3A_51 : memref<4096x128xf32, #tpu.memory_space<hbm>>) dst(%arg7 : memref<256x128xf32, #tpu.memory_space<vmem>>)
      %mul3A_52 = arith.constant 256 : i32
      %mul3A_53 = arith.muli %add3A_41, %mul3A_52 : i32
      "tpu.region"() ({
        %run_scoped3A = tpu.sem_alloc : memref<!tpu.dma_semaphore, #tpu.memory_space<semaphore_mem>>
        %dma_start3A_68 = arith.constant 0 : i32
        %dma_start3A_69 = tpu.memref_slice %arg4[%mul3A_53, %dma_start3A_68] : memref<65536x128xf32, #tpu.memory_space<hbm>> -> memref<256x128xf32, #tpu.memory_space<hbm>>
        %dma_start3A_70 = arith.constant 0 : i32
        %dma_start3A_71 = tpu.memref_slice %arg4[%mul3A_53, %dma_start3A_70] : memref<65536x128xf32, #tpu.memory_space<hbm>> -> memref<256x128xf32, #tpu.memory_space<hbm>>
        tpu.enqueue_dma source(%arg7 : memref<256x128xf32, #tpu.memory_space<vmem>>) target(%dma_start3A_71 : memref<256x128xf32, #tpu.memory_space<hbm>>) target_semaphore(%run_scoped3A : memref<!tpu.dma_semaphore, #tpu.memory_space<semaphore_mem>>)
        %dma_wait3A_72 = arith.constant 0 : i32
        %dma_wait3A_73 = tpu.memref_slice %arg4[%mul3A_53, %dma_wait3A_72] : memref<65536x128xf32, #tpu.memory_space<hbm>> -> memref<256x128xf32, #tpu.memory_space<hbm>>
        %dma_wait3A_74 = arith.constant 0 : i32
        %dma_wait3A_75 = tpu.memref_slice %arg4[%mul3A_53, %dma_wait3A_74] : memref<65536x128xf32, #tpu.memory_space<hbm>> -> memref<256x128xf32, #tpu.memory_space<hbm>>
        tpu.wait_dma2 semaphore(%run_scoped3A : memref<!tpu.dma_semaphore, #tpu.memory_space<semaphore_mem>>) src(%arg7 : memref<256x128xf32, #tpu.memory_space<vmem>>) dst(%dma_wait3A_75 : memref<256x128xf32, #tpu.memory_space<hbm>>)
        tpu.yield
      }) : () -> ()
      %add3A_54 = arith.constant 2 : i32
      %add3A_55 = arith.addi %add3A_41, %add3A_54 : i32
      %mul3A_56 = arith.constant 256 : i32
      %mul3A_57 = arith.muli %add3A_55, %mul3A_56 : i32
      "tpu.region"() ({
        %run_scoped3A = tpu.sem_alloc : memref<!tpu.dma_semaphore, #tpu.memory_space<semaphore_mem>>
        %dma_start3A_68 = tpu.memref_slice %arg3[%mul3A_57] : memref<65536xi32, #tpu.memory_space<hbm>> -> memref<256xi32, #tpu.memory_space<hbm>>
        %dma_start3A_69 = tpu.memref_slice %arg3[%mul3A_57] : memref<65536xi32, #tpu.memory_space<hbm>> -> memref<256xi32, #tpu.memory_space<hbm>>
        tpu.enqueue_dma source(%dma_start3A_69 : memref<256xi32, #tpu.memory_space<hbm>>) target(%arg5 : memref<256xi32, #tpu.memory_space<vmem>>) target_semaphore(%run_scoped3A : memref<!tpu.dma_semaphore, #tpu.memory_space<semaphore_mem>>)
        %dma_wait3A_70 = tpu.memref_slice %arg3[%mul3A_57] : memref<65536xi32, #tpu.memory_space<hbm>> -> memref<256xi32, #tpu.memory_space<hbm>>
        %dma_wait3A_71 = tpu.memref_slice %arg3[%mul3A_57] : memref<65536xi32, #tpu.memory_space<hbm>> -> memref<256xi32, #tpu.memory_space<hbm>>
        tpu.wait_dma2 semaphore(%run_scoped3A : memref<!tpu.dma_semaphore, #tpu.memory_space<semaphore_mem>>) src(%dma_wait3A_71 : memref<256xi32, #tpu.memory_space<hbm>>) dst(%arg5 : memref<256xi32, #tpu.memory_space<vmem>>)
        tpu.yield
      }) : () -> ()
      %dma_start3A_58 = arith.constant 0 : i32
      %dma_start3A_59 = arith.constant 0 : i32
      %dma_start3A_60 = tpu.memref_slice %arg2[%dma_start3A_58, %dma_start3A_59] : memref<4096x128xf32, #tpu.memory_space<hbm>> -> memref<4096x128xf32, #tpu.memory_space<hbm>>
      tpu.enqueue_indirect_dma source(%dma_start3A_60 : memref<4096x128xf32, #tpu.memory_space<hbm>>) target(%arg7 : memref<256x128xf32, #tpu.memory_space<vmem>>) offsets(%arg5 : memref<256xi32, #tpu.memory_space<vmem>>) semaphore(%arg9 : memref<!tpu.dma_semaphore, #tpu.memory_space<semaphore_mem>>)
      %add3A_61 = arith.constant 1 : i32
      %add3A_62 = arith.addi %add3A_41, %add3A_61 : i32
      %dma_wait3A_63 = arith.constant 0 : i32
      %dma_wait3A_64 = arith.constant 0 : i32
      %dma_wait3A_65 = tpu.memref_slice %arg2[%dma_wait3A_63, %dma_wait3A_64] : memref<4096x128xf32, #tpu.memory_space<hbm>> -> memref<4096x128xf32, #tpu.memory_space<hbm>>
      tpu.wait_indirect_dma semaphore(%arg10 : memref<!tpu.dma_semaphore, #tpu.memory_space<semaphore_mem>>) src(%dma_wait3A_65 : memref<4096x128xf32, #tpu.memory_space<hbm>>) dst(%arg8 : memref<256x128xf32, #tpu.memory_space<vmem>>)
      %mul3A_66 = arith.constant 256 : i32
      %mul3A_67 = arith.muli %add3A_62, %mul3A_66 : i32
      "tpu.region"() ({
        %run_scoped3A = tpu.sem_alloc : memref<!tpu.dma_semaphore, #tpu.memory_space<semaphore_mem>>
        %dma_start3A_68 = arith.constant 0 : i32
        %dma_start3A_69 = tpu.memref_slice %arg4[%mul3A_67, %dma_start3A_68] : memref<65536x128xf32, #tpu.memory_space<hbm>> -> memref<256x128xf32, #tpu.memory_space<hbm>>
        %dma_start3A_70 = arith.constant 0 : i32
        %dma_start3A_71 = tpu.memref_slice %arg4[%mul3A_67, %dma_start3A_70] : memref<65536x128xf32, #tpu.memory_space<hbm>> -> memref<256x128xf32, #tpu.memory_space<hbm>>
        tpu.enqueue_dma source(%arg8 : memref<256x128xf32, #tpu.memory_space<vmem>>) target(%dma_start3A_71 : memref<256x128xf32, #tpu.memory_space<hbm>>) target_semaphore(%run_scoped3A : memref<!tpu.dma_semaphore, #tpu.memory_space<semaphore_mem>>)
        %dma_wait3A_72 = arith.constant 0 : i32
        %dma_wait3A_73 = tpu.memref_slice %arg4[%mul3A_67, %dma_wait3A_72] : memref<65536x128xf32, #tpu.memory_space<hbm>> -> memref<256x128xf32, #tpu.memory_space<hbm>>
        %dma_wait3A_74 = arith.constant 0 : i32
        %dma_wait3A_75 = tpu.memref_slice %arg4[%mul3A_67, %dma_wait3A_74] : memref<65536x128xf32, #tpu.memory_space<hbm>> -> memref<256x128xf32, #tpu.memory_space<hbm>>
        tpu.wait_dma2 semaphore(%run_scoped3A : memref<!tpu.dma_semaphore, #tpu.memory_space<semaphore_mem>>) src(%arg8 : memref<256x128xf32, #tpu.memory_space<vmem>>) dst(%dma_wait3A_75 : memref<256x128xf32, #tpu.memory_space<hbm>>)
        tpu.yield
      }) : () -> ()
    }
    %scan3A_10 = arith.constant 3 : i32
    %add3A_11 = arith.constant 8 : i32
    %add3A_12 = arith.addi %mul3A_2, %add3A_11 : i32
    %sub3A = arith.constant 1 : i32
    %sub3A_13 = arith.subi %add3A_12, %sub3A : i32
    %mul3A_14 = arith.constant 256 : i32
    %mul3A_15 = arith.muli %sub3A_13, %mul3A_14 : i32
    "tpu.region"() ({
      %run_scoped3A = tpu.sem_alloc : memref<!tpu.dma_semaphore, #tpu.memory_space<semaphore_mem>>
      %dma_start3A_36 = tpu.memref_slice %arg3[%mul3A_15] : memref<65536xi32, #tpu.memory_space<hbm>> -> memref<256xi32, #tpu.memory_space<hbm>>
      %dma_start3A_37 = tpu.memref_slice %arg3[%mul3A_15] : memref<65536xi32, #tpu.memory_space<hbm>> -> memref<256xi32, #tpu.memory_space<hbm>>
      tpu.enqueue_dma source(%dma_start3A_37 : memref<256xi32, #tpu.memory_space<hbm>>) target(%arg6 : memref<256xi32, #tpu.memory_space<vmem>>) target_semaphore(%run_scoped3A : memref<!tpu.dma_semaphore, #tpu.memory_space<semaphore_mem>>)
      %dma_wait3A_38 = tpu.memref_slice %arg3[%mul3A_15] : memref<65536xi32, #tpu.memory_space<hbm>> -> memref<256xi32, #tpu.memory_space<hbm>>
      %dma_wait3A_39 = tpu.memref_slice %arg3[%mul3A_15] : memref<65536xi32, #tpu.memory_space<hbm>> -> memref<256xi32, #tpu.memory_space<hbm>>
      tpu.wait_dma2 semaphore(%run_scoped3A : memref<!tpu.dma_semaphore, #tpu.memory_space<semaphore_mem>>) src(%dma_wait3A_39 : memref<256xi32, #tpu.memory_space<hbm>>) dst(%arg6 : memref<256xi32, #tpu.memory_space<vmem>>)
      tpu.yield
    }) : () -> ()
    %dma_start3A_16 = arith.constant 0 : i32
    %dma_start3A_17 = arith.constant 0 : i32
    %dma_start3A_18 = tpu.memref_slice %arg2[%dma_start3A_16, %dma_start3A_17] : memref<4096x128xf32, #tpu.memory_space<hbm>> -> memref<4096x128xf32, #tpu.memory_space<hbm>>
    tpu.enqueue_indirect_dma source(%dma_start3A_18 : memref<4096x128xf32, #tpu.memory_space<hbm>>) target(%arg8 : memref<256x128xf32, #tpu.memory_space<vmem>>) offsets(%arg6 : memref<256xi32, #tpu.memory_space<vmem>>) semaphore(%arg10 : memref<!tpu.dma_semaphore, #tpu.memory_space<semaphore_mem>>)
    %add3A_19 = arith.constant 8 : i32
    %add3A_20 = arith.addi %mul3A_2, %add3A_19 : i32
    %sub3A_21 = arith.constant 2 : i32
    %sub3A_22 = arith.subi %add3A_20, %sub3A_21 : i32
    %dma_wait3A = arith.constant 0 : i32
    %dma_wait3A_23 = arith.constant 0 : i32
    %dma_wait3A_24 = tpu.memref_slice %arg2[%dma_wait3A, %dma_wait3A_23] : memref<4096x128xf32, #tpu.memory_space<hbm>> -> memref<4096x128xf32, #tpu.memory_space<hbm>>
    tpu.wait_indirect_dma semaphore(%arg9 : memref<!tpu.dma_semaphore, #tpu.memory_space<semaphore_mem>>) src(%dma_wait3A_24 : memref<4096x128xf32, #tpu.memory_space<hbm>>) dst(%arg7 : memref<256x128xf32, #tpu.memory_space<vmem>>)
    %mul3A_25 = arith.constant 256 : i32
    %mul3A_26 = arith.muli %sub3A_22, %mul3A_25 : i32
    "tpu.region"() ({
      %run_scoped3A = tpu.sem_alloc : memref<!tpu.dma_semaphore, #tpu.memory_space<semaphore_mem>>
      %dma_start3A_36 = arith.constant 0 : i32
      %dma_start3A_37 = tpu.memref_slice %arg4[%mul3A_26, %dma_start3A_36] : memref<65536x128xf32, #tpu.memory_space<hbm>> -> memref<256x128xf32, #tpu.memory_space<hbm>>
      %dma_start3A_38 = arith.constant 0 : i32
      %dma_start3A_39 = tpu.memref_slice %arg4[%mul3A_26, %dma_start3A_38] : memref<65536x128xf32, #tpu.memory_space<hbm>> -> memref<256x128xf32, #tpu.memory_space<hbm>>
      tpu.enqueue_dma source(%arg7 : memref<256x128xf32, #tpu.memory_space<vmem>>) target(%dma_start3A_39 : memref<256x128xf32, #tpu.memory_space<hbm>>) target_semaphore(%run_scoped3A : memref<!tpu.dma_semaphore, #tpu.memory_space<semaphore_mem>>)
      %dma_wait3A_40 = arith.constant 0 : i32
      %dma_wait3A_41 = tpu.memref_slice %arg4[%mul3A_26, %dma_wait3A_40] : memref<65536x128xf32, #tpu.memory_space<hbm>> -> memref<256x128xf32, #tpu.memory_space<hbm>>
      %dma_wait3A_42 = arith.constant 0 : i32
      %dma_wait3A_43 = tpu.memref_slice %arg4[%mul3A_26, %dma_wait3A_42] : memref<65536x128xf32, #tpu.memory_space<hbm>> -> memref<256x128xf32, #tpu.memory_space<hbm>>
      tpu.wait_dma2 semaphore(%run_scoped3A : memref<!tpu.dma_semaphore, #tpu.memory_space<semaphore_mem>>) src(%arg7 : memref<256x128xf32, #tpu.memory_space<vmem>>) dst(%dma_wait3A_43 : memref<256x128xf32, #tpu.memory_space<hbm>>)
      tpu.yield
    }) : () -> ()
    %add3A_27 = arith.constant 8 : i32
    %add3A_28 = arith.addi %mul3A_2, %add3A_27 : i32
    %sub3A_29 = arith.constant 1 : i32
    %sub3A_30 = arith.subi %add3A_28, %sub3A_29 : i32
    %dma_wait3A_31 = arith.constant 0 : i32
    %dma_wait3A_32 = arith.constant 0 : i32
    %dma_wait3A_33 = tpu.memref_slice %arg2[%dma_wait3A_31, %dma_wait3A_32] : memref<4096x128xf32, #tpu.memory_space<hbm>> -> memref<4096x128xf32, #tpu.memory_space<hbm>>
    tpu.wait_indirect_dma semaphore(%arg10 : memref<!tpu.dma_semaphore, #tpu.memory_space<semaphore_mem>>) src(%dma_wait3A_33 : memref<4096x128xf32, #tpu.memory_space<hbm>>) dst(%arg8 : memref<256x128xf32, #tpu.memory_space<vmem>>)
    %mul3A_34 = arith.constant 256 : i32
    %mul3A_35 = arith.muli %sub3A_30, %mul3A_34 : i32
    "tpu.region"() ({
      %run_scoped3A = tpu.sem_alloc : memref<!tpu.dma_semaphore, #tpu.memory_space<semaphore_mem>>
      %dma_start3A_36 = arith.constant 0 : i32
      %dma_start3A_37 = tpu.memref_slice %arg4[%mul3A_35, %dma_start3A_36] : memref<65536x128xf32, #tpu.memory_space<hbm>> -> memref<256x128xf32, #tpu.memory_space<hbm>>
      %dma_start3A_38 = arith.constant 0 : i32
      %dma_start3A_39 = tpu.memref_slice %arg4[%mul3A_35, %dma_start3A_38] : memref<65536x128xf32, #tpu.memory_space<hbm>> -> memref<256x128xf32, #tpu.memory_space<hbm>>
      tpu.enqueue_dma source(%arg8 : memref<256x128xf32, #tpu.memory_space<vmem>>) target(%dma_start3A_39 : memref<256x128xf32, #tpu.memory_space<hbm>>) target_semaphore(%run_scoped3A : memref<!tpu.dma_semaphore, #tpu.memory_space<semaphore_mem>>)
      %dma_wait3A_40 = arith.constant 0 : i32
      %dma_wait3A_41 = tpu.memref_slice %arg4[%mul3A_35, %dma_wait3A_40] : memref<65536x128xf32, #tpu.memory_space<hbm>> -> memref<256x128xf32, #tpu.memory_space<hbm>>
      %dma_wait3A_42 = arith.constant 0 : i32
      %dma_wait3A_43 = tpu.memref_slice %arg4[%mul3A_35, %dma_wait3A_42] : memref<65536x128xf32, #tpu.memory_space<hbm>> -> memref<256x128xf32, #tpu.memory_space<hbm>>
      tpu.wait_dma2 semaphore(%run_scoped3A : memref<!tpu.dma_semaphore, #tpu.memory_space<semaphore_mem>>) src(%arg8 : memref<256x128xf32, #tpu.memory_space<vmem>>) dst(%dma_wait3A_43 : memref<256x128xf32, #tpu.memory_space<hbm>>)
      tpu.yield
    }) : () -> ()
    return
  }
}

#map = affine_map<(d0, d1) -> (0, 0)>
#map1 = affine_map<(d0, d1) -> (0)>
module attributes {stable_mosaic.version = 14 : i64} {
  func.func @_gather_kernel(%arg0: i32, %arg1: i32, %arg2: memref<4096x128xf32, #tpu.memory_space<hbm>>, %arg3: memref<65536xi32, #tpu.memory_space<hbm>>, %arg4: memref<65536x128xf32, #tpu.memory_space<hbm>>, %arg5: memref<256xi32, #tpu.memory_space<vmem>>, %arg6: memref<256xi32, #tpu.memory_space<vmem>>, %arg7: memref<256x128xf32, #tpu.memory_space<vmem>>, %arg8: memref<256x128xf32, #tpu.memory_space<vmem>>, %arg9: memref<!tpu.dma_semaphore, #tpu.memory_space<semaphore_mem>>, %arg10: memref<!tpu.dma_semaphore, #tpu.memory_space<semaphore_mem>>) attributes {dimension_semantics = [#tpu.dimension_semantics<core_parallel>, #tpu.dimension_semantics<subcore_parallel>], iteration_bounds = array<i64: 2, 16>, scalar_prefetch = 0 : i64, scratch_operands = 6 : i64, tpu.core_type = #tpu.core_type<sc_vector_subcore>, window_params = [{transform_indices = #map}, {transform_indices = #map1}, {transform_indices = #map}]} {
    %mul3A = arith.constant 2 : i32
    %mul3A_0 = arith.muli %arg1, %mul3A : i32
    %add3A = arith.addi %mul3A_0, %arg0 : i32
    %mul3A_1 = arith.constant 8 : i32
    %mul3A_2 = arith.muli %add3A, %mul3A_1 : i32
    %mul3A_3 = arith.constant 256 : i32
    %mul3A_4 = arith.muli %mul3A_2, %mul3A_3 : i32
    "tpu.region"() ({
      %run_scoped3A = tpu.sem_alloc : memref<!tpu.dma_semaphore, #tpu.memory_space<semaphore_mem>>
      %dma_start3A_36 = tpu.memref_slice %arg3[%mul3A_4] : memref<65536xi32, #tpu.memory_space<hbm>> -> memref<256xi32, #tpu.memory_space<hbm>>
      %dma_start3A_37 = tpu.memref_slice %arg3[%mul3A_4] : memref<65536xi32, #tpu.memory_space<hbm>> -> memref<256xi32, #tpu.memory_space<hbm>>
      tpu.enqueue_dma source(%dma_start3A_37 : memref<256xi32, #tpu.memory_space<hbm>>) target(%arg5 : memref<256xi32, #tpu.memory_space<vmem>>) target_semaphore(%run_scoped3A : memref<!tpu.dma_semaphore, #tpu.memory_space<semaphore_mem>>)
      %dma_wait3A_38 = tpu.memref_slice %arg3[%mul3A_4] : memref<65536xi32, #tpu.memory_space<hbm>> -> memref<256xi32, #tpu.memory_space<hbm>>
      %dma_wait3A_39 = tpu.memref_slice %arg3[%mul3A_4] : memref<65536xi32, #tpu.memory_space<hbm>> -> memref<256xi32, #tpu.memory_space<hbm>>
      tpu.wait_dma2 semaphore(%run_scoped3A : memref<!tpu.dma_semaphore, #tpu.memory_space<semaphore_mem>>) src(%dma_wait3A_39 : memref<256xi32, #tpu.memory_space<hbm>>) dst(%arg5 : memref<256xi32, #tpu.memory_space<vmem>>)
      tpu.yield
    }) : () -> ()
    %dma_start3A = arith.constant 0 : i32
    %dma_start3A_5 = arith.constant 0 : i32
    %dma_start3A_6 = tpu.memref_slice %arg2[%dma_start3A, %dma_start3A_5] : memref<4096x128xf32, #tpu.memory_space<hbm>> -> memref<4096x128xf32, #tpu.memory_space<hbm>>
    tpu.enqueue_indirect_dma source(%dma_start3A_6 : memref<4096x128xf32, #tpu.memory_space<hbm>>) target(%arg7 : memref<256x128xf32, #tpu.memory_space<vmem>>) offsets(%arg5 : memref<256xi32, #tpu.memory_space<vmem>>) semaphore(%arg9 : memref<!tpu.dma_semaphore, #tpu.memory_space<semaphore_mem>>)
    %scan3A = arith.constant 0 : i32
    %scan3A_7 = arith.constant 3 : i32
    %scan3A_8 = arith.addi %scan3A, %scan3A_7 : i32
    %scan3A_9 = arith.constant 1 : i32
    scf.for %scan3A_36 = %scan3A to %scan3A_8 step %scan3A_9  : i32 {
      %mul3A_37 = arith.constant 2 : i32
      %mul3A_38 = arith.muli %scan3A_36, %mul3A_37 : i32
      %add3A_39 = arith.constant 0 : i32
      %add3A_40 = arith.addi %add3A_39, %mul3A_38 : i32
      %add3A_41 = arith.addi %mul3A_2, %add3A_40 : i32
      %add3A_42 = arith.constant 1 : i32
      %add3A_43 = arith.addi %add3A_41, %add3A_42 : i32
      %mul3A_44 = arith.constant 256 : i32
      %mul3A_45 = arith.muli %add3A_43, %mul3A_44 : i32
      "tpu.region"() ({
        %run_scoped3A = tpu.sem_alloc : memref<!tpu.dma_semaphore, #tpu.memory_space<semaphore_mem>>
        %dma_start3A_68 = tpu.memref_slice %arg3[%mul3A_45] : memref<65536xi32, #tpu.memory_space<hbm>> -> memref<256xi32, #tpu.memory_space<hbm>>
        %dma_start3A_69 = tpu.memref_slice %arg3[%mul3A_45] : memref<65536xi32, #tpu.memory_space<hbm>> -> memref<256xi32, #tpu.memory_space<hbm>>
        tpu.enqueue_dma source(%dma_start3A_69 : memref<256xi32, #tpu.memory_space<hbm>>) target(%arg6 : memref<256xi32, #tpu.memory_space<vmem>>) target_semaphore(%run_scoped3A : memref<!tpu.dma_semaphore, #tpu.memory_space<semaphore_mem>>)
        %dma_wait3A_70 = tpu.memref_slice %arg3[%mul3A_45] : memref<65536xi32, #tpu.memory_space<hbm>> -> memref<256xi32, #tpu.memory_space<hbm>>
        %dma_wait3A_71 = tpu.memref_slice %arg3[%mul3A_45] : memref<65536xi32, #tpu.memory_space<hbm>> -> memref<256xi32, #tpu.memory_space<hbm>>
        tpu.wait_dma2 semaphore(%run_scoped3A : memref<!tpu.dma_semaphore, #tpu.memory_space<semaphore_mem>>) src(%dma_wait3A_71 : memref<256xi32, #tpu.memory_space<hbm>>) dst(%arg6 : memref<256xi32, #tpu.memory_space<vmem>>)
        tpu.yield
      }) : () -> ()
      %dma_start3A_46 = arith.constant 0 : i32
      %dma_start3A_47 = arith.constant 0 : i32
      %dma_start3A_48 = tpu.memref_slice %arg2[%dma_start3A_46, %dma_start3A_47] : memref<4096x128xf32, #tpu.memory_space<hbm>> -> memref<4096x128xf32, #tpu.memory_space<hbm>>
      tpu.enqueue_indirect_dma source(%dma_start3A_48 : memref<4096x128xf32, #tpu.memory_space<hbm>>) target(%arg8 : memref<256x128xf32, #tpu.memory_space<vmem>>) offsets(%arg6 : memref<256xi32, #tpu.memory_space<vmem>>) semaphore(%arg10 : memref<!tpu.dma_semaphore, #tpu.memory_space<semaphore_mem>>)
      %dma_wait3A_49 = arith.constant 0 : i32
      %dma_wait3A_50 = arith.constant 0 : i32
      %dma_wait3A_51 = tpu.memref_slice %arg2[%dma_wait3A_49, %dma_wait3A_50] : memref<4096x128xf32, #tpu.memory_space<hbm>> -> memref<4096x128xf32, #tpu.memory_space<hbm>>
      tpu.wait_indirect_dma semaphore(%arg9 : memref<!tpu.dma_semaphore, #tpu.memory_space<semaphore_mem>>) src(%dma_wait3A_51 : memref<4096x128xf32, #tpu.memory_space<hbm>>) dst(%arg7 : memref<256x128xf32, #tpu.memory_space<vmem>>)
      %mul3A_52 = arith.constant 256 : i32
      %mul3A_53 = arith.muli %add3A_41, %mul3A_52 : i32
      "tpu.region"() ({
        %run_scoped3A = tpu.sem_alloc : memref<!tpu.dma_semaphore, #tpu.memory_space<semaphore_mem>>
        %dma_start3A_68 = arith.constant 0 : i32
        %dma_start3A_69 = tpu.memref_slice %arg4[%mul3A_53, %dma_start3A_68] : memref<65536x128xf32, #tpu.memory_space<hbm>> -> memref<256x128xf32, #tpu.memory_space<hbm>>
        %dma_start3A_70 = arith.constant 0 : i32
        %dma_start3A_71 = tpu.memref_slice %arg4[%mul3A_53, %dma_start3A_70] : memref<65536x128xf32, #tpu.memory_space<hbm>> -> memref<256x128xf32, #tpu.memory_space<hbm>>
        tpu.enqueue_dma source(%arg7 : memref<256x128xf32, #tpu.memory_space<vmem>>) target(%dma_start3A_71 : memref<256x128xf32, #tpu.memory_space<hbm>>) target_semaphore(%run_scoped3A : memref<!tpu.dma_semaphore, #tpu.memory_space<semaphore_mem>>)
        %dma_wait3A_72 = arith.constant 0 : i32
        %dma_wait3A_73 = tpu.memref_slice %arg4[%mul3A_53, %dma_wait3A_72] : memref<65536x128xf32, #tpu.memory_space<hbm>> -> memref<256x128xf32, #tpu.memory_space<hbm>>
        %dma_wait3A_74 = arith.constant 0 : i32
        %dma_wait3A_75 = tpu.memref_slice %arg4[%mul3A_53, %dma_wait3A_74] : memref<65536x128xf32, #tpu.memory_space<hbm>> -> memref<256x128xf32, #tpu.memory_space<hbm>>
        tpu.wait_dma2 semaphore(%run_scoped3A : memref<!tpu.dma_semaphore, #tpu.memory_space<semaphore_mem>>) src(%arg7 : memref<256x128xf32, #tpu.memory_space<vmem>>) dst(%dma_wait3A_75 : memref<256x128xf32, #tpu.memory_space<hbm>>)
        tpu.yield
      }) : () -> ()
      %add3A_54 = arith.constant 2 : i32
      %add3A_55 = arith.addi %add3A_41, %add3A_54 : i32
      %mul3A_56 = arith.constant 256 : i32
      %mul3A_57 = arith.muli %add3A_55, %mul3A_56 : i32
      "tpu.region"() ({
        %run_scoped3A = tpu.sem_alloc : memref<!tpu.dma_semaphore, #tpu.memory_space<semaphore_mem>>
        %dma_start3A_68 = tpu.memref_slice %arg3[%mul3A_57] : memref<65536xi32, #tpu.memory_space<hbm>> -> memref<256xi32, #tpu.memory_space<hbm>>
        %dma_start3A_69 = tpu.memref_slice %arg3[%mul3A_57] : memref<65536xi32, #tpu.memory_space<hbm>> -> memref<256xi32, #tpu.memory_space<hbm>>
        tpu.enqueue_dma source(%dma_start3A_69 : memref<256xi32, #tpu.memory_space<hbm>>) target(%arg5 : memref<256xi32, #tpu.memory_space<vmem>>) target_semaphore(%run_scoped3A : memref<!tpu.dma_semaphore, #tpu.memory_space<semaphore_mem>>)
        %dma_wait3A_70 = tpu.memref_slice %arg3[%mul3A_57] : memref<65536xi32, #tpu.memory_space<hbm>> -> memref<256xi32, #tpu.memory_space<hbm>>
        %dma_wait3A_71 = tpu.memref_slice %arg3[%mul3A_57] : memref<65536xi32, #tpu.memory_space<hbm>> -> memref<256xi32, #tpu.memory_space<hbm>>
        tpu.wait_dma2 semaphore(%run_scoped3A : memref<!tpu.dma_semaphore, #tpu.memory_space<semaphore_mem>>) src(%dma_wait3A_71 : memref<256xi32, #tpu.memory_space<hbm>>) dst(%arg5 : memref<256xi32, #tpu.memory_space<vmem>>)
        tpu.yield
      }) : () -> ()
      %dma_start3A_58 = arith.constant 0 : i32
      %dma_start3A_59 = arith.constant 0 : i32
      %dma_start3A_60 = tpu.memref_slice %arg2[%dma_start3A_58, %dma_start3A_59] : memref<4096x128xf32, #tpu.memory_space<hbm>> -> memref<4096x128xf32, #tpu.memory_space<hbm>>
      tpu.enqueue_indirect_dma source(%dma_start3A_60 : memref<4096x128xf32, #tpu.memory_space<hbm>>) target(%arg7 : memref<256x128xf32, #tpu.memory_space<vmem>>) offsets(%arg5 : memref<256xi32, #tpu.memory_space<vmem>>) semaphore(%arg9 : memref<!tpu.dma_semaphore, #tpu.memory_space<semaphore_mem>>)
      %add3A_61 = arith.constant 1 : i32
      %add3A_62 = arith.addi %add3A_41, %add3A_61 : i32
      %dma_wait3A_63 = arith.constant 0 : i32
      %dma_wait3A_64 = arith.constant 0 : i32
      %dma_wait3A_65 = tpu.memref_slice %arg2[%dma_wait3A_63, %dma_wait3A_64] : memref<4096x128xf32, #tpu.memory_space<hbm>> -> memref<4096x128xf32, #tpu.memory_space<hbm>>
      tpu.wait_indirect_dma semaphore(%arg10 : memref<!tpu.dma_semaphore, #tpu.memory_space<semaphore_mem>>) src(%dma_wait3A_65 : memref<4096x128xf32, #tpu.memory_space<hbm>>) dst(%arg8 : memref<256x128xf32, #tpu.memory_space<vmem>>)
      %mul3A_66 = arith.constant 256 : i32
      %mul3A_67 = arith.muli %add3A_62, %mul3A_66 : i32
      "tpu.region"() ({
        %run_scoped3A = tpu.sem_alloc : memref<!tpu.dma_semaphore, #tpu.memory_space<semaphore_mem>>
        %dma_start3A_68 = arith.constant 0 : i32
        %dma_start3A_69 = tpu.memref_slice %arg4[%mul3A_67, %dma_start3A_68] : memref<65536x128xf32, #tpu.memory_space<hbm>> -> memref<256x128xf32, #tpu.memory_space<hbm>>
        %dma_start3A_70 = arith.constant 0 : i32
        %dma_start3A_71 = tpu.memref_slice %arg4[%mul3A_67, %dma_start3A_70] : memref<65536x128xf32, #tpu.memory_space<hbm>> -> memref<256x128xf32, #tpu.memory_space<hbm>>
        tpu.enqueue_dma source(%arg8 : memref<256x128xf32, #tpu.memory_space<vmem>>) target(%dma_start3A_71 : memref<256x128xf32, #tpu.memory_space<hbm>>) target_semaphore(%run_scoped3A : memref<!tpu.dma_semaphore, #tpu.memory_space<semaphore_mem>>)
        %dma_wait3A_72 = arith.constant 0 : i32
        %dma_wait3A_73 = tpu.memref_slice %arg4[%mul3A_67, %dma_wait3A_72] : memref<65536x128xf32, #tpu.memory_space<hbm>> -> memref<256x128xf32, #tpu.memory_space<hbm>>
        %dma_wait3A_74 = arith.constant 0 : i32
        %dma_wait3A_75 = tpu.memref_slice %arg4[%mul3A_67, %dma_wait3A_74] : memref<65536x128xf32, #tpu.memory_space<hbm>> -> memref<256x128xf32, #tpu.memory_space<hbm>>
        tpu.wait_dma2 semaphore(%run_scoped3A : memref<!tpu.dma_semaphore, #tpu.memory_space<semaphore_mem>>) src(%arg8 : memref<256x128xf32, #tpu.memory_space<vmem>>) dst(%dma_wait3A_75 : memref<256x128xf32, #tpu.memory_space<hbm>>)
        tpu.yield
      }) : () -> ()
    }
    %scan3A_10 = arith.constant 3 : i32
    %add3A_11 = arith.constant 8 : i32
    %add3A_12 = arith.addi %mul3A_2, %add3A_11 : i32
    %sub3A = arith.constant 1 : i32
    %sub3A_13 = arith.subi %add3A_12, %sub3A : i32
    %mul3A_14 = arith.constant 256 : i32
    %mul3A_15 = arith.muli %sub3A_13, %mul3A_14 : i32
    "tpu.region"() ({
      %run_scoped3A = tpu.sem_alloc : memref<!tpu.dma_semaphore, #tpu.memory_space<semaphore_mem>>
      %dma_start3A_36 = tpu.memref_slice %arg3[%mul3A_15] : memref<65536xi32, #tpu.memory_space<hbm>> -> memref<256xi32, #tpu.memory_space<hbm>>
      %dma_start3A_37 = tpu.memref_slice %arg3[%mul3A_15] : memref<65536xi32, #tpu.memory_space<hbm>> -> memref<256xi32, #tpu.memory_space<hbm>>
      tpu.enqueue_dma source(%dma_start3A_37 : memref<256xi32, #tpu.memory_space<hbm>>) target(%arg6 : memref<256xi32, #tpu.memory_space<vmem>>) target_semaphore(%run_scoped3A : memref<!tpu.dma_semaphore, #tpu.memory_space<semaphore_mem>>)
      %dma_wait3A_38 = tpu.memref_slice %arg3[%mul3A_15] : memref<65536xi32, #tpu.memory_space<hbm>> -> memref<256xi32, #tpu.memory_space<hbm>>
      %dma_wait3A_39 = tpu.memref_slice %arg3[%mul3A_15] : memref<65536xi32, #tpu.memory_space<hbm>> -> memref<256xi32, #tpu.memory_space<hbm>>
      tpu.wait_dma2 semaphore(%run_scoped3A : memref<!tpu.dma_semaphore, #tpu.memory_space<semaphore_mem>>) src(%dma_wait3A_39 : memref<256xi32, #tpu.memory_space<hbm>>) dst(%arg6 : memref<256xi32, #tpu.memory_space<vmem>>)
      tpu.yield
    }) : () -> ()
    %dma_start3A_16 = arith.constant 0 : i32
    %dma_start3A_17 = arith.constant 0 : i32
    %dma_start3A_18 = tpu.memref_slice %arg2[%dma_start3A_16, %dma_start3A_17] : memref<4096x128xf32, #tpu.memory_space<hbm>> -> memref<4096x128xf32, #tpu.memory_space<hbm>>
    tpu.enqueue_indirect_dma source(%dma_start3A_18 : memref<4096x128xf32, #tpu.memory_space<hbm>>) target(%arg8 : memref<256x128xf32, #tpu.memory_space<vmem>>) offsets(%arg6 : memref<256xi32, #tpu.memory_space<vmem>>) semaphore(%arg10 : memref<!tpu.dma_semaphore, #tpu.memory_space<semaphore_mem>>)
    %add3A_19 = arith.constant 8 : i32
    %add3A_20 = arith.addi %mul3A_2, %add3A_19 : i32
    %sub3A_21 = arith.constant 2 : i32
    %sub3A_22 = arith.subi %add3A_20, %sub3A_21 : i32
    %dma_wait3A = arith.constant 0 : i32
    %dma_wait3A_23 = arith.constant 0 : i32
    %dma_wait3A_24 = tpu.memref_slice %arg2[%dma_wait3A, %dma_wait3A_23] : memref<4096x128xf32, #tpu.memory_space<hbm>> -> memref<4096x128xf32, #tpu.memory_space<hbm>>
    tpu.wait_indirect_dma semaphore(%arg9 : memref<!tpu.dma_semaphore, #tpu.memory_space<semaphore_mem>>) src(%dma_wait3A_24 : memref<4096x128xf32, #tpu.memory_space<hbm>>) dst(%arg7 : memref<256x128xf32, #tpu.memory_space<vmem>>)
    %mul3A_25 = arith.constant 256 : i32
    %mul3A_26 = arith.muli %sub3A_22, %mul3A_25 : i32
    "tpu.region"() ({
      %run_scoped3A = tpu.sem_alloc : memref<!tpu.dma_semaphore, #tpu.memory_space<semaphore_mem>>
      %dma_start3A_36 = arith.constant 0 : i32
      %dma_start3A_37 = tpu.memref_slice %arg4[%mul3A_26, %dma_start3A_36] : memref<65536x128xf32, #tpu.memory_space<hbm>> -> memref<256x128xf32, #tpu.memory_space<hbm>>
      %dma_start3A_38 = arith.constant 0 : i32
      %dma_start3A_39 = tpu.memref_slice %arg4[%mul3A_26, %dma_start3A_38] : memref<65536x128xf32, #tpu.memory_space<hbm>> -> memref<256x128xf32, #tpu.memory_space<hbm>>
      tpu.enqueue_dma source(%arg7 : memref<256x128xf32, #tpu.memory_space<vmem>>) target(%dma_start3A_39 : memref<256x128xf32, #tpu.memory_space<hbm>>) target_semaphore(%run_scoped3A : memref<!tpu.dma_semaphore, #tpu.memory_space<semaphore_mem>>)
      %dma_wait3A_40 = arith.constant 0 : i32
      %dma_wait3A_41 = tpu.memref_slice %arg4[%mul3A_26, %dma_wait3A_40] : memref<65536x128xf32, #tpu.memory_space<hbm>> -> memref<256x128xf32, #tpu.memory_space<hbm>>
      %dma_wait3A_42 = arith.constant 0 : i32
      %dma_wait3A_43 = tpu.memref_slice %arg4[%mul3A_26, %dma_wait3A_42] : memref<65536x128xf32, #tpu.memory_space<hbm>> -> memref<256x128xf32, #tpu.memory_space<hbm>>
      tpu.wait_dma2 semaphore(%run_scoped3A : memref<!tpu.dma_semaphore, #tpu.memory_space<semaphore_mem>>) src(%arg7 : memref<256x128xf32, #tpu.memory_space<vmem>>) dst(%dma_wait3A_43 : memref<256x128xf32, #tpu.memory_space<hbm>>)
      tpu.yield
    }) : () -> ()
    %add3A_27 = arith.constant 8 : i32
    %add3A_28 = arith.addi %mul3A_2, %add3A_27 : i32
    %sub3A_29 = arith.constant 1 : i32
    %sub3A_30 = arith.subi %add3A_28, %sub3A_29 : i32
    %dma_wait3A_31 = arith.constant 0 : i32
    %dma_wait3A_32 = arith.constant 0 : i32
    %dma_wait3A_33 = tpu.memref_slice %arg2[%dma_wait3A_31, %dma_wait3A_32] : memref<4096x128xf32, #tpu.memory_space<hbm>> -> memref<4096x128xf32, #tpu.memory_space<hbm>>
    tpu.wait_indirect_dma semaphore(%arg10 : memref<!tpu.dma_semaphore, #tpu.memory_space<semaphore_mem>>) src(%dma_wait3A_33 : memref<4096x128xf32, #tpu.memory_space<hbm>>) dst(%arg8 : memref<256x128xf32, #tpu.memory_space<vmem>>)
    %mul3A_34 = arith.constant 256 : i32
    %mul3A_35 = arith.muli %sub3A_30, %mul3A_34 : i32
    "tpu.region"() ({
      %run_scoped3A = tpu.sem_alloc : memref<!tpu.dma_semaphore, #tpu.memory_space<semaphore_mem>>
      %dma_start3A_36 = arith.constant 0 : i32
      %dma_start3A_37 = tpu.memref_slice %arg4[%mul3A_35, %dma_start3A_36] : memref<65536x128xf32, #tpu.memory_space<hbm>> -> memref<256x128xf32, #tpu.memory_space<hbm>>
      %dma_start3A_38 = arith.constant 0 : i32
      %dma_start3A_39 = tpu.memref_slice %arg4[%mul3A_35, %dma_start3A_38] : memref<65536x128xf32, #tpu.memory_space<hbm>> -> memref<256x128xf32, #tpu.memory_space<hbm>>
      tpu.enqueue_dma source(%arg8 : memref<256x128xf32, #tpu.memory_space<vmem>>) target(%dma_start3A_39 : memref<256x128xf32, #tpu.memory_space<hbm>>) target_semaphore(%run_scoped3A : memref<!tpu.dma_semaphore, #tpu.memory_space<semaphore_mem>>)
      %dma_wait3A_40 = arith.constant 0 : i32
      %dma_wait3A_41 = tpu.memref_slice %arg4[%mul3A_35, %dma_wait3A_40] : memref<65536x128xf32, #tpu.memory_space<hbm>> -> memref<256x128xf32, #tpu.memory_space<hbm>>
      %dma_wait3A_42 = arith.constant 0 : i32
      %dma_wait3A_43 = tpu.memref_slice %arg4[%mul3A_35, %dma_wait3A_42] : memref<65536x128xf32, #tpu.memory_space<hbm>> -> memref<256x128xf32, #tpu.memory_space<hbm>>
      tpu.wait_dma2 semaphore(%run_scoped3A : memref<!tpu.dma_semaphore, #tpu.memory_space<semaphore_mem>>) src(%arg8 : memref<256x128xf32, #tpu.memory_space<vmem>>) dst(%dma_wait3A_43 : memref<256x128xf32, #tpu.memory_space<hbm>>)
      tpu.yield
    }) : () -> ()
    return
  }
}

#map = affine_map<(d0, d1) -> (0, 0)>
#map1 = affine_map<(d0, d1) -> (0)>
module attributes {stable_mosaic.version = 14 : i64} {
  func.func @_gather_kernel(%arg0: i32, %arg1: i32, %arg2: memref<4096x128xf32, #tpu.memory_space<hbm>>, %arg3: memref<65536xi32, #tpu.memory_space<hbm>>, %arg4: memref<65536x128xf32, #tpu.memory_space<hbm>>, %arg5: memref<256xi32, #tpu.memory_space<vmem>>, %arg6: memref<256xi32, #tpu.memory_space<vmem>>, %arg7: memref<256x128xf32, #tpu.memory_space<vmem>>, %arg8: memref<256x128xf32, #tpu.memory_space<vmem>>, %arg9: memref<!tpu.dma_semaphore, #tpu.memory_space<semaphore_mem>>, %arg10: memref<!tpu.dma_semaphore, #tpu.memory_space<semaphore_mem>>) attributes {dimension_semantics = [#tpu.dimension_semantics<core_parallel>, #tpu.dimension_semantics<subcore_parallel>], iteration_bounds = array<i64: 2, 16>, scalar_prefetch = 0 : i64, scratch_operands = 6 : i64, tpu.core_type = #tpu.core_type<sc_vector_subcore>, window_params = [{transform_indices = #map}, {transform_indices = #map1}, {transform_indices = #map}]} {
    %mul3A = arith.constant 2 : i32
    %mul3A_0 = arith.muli %arg1, %mul3A : i32
    %add3A = arith.addi %mul3A_0, %arg0 : i32
    %mul3A_1 = arith.constant 8 : i32
    %mul3A_2 = arith.muli %add3A, %mul3A_1 : i32
    %mul3A_3 = arith.constant 256 : i32
    %mul3A_4 = arith.muli %mul3A_2, %mul3A_3 : i32
    "tpu.region"() ({
      %run_scoped3A = tpu.sem_alloc : memref<!tpu.dma_semaphore, #tpu.memory_space<semaphore_mem>>
      %dma_start3A_36 = tpu.memref_slice %arg3[%mul3A_4] : memref<65536xi32, #tpu.memory_space<hbm>> -> memref<256xi32, #tpu.memory_space<hbm>>
      %dma_start3A_37 = tpu.memref_slice %arg3[%mul3A_4] : memref<65536xi32, #tpu.memory_space<hbm>> -> memref<256xi32, #tpu.memory_space<hbm>>
      tpu.enqueue_dma source(%dma_start3A_37 : memref<256xi32, #tpu.memory_space<hbm>>) target(%arg5 : memref<256xi32, #tpu.memory_space<vmem>>) target_semaphore(%run_scoped3A : memref<!tpu.dma_semaphore, #tpu.memory_space<semaphore_mem>>)
      %dma_wait3A_38 = tpu.memref_slice %arg3[%mul3A_4] : memref<65536xi32, #tpu.memory_space<hbm>> -> memref<256xi32, #tpu.memory_space<hbm>>
      %dma_wait3A_39 = tpu.memref_slice %arg3[%mul3A_4] : memref<65536xi32, #tpu.memory_space<hbm>> -> memref<256xi32, #tpu.memory_space<hbm>>
      tpu.wait_dma2 semaphore(%run_scoped3A : memref<!tpu.dma_semaphore, #tpu.memory_space<semaphore_mem>>) src(%dma_wait3A_39 : memref<256xi32, #tpu.memory_space<hbm>>) dst(%arg5 : memref<256xi32, #tpu.memory_space<vmem>>)
      tpu.yield
    }) : () -> ()
    %dma_start3A = arith.constant 0 : i32
    %dma_start3A_5 = arith.constant 0 : i32
    %dma_start3A_6 = tpu.memref_slice %arg2[%dma_start3A, %dma_start3A_5] : memref<4096x128xf32, #tpu.memory_space<hbm>> -> memref<4096x128xf32, #tpu.memory_space<hbm>>
    tpu.enqueue_indirect_dma source(%dma_start3A_6 : memref<4096x128xf32, #tpu.memory_space<hbm>>) target(%arg7 : memref<256x128xf32, #tpu.memory_space<vmem>>) offsets(%arg5 : memref<256xi32, #tpu.memory_space<vmem>>) semaphore(%arg9 : memref<!tpu.dma_semaphore, #tpu.memory_space<semaphore_mem>>)
    %scan3A = arith.constant 0 : i32
    %scan3A_7 = arith.constant 3 : i32
    %scan3A_8 = arith.addi %scan3A, %scan3A_7 : i32
    %scan3A_9 = arith.constant 1 : i32
    scf.for %scan3A_36 = %scan3A to %scan3A_8 step %scan3A_9  : i32 {
      %mul3A_37 = arith.constant 2 : i32
      %mul3A_38 = arith.muli %scan3A_36, %mul3A_37 : i32
      %add3A_39 = arith.constant 0 : i32
      %add3A_40 = arith.addi %add3A_39, %mul3A_38 : i32
      %add3A_41 = arith.addi %mul3A_2, %add3A_40 : i32
      %add3A_42 = arith.constant 1 : i32
      %add3A_43 = arith.addi %add3A_41, %add3A_42 : i32
      %mul3A_44 = arith.constant 256 : i32
      %mul3A_45 = arith.muli %add3A_43, %mul3A_44 : i32
      "tpu.region"() ({
        %run_scoped3A = tpu.sem_alloc : memref<!tpu.dma_semaphore, #tpu.memory_space<semaphore_mem>>
        %dma_start3A_68 = tpu.memref_slice %arg3[%mul3A_45] : memref<65536xi32, #tpu.memory_space<hbm>> -> memref<256xi32, #tpu.memory_space<hbm>>
        %dma_start3A_69 = tpu.memref_slice %arg3[%mul3A_45] : memref<65536xi32, #tpu.memory_space<hbm>> -> memref<256xi32, #tpu.memory_space<hbm>>
        tpu.enqueue_dma source(%dma_start3A_69 : memref<256xi32, #tpu.memory_space<hbm>>) target(%arg6 : memref<256xi32, #tpu.memory_space<vmem>>) target_semaphore(%run_scoped3A : memref<!tpu.dma_semaphore, #tpu.memory_space<semaphore_mem>>)
        %dma_wait3A_70 = tpu.memref_slice %arg3[%mul3A_45] : memref<65536xi32, #tpu.memory_space<hbm>> -> memref<256xi32, #tpu.memory_space<hbm>>
        %dma_wait3A_71 = tpu.memref_slice %arg3[%mul3A_45] : memref<65536xi32, #tpu.memory_space<hbm>> -> memref<256xi32, #tpu.memory_space<hbm>>
        tpu.wait_dma2 semaphore(%run_scoped3A : memref<!tpu.dma_semaphore, #tpu.memory_space<semaphore_mem>>) src(%dma_wait3A_71 : memref<256xi32, #tpu.memory_space<hbm>>) dst(%arg6 : memref<256xi32, #tpu.memory_space<vmem>>)
        tpu.yield
      }) : () -> ()
      %dma_start3A_46 = arith.constant 0 : i32
      %dma_start3A_47 = arith.constant 0 : i32
      %dma_start3A_48 = tpu.memref_slice %arg2[%dma_start3A_46, %dma_start3A_47] : memref<4096x128xf32, #tpu.memory_space<hbm>> -> memref<4096x128xf32, #tpu.memory_space<hbm>>
      tpu.enqueue_indirect_dma source(%dma_start3A_48 : memref<4096x128xf32, #tpu.memory_space<hbm>>) target(%arg8 : memref<256x128xf32, #tpu.memory_space<vmem>>) offsets(%arg6 : memref<256xi32, #tpu.memory_space<vmem>>) semaphore(%arg10 : memref<!tpu.dma_semaphore, #tpu.memory_space<semaphore_mem>>)
      %dma_wait3A_49 = arith.constant 0 : i32
      %dma_wait3A_50 = arith.constant 0 : i32
      %dma_wait3A_51 = tpu.memref_slice %arg2[%dma_wait3A_49, %dma_wait3A_50] : memref<4096x128xf32, #tpu.memory_space<hbm>> -> memref<4096x128xf32, #tpu.memory_space<hbm>>
      tpu.wait_indirect_dma semaphore(%arg9 : memref<!tpu.dma_semaphore, #tpu.memory_space<semaphore_mem>>) src(%dma_wait3A_51 : memref<4096x128xf32, #tpu.memory_space<hbm>>) dst(%arg7 : memref<256x128xf32, #tpu.memory_space<vmem>>)
      %mul3A_52 = arith.constant 256 : i32
      %mul3A_53 = arith.muli %add3A_41, %mul3A_52 : i32
      "tpu.region"() ({
        %run_scoped3A = tpu.sem_alloc : memref<!tpu.dma_semaphore, #tpu.memory_space<semaphore_mem>>
        %dma_start3A_68 = arith.constant 0 : i32
        %dma_start3A_69 = tpu.memref_slice %arg4[%mul3A_53, %dma_start3A_68] : memref<65536x128xf32, #tpu.memory_space<hbm>> -> memref<256x128xf32, #tpu.memory_space<hbm>>
        %dma_start3A_70 = arith.constant 0 : i32
        %dma_start3A_71 = tpu.memref_slice %arg4[%mul3A_53, %dma_start3A_70] : memref<65536x128xf32, #tpu.memory_space<hbm>> -> memref<256x128xf32, #tpu.memory_space<hbm>>
        tpu.enqueue_dma source(%arg7 : memref<256x128xf32, #tpu.memory_space<vmem>>) target(%dma_start3A_71 : memref<256x128xf32, #tpu.memory_space<hbm>>) target_semaphore(%run_scoped3A : memref<!tpu.dma_semaphore, #tpu.memory_space<semaphore_mem>>)
        %dma_wait3A_72 = arith.constant 0 : i32
        %dma_wait3A_73 = tpu.memref_slice %arg4[%mul3A_53, %dma_wait3A_72] : memref<65536x128xf32, #tpu.memory_space<hbm>> -> memref<256x128xf32, #tpu.memory_space<hbm>>
        %dma_wait3A_74 = arith.constant 0 : i32
        %dma_wait3A_75 = tpu.memref_slice %arg4[%mul3A_53, %dma_wait3A_74] : memref<65536x128xf32, #tpu.memory_space<hbm>> -> memref<256x128xf32, #tpu.memory_space<hbm>>
        tpu.wait_dma2 semaphore(%run_scoped3A : memref<!tpu.dma_semaphore, #tpu.memory_space<semaphore_mem>>) src(%arg7 : memref<256x128xf32, #tpu.memory_space<vmem>>) dst(%dma_wait3A_75 : memref<256x128xf32, #tpu.memory_space<hbm>>)
        tpu.yield
      }) : () -> ()
      %add3A_54 = arith.constant 2 : i32
      %add3A_55 = arith.addi %add3A_41, %add3A_54 : i32
      %mul3A_56 = arith.constant 256 : i32
      %mul3A_57 = arith.muli %add3A_55, %mul3A_56 : i32
      "tpu.region"() ({
        %run_scoped3A = tpu.sem_alloc : memref<!tpu.dma_semaphore, #tpu.memory_space<semaphore_mem>>
        %dma_start3A_68 = tpu.memref_slice %arg3[%mul3A_57] : memref<65536xi32, #tpu.memory_space<hbm>> -> memref<256xi32, #tpu.memory_space<hbm>>
        %dma_start3A_69 = tpu.memref_slice %arg3[%mul3A_57] : memref<65536xi32, #tpu.memory_space<hbm>> -> memref<256xi32, #tpu.memory_space<hbm>>
        tpu.enqueue_dma source(%dma_start3A_69 : memref<256xi32, #tpu.memory_space<hbm>>) target(%arg5 : memref<256xi32, #tpu.memory_space<vmem>>) target_semaphore(%run_scoped3A : memref<!tpu.dma_semaphore, #tpu.memory_space<semaphore_mem>>)
        %dma_wait3A_70 = tpu.memref_slice %arg3[%mul3A_57] : memref<65536xi32, #tpu.memory_space<hbm>> -> memref<256xi32, #tpu.memory_space<hbm>>
        %dma_wait3A_71 = tpu.memref_slice %arg3[%mul3A_57] : memref<65536xi32, #tpu.memory_space<hbm>> -> memref<256xi32, #tpu.memory_space<hbm>>
        tpu.wait_dma2 semaphore(%run_scoped3A : memref<!tpu.dma_semaphore, #tpu.memory_space<semaphore_mem>>) src(%dma_wait3A_71 : memref<256xi32, #tpu.memory_space<hbm>>) dst(%arg5 : memref<256xi32, #tpu.memory_space<vmem>>)
        tpu.yield
      }) : () -> ()
      %dma_start3A_58 = arith.constant 0 : i32
      %dma_start3A_59 = arith.constant 0 : i32
      %dma_start3A_60 = tpu.memref_slice %arg2[%dma_start3A_58, %dma_start3A_59] : memref<4096x128xf32, #tpu.memory_space<hbm>> -> memref<4096x128xf32, #tpu.memory_space<hbm>>
      tpu.enqueue_indirect_dma source(%dma_start3A_60 : memref<4096x128xf32, #tpu.memory_space<hbm>>) target(%arg7 : memref<256x128xf32, #tpu.memory_space<vmem>>) offsets(%arg5 : memref<256xi32, #tpu.memory_space<vmem>>) semaphore(%arg9 : memref<!tpu.dma_semaphore, #tpu.memory_space<semaphore_mem>>)
      %add3A_61 = arith.constant 1 : i32
      %add3A_62 = arith.addi %add3A_41, %add3A_61 : i32
      %dma_wait3A_63 = arith.constant 0 : i32
      %dma_wait3A_64 = arith.constant 0 : i32
      %dma_wait3A_65 = tpu.memref_slice %arg2[%dma_wait3A_63, %dma_wait3A_64] : memref<4096x128xf32, #tpu.memory_space<hbm>> -> memref<4096x128xf32, #tpu.memory_space<hbm>>
      tpu.wait_indirect_dma semaphore(%arg10 : memref<!tpu.dma_semaphore, #tpu.memory_space<semaphore_mem>>) src(%dma_wait3A_65 : memref<4096x128xf32, #tpu.memory_space<hbm>>) dst(%arg8 : memref<256x128xf32, #tpu.memory_space<vmem>>)
      %mul3A_66 = arith.constant 256 : i32
      %mul3A_67 = arith.muli %add3A_62, %mul3A_66 : i32
      "tpu.region"() ({
        %run_scoped3A = tpu.sem_alloc : memref<!tpu.dma_semaphore, #tpu.memory_space<semaphore_mem>>
        %dma_start3A_68 = arith.constant 0 : i32
        %dma_start3A_69 = tpu.memref_slice %arg4[%mul3A_67, %dma_start3A_68] : memref<65536x128xf32, #tpu.memory_space<hbm>> -> memref<256x128xf32, #tpu.memory_space<hbm>>
        %dma_start3A_70 = arith.constant 0 : i32
        %dma_start3A_71 = tpu.memref_slice %arg4[%mul3A_67, %dma_start3A_70] : memref<65536x128xf32, #tpu.memory_space<hbm>> -> memref<256x128xf32, #tpu.memory_space<hbm>>
        tpu.enqueue_dma source(%arg8 : memref<256x128xf32, #tpu.memory_space<vmem>>) target(%dma_start3A_71 : memref<256x128xf32, #tpu.memory_space<hbm>>) target_semaphore(%run_scoped3A : memref<!tpu.dma_semaphore, #tpu.memory_space<semaphore_mem>>)
        %dma_wait3A_72 = arith.constant 0 : i32
        %dma_wait3A_73 = tpu.memref_slice %arg4[%mul3A_67, %dma_wait3A_72] : memref<65536x128xf32, #tpu.memory_space<hbm>> -> memref<256x128xf32, #tpu.memory_space<hbm>>
        %dma_wait3A_74 = arith.constant 0 : i32
        %dma_wait3A_75 = tpu.memref_slice %arg4[%mul3A_67, %dma_wait3A_74] : memref<65536x128xf32, #tpu.memory_space<hbm>> -> memref<256x128xf32, #tpu.memory_space<hbm>>
        tpu.wait_dma2 semaphore(%run_scoped3A : memref<!tpu.dma_semaphore, #tpu.memory_space<semaphore_mem>>) src(%arg8 : memref<256x128xf32, #tpu.memory_space<vmem>>) dst(%dma_wait3A_75 : memref<256x128xf32, #tpu.memory_space<hbm>>)
        tpu.yield
      }) : () -> ()
    }
    %scan3A_10 = arith.constant 3 : i32
    %add3A_11 = arith.constant 8 : i32
    %add3A_12 = arith.addi %mul3A_2, %add3A_11 : i32
    %sub3A = arith.constant 1 : i32
    %sub3A_13 = arith.subi %add3A_12, %sub3A : i32
    %mul3A_14 = arith.constant 256 : i32
    %mul3A_15 = arith.muli %sub3A_13, %mul3A_14 : i32
    "tpu.region"() ({
      %run_scoped3A = tpu.sem_alloc : memref<!tpu.dma_semaphore, #tpu.memory_space<semaphore_mem>>
      %dma_start3A_36 = tpu.memref_slice %arg3[%mul3A_15] : memref<65536xi32, #tpu.memory_space<hbm>> -> memref<256xi32, #tpu.memory_space<hbm>>
      %dma_start3A_37 = tpu.memref_slice %arg3[%mul3A_15] : memref<65536xi32, #tpu.memory_space<hbm>> -> memref<256xi32, #tpu.memory_space<hbm>>
      tpu.enqueue_dma source(%dma_start3A_37 : memref<256xi32, #tpu.memory_space<hbm>>) target(%arg6 : memref<256xi32, #tpu.memory_space<vmem>>) target_semaphore(%run_scoped3A : memref<!tpu.dma_semaphore, #tpu.memory_space<semaphore_mem>>)
      %dma_wait3A_38 = tpu.memref_slice %arg3[%mul3A_15] : memref<65536xi32, #tpu.memory_space<hbm>> -> memref<256xi32, #tpu.memory_space<hbm>>
      %dma_wait3A_39 = tpu.memref_slice %arg3[%mul3A_15] : memref<65536xi32, #tpu.memory_space<hbm>> -> memref<256xi32, #tpu.memory_space<hbm>>
      tpu.wait_dma2 semaphore(%run_scoped3A : memref<!tpu.dma_semaphore, #tpu.memory_space<semaphore_mem>>) src(%dma_wait3A_39 : memref<256xi32, #tpu.memory_space<hbm>>) dst(%arg6 : memref<256xi32, #tpu.memory_space<vmem>>)
      tpu.yield
    }) : () -> ()
    %dma_start3A_16 = arith.constant 0 : i32
    %dma_start3A_17 = arith.constant 0 : i32
    %dma_start3A_18 = tpu.memref_slice %arg2[%dma_start3A_16, %dma_start3A_17] : memref<4096x128xf32, #tpu.memory_space<hbm>> -> memref<4096x128xf32, #tpu.memory_space<hbm>>
    tpu.enqueue_indirect_dma source(%dma_start3A_18 : memref<4096x128xf32, #tpu.memory_space<hbm>>) target(%arg8 : memref<256x128xf32, #tpu.memory_space<vmem>>) offsets(%arg6 : memref<256xi32, #tpu.memory_space<vmem>>) semaphore(%arg10 : memref<!tpu.dma_semaphore, #tpu.memory_space<semaphore_mem>>)
    %add3A_19 = arith.constant 8 : i32
    %add3A_20 = arith.addi %mul3A_2, %add3A_19 : i32
    %sub3A_21 = arith.constant 2 : i32
    %sub3A_22 = arith.subi %add3A_20, %sub3A_21 : i32
    %dma_wait3A = arith.constant 0 : i32
    %dma_wait3A_23 = arith.constant 0 : i32
    %dma_wait3A_24 = tpu.memref_slice %arg2[%dma_wait3A, %dma_wait3A_23] : memref<4096x128xf32, #tpu.memory_space<hbm>> -> memref<4096x128xf32, #tpu.memory_space<hbm>>
    tpu.wait_indirect_dma semaphore(%arg9 : memref<!tpu.dma_semaphore, #tpu.memory_space<semaphore_mem>>) src(%dma_wait3A_24 : memref<4096x128xf32, #tpu.memory_space<hbm>>) dst(%arg7 : memref<256x128xf32, #tpu.memory_space<vmem>>)
    %mul3A_25 = arith.constant 256 : i32
    %mul3A_26 = arith.muli %sub3A_22, %mul3A_25 : i32
    "tpu.region"() ({
      %run_scoped3A = tpu.sem_alloc : memref<!tpu.dma_semaphore, #tpu.memory_space<semaphore_mem>>
      %dma_start3A_36 = arith.constant 0 : i32
      %dma_start3A_37 = tpu.memref_slice %arg4[%mul3A_26, %dma_start3A_36] : memref<65536x128xf32, #tpu.memory_space<hbm>> -> memref<256x128xf32, #tpu.memory_space<hbm>>
      %dma_start3A_38 = arith.constant 0 : i32
      %dma_start3A_39 = tpu.memref_slice %arg4[%mul3A_26, %dma_start3A_38] : memref<65536x128xf32, #tpu.memory_space<hbm>> -> memref<256x128xf32, #tpu.memory_space<hbm>>
      tpu.enqueue_dma source(%arg7 : memref<256x128xf32, #tpu.memory_space<vmem>>) target(%dma_start3A_39 : memref<256x128xf32, #tpu.memory_space<hbm>>) target_semaphore(%run_scoped3A : memref<!tpu.dma_semaphore, #tpu.memory_space<semaphore_mem>>)
      %dma_wait3A_40 = arith.constant 0 : i32
      %dma_wait3A_41 = tpu.memref_slice %arg4[%mul3A_26, %dma_wait3A_40] : memref<65536x128xf32, #tpu.memory_space<hbm>> -> memref<256x128xf32, #tpu.memory_space<hbm>>
      %dma_wait3A_42 = arith.constant 0 : i32
      %dma_wait3A_43 = tpu.memref_slice %arg4[%mul3A_26, %dma_wait3A_42] : memref<65536x128xf32, #tpu.memory_space<hbm>> -> memref<256x128xf32, #tpu.memory_space<hbm>>
      tpu.wait_dma2 semaphore(%run_scoped3A : memref<!tpu.dma_semaphore, #tpu.memory_space<semaphore_mem>>) src(%arg7 : memref<256x128xf32, #tpu.memory_space<vmem>>) dst(%dma_wait3A_43 : memref<256x128xf32, #tpu.memory_space<hbm>>)
      tpu.yield
    }) : () -> ()
    %add3A_27 = arith.constant 8 : i32
    %add3A_28 = arith.addi %mul3A_2, %add3A_27 : i32
    %sub3A_29 = arith.constant 1 : i32
    %sub3A_30 = arith.subi %add3A_28, %sub3A_29 : i32
    %dma_wait3A_31 = arith.constant 0 : i32
    %dma_wait3A_32 = arith.constant 0 : i32
    %dma_wait3A_33 = tpu.memref_slice %arg2[%dma_wait3A_31, %dma_wait3A_32] : memref<4096x128xf32, #tpu.memory_space<hbm>> -> memref<4096x128xf32, #tpu.memory_space<hbm>>
    tpu.wait_indirect_dma semaphore(%arg10 : memref<!tpu.dma_semaphore, #tpu.memory_space<semaphore_mem>>) src(%dma_wait3A_33 : memref<4096x128xf32, #tpu.memory_space<hbm>>) dst(%arg8 : memref<256x128xf32, #tpu.memory_space<vmem>>)
    %mul3A_34 = arith.constant 256 : i32
    %mul3A_35 = arith.muli %sub3A_30, %mul3A_34 : i32
    "tpu.region"() ({
      %run_scoped3A = tpu.sem_alloc : memref<!tpu.dma_semaphore, #tpu.memory_space<semaphore_mem>>
      %dma_start3A_36 = arith.constant 0 : i32
      %dma_start3A_37 = tpu.memref_slice %arg4[%mul3A_35, %dma_start3A_36] : memref<65536x128xf32, #tpu.memory_space<hbm>> -> memref<256x128xf32, #tpu.memory_space<hbm>>
      %dma_start3A_38 = arith.constant 0 : i32
      %dma_start3A_39 = tpu.memref_slice %arg4[%mul3A_35, %dma_start3A_38] : memref<65536x128xf32, #tpu.memory_space<hbm>> -> memref<256x128xf32, #tpu.memory_space<hbm>>
      tpu.enqueue_dma source(%arg8 : memref<256x128xf32, #tpu.memory_space<vmem>>) target(%dma_start3A_39 : memref<256x128xf32, #tpu.memory_space<hbm>>) target_semaphore(%run_scoped3A : memref<!tpu.dma_semaphore, #tpu.memory_space<semaphore_mem>>)
      %dma_wait3A_40 = arith.constant 0 : i32
      %dma_wait3A_41 = tpu.memref_slice %arg4[%mul3A_35, %dma_wait3A_40] : memref<65536x128xf32, #tpu.memory_space<hbm>> -> memref<256x128xf32, #tpu.memory_space<hbm>>
      %dma_wait3A_42 = arith.constant 0 : i32
      %dma_wait3A_43 = tpu.memref_slice %arg4[%mul3A_35, %dma_wait3A_42] : memref<65536x128xf32, #tpu.memory_space<hbm>> -> memref<256x128xf32, #tpu.memory_space<hbm>>
      tpu.wait_dma2 semaphore(%run_scoped3A : memref<!tpu.dma_semaphore, #tpu.memory_space<semaphore_mem>>) src(%arg8 : memref<256x128xf32, #tpu.memory_space<vmem>>) dst(%dma_wait3A_43 : memref<256x128xf32, #tpu.memory_space<hbm>>)
      tpu.yield
    }) : () -> ()
    return
  }
}

#map = affine_map<(d0, d1) -> (0, 0)>
#map1 = affine_map<(d0, d1) -> (0)>
module attributes {stable_mosaic.version = 14 : i64} {
  func.func @_gather_kernel(%arg0: i32, %arg1: i32, %arg2: memref<4096x128xf32, #tpu.memory_space<hbm>>, %arg3: memref<65536xi32, #tpu.memory_space<hbm>>, %arg4: memref<65536x128xf32, #tpu.memory_space<hbm>>, %arg5: memref<256xi32, #tpu.memory_space<vmem>>, %arg6: memref<256xi32, #tpu.memory_space<vmem>>, %arg7: memref<256x128xf32, #tpu.memory_space<vmem>>, %arg8: memref<256x128xf32, #tpu.memory_space<vmem>>, %arg9: memref<!tpu.dma_semaphore, #tpu.memory_space<semaphore_mem>>, %arg10: memref<!tpu.dma_semaphore, #tpu.memory_space<semaphore_mem>>) attributes {dimension_semantics = [#tpu.dimension_semantics<core_parallel>, #tpu.dimension_semantics<subcore_parallel>], iteration_bounds = array<i64: 2, 16>, scalar_prefetch = 0 : i64, scratch_operands = 6 : i64, tpu.core_type = #tpu.core_type<sc_vector_subcore>, window_params = [{transform_indices = #map}, {transform_indices = #map1}, {transform_indices = #map}]} {
    %mul3A = arith.constant 2 : i32
    %mul3A_0 = arith.muli %arg1, %mul3A : i32
    %add3A = arith.addi %mul3A_0, %arg0 : i32
    %mul3A_1 = arith.constant 8 : i32
    %mul3A_2 = arith.muli %add3A, %mul3A_1 : i32
    %mul3A_3 = arith.constant 256 : i32
    %mul3A_4 = arith.muli %mul3A_2, %mul3A_3 : i32
    "tpu.region"() ({
      %run_scoped3A = tpu.sem_alloc : memref<!tpu.dma_semaphore, #tpu.memory_space<semaphore_mem>>
      %dma_start3A_36 = tpu.memref_slice %arg3[%mul3A_4] : memref<65536xi32, #tpu.memory_space<hbm>> -> memref<256xi32, #tpu.memory_space<hbm>>
      %dma_start3A_37 = tpu.memref_slice %arg3[%mul3A_4] : memref<65536xi32, #tpu.memory_space<hbm>> -> memref<256xi32, #tpu.memory_space<hbm>>
      tpu.enqueue_dma source(%dma_start3A_37 : memref<256xi32, #tpu.memory_space<hbm>>) target(%arg5 : memref<256xi32, #tpu.memory_space<vmem>>) target_semaphore(%run_scoped3A : memref<!tpu.dma_semaphore, #tpu.memory_space<semaphore_mem>>)
      %dma_wait3A_38 = tpu.memref_slice %arg3[%mul3A_4] : memref<65536xi32, #tpu.memory_space<hbm>> -> memref<256xi32, #tpu.memory_space<hbm>>
      %dma_wait3A_39 = tpu.memref_slice %arg3[%mul3A_4] : memref<65536xi32, #tpu.memory_space<hbm>> -> memref<256xi32, #tpu.memory_space<hbm>>
      tpu.wait_dma2 semaphore(%run_scoped3A : memref<!tpu.dma_semaphore, #tpu.memory_space<semaphore_mem>>) src(%dma_wait3A_39 : memref<256xi32, #tpu.memory_space<hbm>>) dst(%arg5 : memref<256xi32, #tpu.memory_space<vmem>>)
      tpu.yield
    }) : () -> ()
    %dma_start3A = arith.constant 0 : i32
    %dma_start3A_5 = arith.constant 0 : i32
    %dma_start3A_6 = tpu.memref_slice %arg2[%dma_start3A, %dma_start3A_5] : memref<4096x128xf32, #tpu.memory_space<hbm>> -> memref<4096x128xf32, #tpu.memory_space<hbm>>
    tpu.enqueue_indirect_dma source(%dma_start3A_6 : memref<4096x128xf32, #tpu.memory_space<hbm>>) target(%arg7 : memref<256x128xf32, #tpu.memory_space<vmem>>) offsets(%arg5 : memref<256xi32, #tpu.memory_space<vmem>>) semaphore(%arg9 : memref<!tpu.dma_semaphore, #tpu.memory_space<semaphore_mem>>)
    %scan3A = arith.constant 0 : i32
    %scan3A_7 = arith.constant 3 : i32
    %scan3A_8 = arith.addi %scan3A, %scan3A_7 : i32
    %scan3A_9 = arith.constant 1 : i32
    scf.for %scan3A_36 = %scan3A to %scan3A_8 step %scan3A_9  : i32 {
      %mul3A_37 = arith.constant 2 : i32
      %mul3A_38 = arith.muli %scan3A_36, %mul3A_37 : i32
      %add3A_39 = arith.constant 0 : i32
      %add3A_40 = arith.addi %add3A_39, %mul3A_38 : i32
      %add3A_41 = arith.addi %mul3A_2, %add3A_40 : i32
      %add3A_42 = arith.constant 1 : i32
      %add3A_43 = arith.addi %add3A_41, %add3A_42 : i32
      %mul3A_44 = arith.constant 256 : i32
      %mul3A_45 = arith.muli %add3A_43, %mul3A_44 : i32
      "tpu.region"() ({
        %run_scoped3A = tpu.sem_alloc : memref<!tpu.dma_semaphore, #tpu.memory_space<semaphore_mem>>
        %dma_start3A_68 = tpu.memref_slice %arg3[%mul3A_45] : memref<65536xi32, #tpu.memory_space<hbm>> -> memref<256xi32, #tpu.memory_space<hbm>>
        %dma_start3A_69 = tpu.memref_slice %arg3[%mul3A_45] : memref<65536xi32, #tpu.memory_space<hbm>> -> memref<256xi32, #tpu.memory_space<hbm>>
        tpu.enqueue_dma source(%dma_start3A_69 : memref<256xi32, #tpu.memory_space<hbm>>) target(%arg6 : memref<256xi32, #tpu.memory_space<vmem>>) target_semaphore(%run_scoped3A : memref<!tpu.dma_semaphore, #tpu.memory_space<semaphore_mem>>)
        %dma_wait3A_70 = tpu.memref_slice %arg3[%mul3A_45] : memref<65536xi32, #tpu.memory_space<hbm>> -> memref<256xi32, #tpu.memory_space<hbm>>
        %dma_wait3A_71 = tpu.memref_slice %arg3[%mul3A_45] : memref<65536xi32, #tpu.memory_space<hbm>> -> memref<256xi32, #tpu.memory_space<hbm>>
        tpu.wait_dma2 semaphore(%run_scoped3A : memref<!tpu.dma_semaphore, #tpu.memory_space<semaphore_mem>>) src(%dma_wait3A_71 : memref<256xi32, #tpu.memory_space<hbm>>) dst(%arg6 : memref<256xi32, #tpu.memory_space<vmem>>)
        tpu.yield
      }) : () -> ()
      %dma_start3A_46 = arith.constant 0 : i32
      %dma_start3A_47 = arith.constant 0 : i32
      %dma_start3A_48 = tpu.memref_slice %arg2[%dma_start3A_46, %dma_start3A_47] : memref<4096x128xf32, #tpu.memory_space<hbm>> -> memref<4096x128xf32, #tpu.memory_space<hbm>>
      tpu.enqueue_indirect_dma source(%dma_start3A_48 : memref<4096x128xf32, #tpu.memory_space<hbm>>) target(%arg8 : memref<256x128xf32, #tpu.memory_space<vmem>>) offsets(%arg6 : memref<256xi32, #tpu.memory_space<vmem>>) semaphore(%arg10 : memref<!tpu.dma_semaphore, #tpu.memory_space<semaphore_mem>>)
      %dma_wait3A_49 = arith.constant 0 : i32
      %dma_wait3A_50 = arith.constant 0 : i32
      %dma_wait3A_51 = tpu.memref_slice %arg2[%dma_wait3A_49, %dma_wait3A_50] : memref<4096x128xf32, #tpu.memory_space<hbm>> -> memref<4096x128xf32, #tpu.memory_space<hbm>>
      tpu.wait_indirect_dma semaphore(%arg9 : memref<!tpu.dma_semaphore, #tpu.memory_space<semaphore_mem>>) src(%dma_wait3A_51 : memref<4096x128xf32, #tpu.memory_space<hbm>>) dst(%arg7 : memref<256x128xf32, #tpu.memory_space<vmem>>)
      %mul3A_52 = arith.constant 256 : i32
      %mul3A_53 = arith.muli %add3A_41, %mul3A_52 : i32
      "tpu.region"() ({
        %run_scoped3A = tpu.sem_alloc : memref<!tpu.dma_semaphore, #tpu.memory_space<semaphore_mem>>
        %dma_start3A_68 = arith.constant 0 : i32
        %dma_start3A_69 = tpu.memref_slice %arg4[%mul3A_53, %dma_start3A_68] : memref<65536x128xf32, #tpu.memory_space<hbm>> -> memref<256x128xf32, #tpu.memory_space<hbm>>
        %dma_start3A_70 = arith.constant 0 : i32
        %dma_start3A_71 = tpu.memref_slice %arg4[%mul3A_53, %dma_start3A_70] : memref<65536x128xf32, #tpu.memory_space<hbm>> -> memref<256x128xf32, #tpu.memory_space<hbm>>
        tpu.enqueue_dma source(%arg7 : memref<256x128xf32, #tpu.memory_space<vmem>>) target(%dma_start3A_71 : memref<256x128xf32, #tpu.memory_space<hbm>>) target_semaphore(%run_scoped3A : memref<!tpu.dma_semaphore, #tpu.memory_space<semaphore_mem>>)
        %dma_wait3A_72 = arith.constant 0 : i32
        %dma_wait3A_73 = tpu.memref_slice %arg4[%mul3A_53, %dma_wait3A_72] : memref<65536x128xf32, #tpu.memory_space<hbm>> -> memref<256x128xf32, #tpu.memory_space<hbm>>
        %dma_wait3A_74 = arith.constant 0 : i32
        %dma_wait3A_75 = tpu.memref_slice %arg4[%mul3A_53, %dma_wait3A_74] : memref<65536x128xf32, #tpu.memory_space<hbm>> -> memref<256x128xf32, #tpu.memory_space<hbm>>
        tpu.wait_dma2 semaphore(%run_scoped3A : memref<!tpu.dma_semaphore, #tpu.memory_space<semaphore_mem>>) src(%arg7 : memref<256x128xf32, #tpu.memory_space<vmem>>) dst(%dma_wait3A_75 : memref<256x128xf32, #tpu.memory_space<hbm>>)
        tpu.yield
      }) : () -> ()
      %add3A_54 = arith.constant 2 : i32
      %add3A_55 = arith.addi %add3A_41, %add3A_54 : i32
      %mul3A_56 = arith.constant 256 : i32
      %mul3A_57 = arith.muli %add3A_55, %mul3A_56 : i32
      "tpu.region"() ({
        %run_scoped3A = tpu.sem_alloc : memref<!tpu.dma_semaphore, #tpu.memory_space<semaphore_mem>>
        %dma_start3A_68 = tpu.memref_slice %arg3[%mul3A_57] : memref<65536xi32, #tpu.memory_space<hbm>> -> memref<256xi32, #tpu.memory_space<hbm>>
        %dma_start3A_69 = tpu.memref_slice %arg3[%mul3A_57] : memref<65536xi32, #tpu.memory_space<hbm>> -> memref<256xi32, #tpu.memory_space<hbm>>
        tpu.enqueue_dma source(%dma_start3A_69 : memref<256xi32, #tpu.memory_space<hbm>>) target(%arg5 : memref<256xi32, #tpu.memory_space<vmem>>) target_semaphore(%run_scoped3A : memref<!tpu.dma_semaphore, #tpu.memory_space<semaphore_mem>>)
        %dma_wait3A_70 = tpu.memref_slice %arg3[%mul3A_57] : memref<65536xi32, #tpu.memory_space<hbm>> -> memref<256xi32, #tpu.memory_space<hbm>>
        %dma_wait3A_71 = tpu.memref_slice %arg3[%mul3A_57] : memref<65536xi32, #tpu.memory_space<hbm>> -> memref<256xi32, #tpu.memory_space<hbm>>
        tpu.wait_dma2 semaphore(%run_scoped3A : memref<!tpu.dma_semaphore, #tpu.memory_space<semaphore_mem>>) src(%dma_wait3A_71 : memref<256xi32, #tpu.memory_space<hbm>>) dst(%arg5 : memref<256xi32, #tpu.memory_space<vmem>>)
        tpu.yield
      }) : () -> ()
      %dma_start3A_58 = arith.constant 0 : i32
      %dma_start3A_59 = arith.constant 0 : i32
      %dma_start3A_60 = tpu.memref_slice %arg2[%dma_start3A_58, %dma_start3A_59] : memref<4096x128xf32, #tpu.memory_space<hbm>> -> memref<4096x128xf32, #tpu.memory_space<hbm>>
      tpu.enqueue_indirect_dma source(%dma_start3A_60 : memref<4096x128xf32, #tpu.memory_space<hbm>>) target(%arg7 : memref<256x128xf32, #tpu.memory_space<vmem>>) offsets(%arg5 : memref<256xi32, #tpu.memory_space<vmem>>) semaphore(%arg9 : memref<!tpu.dma_semaphore, #tpu.memory_space<semaphore_mem>>)
      %add3A_61 = arith.constant 1 : i32
      %add3A_62 = arith.addi %add3A_41, %add3A_61 : i32
      %dma_wait3A_63 = arith.constant 0 : i32
      %dma_wait3A_64 = arith.constant 0 : i32
      %dma_wait3A_65 = tpu.memref_slice %arg2[%dma_wait3A_63, %dma_wait3A_64] : memref<4096x128xf32, #tpu.memory_space<hbm>> -> memref<4096x128xf32, #tpu.memory_space<hbm>>
      tpu.wait_indirect_dma semaphore(%arg10 : memref<!tpu.dma_semaphore, #tpu.memory_space<semaphore_mem>>) src(%dma_wait3A_65 : memref<4096x128xf32, #tpu.memory_space<hbm>>) dst(%arg8 : memref<256x128xf32, #tpu.memory_space<vmem>>)
      %mul3A_66 = arith.constant 256 : i32
      %mul3A_67 = arith.muli %add3A_62, %mul3A_66 : i32
      "tpu.region"() ({
        %run_scoped3A = tpu.sem_alloc : memref<!tpu.dma_semaphore, #tpu.memory_space<semaphore_mem>>
        %dma_start3A_68 = arith.constant 0 : i32
        %dma_start3A_69 = tpu.memref_slice %arg4[%mul3A_67, %dma_start3A_68] : memref<65536x128xf32, #tpu.memory_space<hbm>> -> memref<256x128xf32, #tpu.memory_space<hbm>>
        %dma_start3A_70 = arith.constant 0 : i32
        %dma_start3A_71 = tpu.memref_slice %arg4[%mul3A_67, %dma_start3A_70] : memref<65536x128xf32, #tpu.memory_space<hbm>> -> memref<256x128xf32, #tpu.memory_space<hbm>>
        tpu.enqueue_dma source(%arg8 : memref<256x128xf32, #tpu.memory_space<vmem>>) target(%dma_start3A_71 : memref<256x128xf32, #tpu.memory_space<hbm>>) target_semaphore(%run_scoped3A : memref<!tpu.dma_semaphore, #tpu.memory_space<semaphore_mem>>)
        %dma_wait3A_72 = arith.constant 0 : i32
        %dma_wait3A_73 = tpu.memref_slice %arg4[%mul3A_67, %dma_wait3A_72] : memref<65536x128xf32, #tpu.memory_space<hbm>> -> memref<256x128xf32, #tpu.memory_space<hbm>>
        %dma_wait3A_74 = arith.constant 0 : i32
        %dma_wait3A_75 = tpu.memref_slice %arg4[%mul3A_67, %dma_wait3A_74] : memref<65536x128xf32, #tpu.memory_space<hbm>> -> memref<256x128xf32, #tpu.memory_space<hbm>>
        tpu.wait_dma2 semaphore(%run_scoped3A : memref<!tpu.dma_semaphore, #tpu.memory_space<semaphore_mem>>) src(%arg8 : memref<256x128xf32, #tpu.memory_space<vmem>>) dst(%dma_wait3A_75 : memref<256x128xf32, #tpu.memory_space<hbm>>)
        tpu.yield
      }) : () -> ()
    }
    %scan3A_10 = arith.constant 3 : i32
    %add3A_11 = arith.constant 8 : i32
    %add3A_12 = arith.addi %mul3A_2, %add3A_11 : i32
    %sub3A = arith.constant 1 : i32
    %sub3A_13 = arith.subi %add3A_12, %sub3A : i32
    %mul3A_14 = arith.constant 256 : i32
    %mul3A_15 = arith.muli %sub3A_13, %mul3A_14 : i32
    "tpu.region"() ({
      %run_scoped3A = tpu.sem_alloc : memref<!tpu.dma_semaphore, #tpu.memory_space<semaphore_mem>>
      %dma_start3A_36 = tpu.memref_slice %arg3[%mul3A_15] : memref<65536xi32, #tpu.memory_space<hbm>> -> memref<256xi32, #tpu.memory_space<hbm>>
      %dma_start3A_37 = tpu.memref_slice %arg3[%mul3A_15] : memref<65536xi32, #tpu.memory_space<hbm>> -> memref<256xi32, #tpu.memory_space<hbm>>
      tpu.enqueue_dma source(%dma_start3A_37 : memref<256xi32, #tpu.memory_space<hbm>>) target(%arg6 : memref<256xi32, #tpu.memory_space<vmem>>) target_semaphore(%run_scoped3A : memref<!tpu.dma_semaphore, #tpu.memory_space<semaphore_mem>>)
      %dma_wait3A_38 = tpu.memref_slice %arg3[%mul3A_15] : memref<65536xi32, #tpu.memory_space<hbm>> -> memref<256xi32, #tpu.memory_space<hbm>>
      %dma_wait3A_39 = tpu.memref_slice %arg3[%mul3A_15] : memref<65536xi32, #tpu.memory_space<hbm>> -> memref<256xi32, #tpu.memory_space<hbm>>
      tpu.wait_dma2 semaphore(%run_scoped3A : memref<!tpu.dma_semaphore, #tpu.memory_space<semaphore_mem>>) src(%dma_wait3A_39 : memref<256xi32, #tpu.memory_space<hbm>>) dst(%arg6 : memref<256xi32, #tpu.memory_space<vmem>>)
      tpu.yield
    }) : () -> ()
    %dma_start3A_16 = arith.constant 0 : i32
    %dma_start3A_17 = arith.constant 0 : i32
    %dma_start3A_18 = tpu.memref_slice %arg2[%dma_start3A_16, %dma_start3A_17] : memref<4096x128xf32, #tpu.memory_space<hbm>> -> memref<4096x128xf32, #tpu.memory_space<hbm>>
    tpu.enqueue_indirect_dma source(%dma_start3A_18 : memref<4096x128xf32, #tpu.memory_space<hbm>>) target(%arg8 : memref<256x128xf32, #tpu.memory_space<vmem>>) offsets(%arg6 : memref<256xi32, #tpu.memory_space<vmem>>) semaphore(%arg10 : memref<!tpu.dma_semaphore, #tpu.memory_space<semaphore_mem>>)
    %add3A_19 = arith.constant 8 : i32
    %add3A_20 = arith.addi %mul3A_2, %add3A_19 : i32
    %sub3A_21 = arith.constant 2 : i32
    %sub3A_22 = arith.subi %add3A_20, %sub3A_21 : i32
    %dma_wait3A = arith.constant 0 : i32
    %dma_wait3A_23 = arith.constant 0 : i32
    %dma_wait3A_24 = tpu.memref_slice %arg2[%dma_wait3A, %dma_wait3A_23] : memref<4096x128xf32, #tpu.memory_space<hbm>> -> memref<4096x128xf32, #tpu.memory_space<hbm>>
    tpu.wait_indirect_dma semaphore(%arg9 : memref<!tpu.dma_semaphore, #tpu.memory_space<semaphore_mem>>) src(%dma_wait3A_24 : memref<4096x128xf32, #tpu.memory_space<hbm>>) dst(%arg7 : memref<256x128xf32, #tpu.memory_space<vmem>>)
    %mul3A_25 = arith.constant 256 : i32
    %mul3A_26 = arith.muli %sub3A_22, %mul3A_25 : i32
    "tpu.region"() ({
      %run_scoped3A = tpu.sem_alloc : memref<!tpu.dma_semaphore, #tpu.memory_space<semaphore_mem>>
      %dma_start3A_36 = arith.constant 0 : i32
      %dma_start3A_37 = tpu.memref_slice %arg4[%mul3A_26, %dma_start3A_36] : memref<65536x128xf32, #tpu.memory_space<hbm>> -> memref<256x128xf32, #tpu.memory_space<hbm>>
      %dma_start3A_38 = arith.constant 0 : i32
      %dma_start3A_39 = tpu.memref_slice %arg4[%mul3A_26, %dma_start3A_38] : memref<65536x128xf32, #tpu.memory_space<hbm>> -> memref<256x128xf32, #tpu.memory_space<hbm>>
      tpu.enqueue_dma source(%arg7 : memref<256x128xf32, #tpu.memory_space<vmem>>) target(%dma_start3A_39 : memref<256x128xf32, #tpu.memory_space<hbm>>) target_semaphore(%run_scoped3A : memref<!tpu.dma_semaphore, #tpu.memory_space<semaphore_mem>>)
      %dma_wait3A_40 = arith.constant 0 : i32
      %dma_wait3A_41 = tpu.memref_slice %arg4[%mul3A_26, %dma_wait3A_40] : memref<65536x128xf32, #tpu.memory_space<hbm>> -> memref<256x128xf32, #tpu.memory_space<hbm>>
      %dma_wait3A_42 = arith.constant 0 : i32
      %dma_wait3A_43 = tpu.memref_slice %arg4[%mul3A_26, %dma_wait3A_42] : memref<65536x128xf32, #tpu.memory_space<hbm>> -> memref<256x128xf32, #tpu.memory_space<hbm>>
      tpu.wait_dma2 semaphore(%run_scoped3A : memref<!tpu.dma_semaphore, #tpu.memory_space<semaphore_mem>>) src(%arg7 : memref<256x128xf32, #tpu.memory_space<vmem>>) dst(%dma_wait3A_43 : memref<256x128xf32, #tpu.memory_space<hbm>>)
      tpu.yield
    }) : () -> ()
    %add3A_27 = arith.constant 8 : i32
    %add3A_28 = arith.addi %mul3A_2, %add3A_27 : i32
    %sub3A_29 = arith.constant 1 : i32
    %sub3A_30 = arith.subi %add3A_28, %sub3A_29 : i32
    %dma_wait3A_31 = arith.constant 0 : i32
    %dma_wait3A_32 = arith.constant 0 : i32
    %dma_wait3A_33 = tpu.memref_slice %arg2[%dma_wait3A_31, %dma_wait3A_32] : memref<4096x128xf32, #tpu.memory_space<hbm>> -> memref<4096x128xf32, #tpu.memory_space<hbm>>
    tpu.wait_indirect_dma semaphore(%arg10 : memref<!tpu.dma_semaphore, #tpu.memory_space<semaphore_mem>>) src(%dma_wait3A_33 : memref<4096x128xf32, #tpu.memory_space<hbm>>) dst(%arg8 : memref<256x128xf32, #tpu.memory_space<vmem>>)
    %mul3A_34 = arith.constant 256 : i32
    %mul3A_35 = arith.muli %sub3A_30, %mul3A_34 : i32
    "tpu.region"() ({
      %run_scoped3A = tpu.sem_alloc : memref<!tpu.dma_semaphore, #tpu.memory_space<semaphore_mem>>
      %dma_start3A_36 = arith.constant 0 : i32
      %dma_start3A_37 = tpu.memref_slice %arg4[%mul3A_35, %dma_start3A_36] : memref<65536x128xf32, #tpu.memory_space<hbm>> -> memref<256x128xf32, #tpu.memory_space<hbm>>
      %dma_start3A_38 = arith.constant 0 : i32
      %dma_start3A_39 = tpu.memref_slice %arg4[%mul3A_35, %dma_start3A_38] : memref<65536x128xf32, #tpu.memory_space<hbm>> -> memref<256x128xf32, #tpu.memory_space<hbm>>
      tpu.enqueue_dma source(%arg8 : memref<256x128xf32, #tpu.memory_space<vmem>>) target(%dma_start3A_39 : memref<256x128xf32, #tpu.memory_space<hbm>>) target_semaphore(%run_scoped3A : memref<!tpu.dma_semaphore, #tpu.memory_space<semaphore_mem>>)
      %dma_wait3A_40 = arith.constant 0 : i32
      %dma_wait3A_41 = tpu.memref_slice %arg4[%mul3A_35, %dma_wait3A_40] : memref<65536x128xf32, #tpu.memory_space<hbm>> -> memref<256x128xf32, #tpu.memory_space<hbm>>
      %dma_wait3A_42 = arith.constant 0 : i32
      %dma_wait3A_43 = tpu.memref_slice %arg4[%mul3A_35, %dma_wait3A_42] : memref<65536x128xf32, #tpu.memory_space<hbm>> -> memref<256x128xf32, #tpu.memory_space<hbm>>
      tpu.wait_dma2 semaphore(%run_scoped3A : memref<!tpu.dma_semaphore, #tpu.memory_space<semaphore_mem>>) src(%arg8 : memref<256x128xf32, #tpu.memory_space<vmem>>) dst(%dma_wait3A_43 : memref<256x128xf32, #tpu.memory_space<hbm>>)
      tpu.yield
    }) : () -> ()
    return
  }
}

module attributes {stable_mosaic.version = 14 : i64} {
  func.func @_p3_body(%arg0: i32, %arg1: memref<2048x128xf32, #tpu.memory_space<vmem>>, %arg2: memref<128x64xf32, #tpu.memory_space<vmem>>, %arg3: memref<1x8x64xf32, #tpu.memory_space<vmem>>) attributes {dimension_semantics = [#tpu.dimension_semantics<parallel>], iteration_bounds = array<i64: 32>, scalar_prefetch = 0 : i64, scratch_operands = 0 : i64, tpu.core_type = #tpu.core_type<tc>, window_params = [{transform_indices = @transform_0, window_bounds = array<i64: 2048, 128>}, {transform_indices = @transform_1, window_bounds = array<i64: 128, 64>}, {transform_indices = @transform_2, window_bounds = array<i64: 1, 8, 64>}]} {
    %get3A = arith.constant 0 : index
    %get3A_0 = arith.constant 0 : index
    %get3A_1 = vector.load %arg2[%get3A, %get3A_0] : memref<128x64xf32, #tpu.memory_space<vmem>>, vector<128x64xf32>
    %broadcast_in_dim3A = vector.shape_cast %get3A_1 : vector<128x64xf32> to vector<128x1x64xf32>
    %broadcast_in_dim3A_2 = vector.shape_cast %broadcast_in_dim3A : vector<128x1x64xf32> to vector<128x1x64xf32>
    %broadcast_in_dim3A_3 = vector.broadcast %broadcast_in_dim3A_2 : vector<128x1x64xf32> to vector<128x16x64xf32>
    %reshape3A = vector.shape_cast %broadcast_in_dim3A_3 : vector<128x16x64xf32> to vector<2048x64xf32>
    %get3A_4 = arith.constant 0 : index
    %get3A_5 = arith.constant 0 : index
    %get3A_6 = vector.load %arg1[%get3A_4, %get3A_5] : memref<2048x128xf32, #tpu.memory_space<vmem>>, vector<2048x64xf32>
    %sub3A = arith.subf %reshape3A, %get3A_6 : vector<2048x64xf32>
    %reduce_sum3A = arith.constant dense<0.000000e+00> : vector<64xf32>
    %reduce_sum3A_7 = vector.multi_reduction <add>, %sub3A, %reduce_sum3A [0] : vector<2048x64xf32> to vector<64xf32>
    %broadcast_in_dim3A_8 = vector.shape_cast %reduce_sum3A_7 : vector<64xf32> to vector<1x64xf32>
    %mul3A = arith.mulf %sub3A, %sub3A : vector<2048x64xf32>
    %reduce_sum3A_9 = arith.constant dense<0.000000e+00> : vector<64xf32>
    %reduce_sum3A_10 = vector.multi_reduction <add>, %mul3A, %reduce_sum3A_9 [0] : vector<2048x64xf32> to vector<64xf32>
    %broadcast_in_dim3A_11 = vector.shape_cast %reduce_sum3A_10 : vector<64xf32> to vector<1x64xf32>
    %broadcast_in_dim3A_12 = arith.constant 0.000000e+00 : f32
    %broadcast_in_dim3A_13 = vector.broadcast %broadcast_in_dim3A_12 : f32 to vector<6x64xf32>
    %concatenate3A = tpu.concatenate %broadcast_in_dim3A_8, %broadcast_in_dim3A_11, %broadcast_in_dim3A_13 in 0 : vector<1x64xf32>, vector<1x64xf32>, vector<6x64xf32> -> vector<8x64xf32>
    %swap3A = arith.constant 0 : index
    %swap3A_14 = arith.constant 0 : index
    %swap3A_15 = arith.constant 0 : index
    %swap3A_16 = vector.load %arg3[%swap3A, %swap3A_14, %swap3A_15] : memref<1x8x64xf32, #tpu.memory_space<vmem>>, vector<1x8x64xf32>
    %swap3A_17 = vector.shape_cast %swap3A_16 : vector<1x8x64xf32> to vector<8x64xf32>
    %swap3A_18 = vector.shape_cast %concatenate3A : vector<8x64xf32> to vector<1x8x64xf32>
    tpu.vector_store %arg3[%swap3A, %swap3A_14, %swap3A_15], %swap3A_18 {strides = array<i32>} : memref<1x8x64xf32, #tpu.memory_space<vmem>>, vector<1x8x64xf32>,
    return
  }
  func.func @transform_0(%arg0: i32) -> (i32, i32) {
    %c0_i32 = arith.constant 0 : i32
    %c0_i32_0 = arith.constant 0 : i32
    return %arg0, %c0_i32 : i32, i32
  }
  func.func @transform_1(%arg0: i32) -> (i32, i32) {
    %c0_i32 = arith.constant 0 : i32
    %c0_i32_0 = arith.constant 0 : i32
    return %arg0, %c0_i32 : i32, i32
  }
  func.func @transform_2(%arg0: i32) -> (i32, i32, i32) {
    %c0_i32 = arith.constant 0 : i32
    %c0_i32_0 = arith.constant 0 : i32
    %c0_i32_1 = arith.constant 0 : i32
    return %arg0, %c0_i32, %c0_i32_0 : i32, i32, i32
  }
}

module attributes {stable_mosaic.version = 14 : i64} {
  func.func @_p1_body(%arg0: i32, %arg1: i32, %arg2: memref<1x64x2048xf32, #tpu.memory_space<vmem>>, %arg3: memref<64x64xf32, #tpu.memory_space<vmem>>, %arg4: memref<64x64xf32, #tpu.memory_space<vmem>>, %arg5: memref<1x256x16xi32, #tpu.memory_space<vmem>>, %arg6: memref<1x2048x128xf32, #tpu.memory_space<vmem>>, %arg7: memref<1x2048x64xf32, #tpu.memory_space<vmem>>) attributes {dimension_semantics = [#tpu.dimension_semantics<parallel>, #tpu.dimension_semantics<arbitrary>], iteration_bounds = array<i64: 2, 8>, scalar_prefetch = 0 : i64, scratch_operands = 0 : i64, tpu.core_type = #tpu.core_type<tc>, window_params = [{transform_indices = @transform_0, window_bounds = array<i64: 1, 64, 2048>}, {pipeline_mode = #tpu.pipeline_mode<synchronous>, transform_indices = @transform_1, window_bounds = array<i64: 64, 64>}, {pipeline_mode = #tpu.pipeline_mode<synchronous>, transform_indices = @transform_2, window_bounds = array<i64: 64, 64>}, {transform_indices = @transform_3, window_bounds = array<i64: 1, 256, 16>}, {transform_indices = @transform_4, window_bounds = array<i64: 1, 2048, 128>}, {transform_indices = @transform_5, window_bounds = array<i64: 1, 2048, 64>}]} {
    %get3A = arith.constant 0 : index
    %get3A_0 = arith.constant 0 : index
    %get3A_1 = arith.constant 0 : index
    %get3A_2 = vector.load %arg2[%get3A, %get3A_0, %get3A_1] : memref<1x64x2048xf32, #tpu.memory_space<vmem>>, vector<1x64x2048xf32>
    %get3A_3 = vector.shape_cast %get3A_2 : vector<1x64x2048xf32> to vector<64x2048xf32>
    %eq3A = arith.constant 0 : i32
    %eq3A_4 = arith.cmpi eq, %arg1, %eq3A : i32
    %convert_element_type3A = arith.extui %eq3A_4 : i1 to i32
    %cond3A = arith.constant 0 : i32
    %cond3A_5 = arith.cmpi ne, %convert_element_type3A, %cond3A : i32
    scf.if %cond3A_5 {
      %get3A_244 = arith.constant 0 : index
      %get3A_245 = arith.constant 0 : index
      %get3A_246 = vector.load %arg3[%get3A_244, %get3A_245] : memref<64x64xf32, #tpu.memory_space<vmem>>, vector<64x64xf32>
      %dot_general3A_247 = arith.constant dense<0.000000e+00> : vector<2048x64xf32>
      %dot_general3A_248 = tpu.matmul %get3A_3, %get3A_246, %dot_general3A_247 {dimension_numbers = #tpu.dot_dimension_numbers<[0], [1], [1], [0], [0, 1, 1, 0], [], []>, transpose_lhs_hint = false} : vector<64x2048xf32>, vector<64x64xf32>, vector<2048x64xf32> -> vector<2048x64xf32>
      %broadcast_in_dim3A_249 = arith.constant 0.000000e+00 : f32
      %broadcast_in_dim3A_250 = vector.broadcast %broadcast_in_dim3A_249 : f32 to vector<2048x64xf32>
      %concatenate3A_251 = tpu.concatenate %dot_general3A_248, %broadcast_in_dim3A_250 in 1 : vector<2048x64xf32>, vector<2048x64xf32> -> vector<2048x128xf32>
      %swap3A_252 = arith.constant 0 : index
      %swap3A_253 = arith.constant 0 : index
      %swap3A_254 = arith.constant 0 : index
      %swap3A_255 = vector.load %arg6[%swap3A_252, %swap3A_253, %swap3A_254] : memref<1x2048x128xf32, #tpu.memory_space<vmem>>, vector<1x2048x128xf32>
      %swap3A_256 = vector.shape_cast %swap3A_255 : vector<1x2048x128xf32> to vector<2048x128xf32>
      %swap3A_257 = vector.shape_cast %concatenate3A_251 : vector<2048x128xf32> to vector<1x2048x128xf32>
      tpu.vector_store %arg6[%swap3A_252, %swap3A_253, %swap3A_254], %swap3A_257 {strides = array<i32>} : memref<1x2048x128xf32, #tpu.memory_space<vmem>>, vector<1x2048x128xf32>,
      %get3A_258 = arith.constant 0 : index
      %get3A_259 = arith.constant 0 : index
      %get3A_260 = vector.load %arg4[%get3A_258, %get3A_259] : memref<64x64xf32, #tpu.memory_space<vmem>>, vector<64x64xf32>
      %dot_general3A_261 = arith.constant dense<0.000000e+00> : vector<2048x64xf32>
      %dot_general3A_262 = tpu.matmul %get3A_3, %get3A_260, %dot_general3A_261 {dimension_numbers = #tpu.dot_dimension_numbers<[0], [1], [1], [0], [0, 1, 1, 0], [], []>, transpose_lhs_hint = false} : vector<64x2048xf32>, vector<64x64xf32>, vector<2048x64xf32> -> vector<2048x64xf32>
      %swap3A_263 = arith.constant 0 : index
      %swap3A_264 = arith.constant 0 : index
      %swap3A_265 = arith.constant 0 : index
      %swap3A_266 = vector.load %arg7[%swap3A_263, %swap3A_264, %swap3A_265] : memref<1x2048x64xf32, #tpu.memory_space<vmem>>, vector<1x2048x64xf32>
      %swap3A_267 = vector.shape_cast %swap3A_266 : vector<1x2048x64xf32> to vector<2048x64xf32>
      %swap3A_268 = vector.shape_cast %dot_general3A_262 : vector<2048x64xf32> to vector<1x2048x64xf32>
      tpu.vector_store %arg7[%swap3A_263, %swap3A_264, %swap3A_265], %swap3A_268 {strides = array<i32>} : memref<1x2048x64xf32, #tpu.memory_space<vmem>>, vector<1x2048x64xf32>,
    } else {
    }
    %mul3A = arith.constant 256 : i32
    %mul3A_6 = arith.muli %arg1, %mul3A : i32
    %get3A_7 = arith.constant 0 : index
    %get3A_8 = arith.constant 0 : index
    %get3A_9 = arith.index_cast %mul3A_6 : i32 to index
    %get3A_10 = vector.load %arg2[%get3A_7, %get3A_8, %get3A_9] : memref<1x64x2048xf32, #tpu.memory_space<vmem>>, vector<1x64x256xf32>
    %get3A_11 = vector.shape_cast %get3A_10 : vector<1x64x256xf32> to vector<64x256xf32>
    %dot_general3A = arith.constant dense<0.000000e+00> : vector<256x2048xf32>
    %dot_general3A_12 = tpu.matmul %get3A_11, %get3A_3, %dot_general3A {dimension_numbers = #tpu.dot_dimension_numbers<[0], [0], [1], [1], [0, 1, 1, 1], [], []>, transpose_lhs_hint = false} : vector<64x256xf32>, vector<64x2048xf32>, vector<256x2048xf32> -> vector<256x2048xf32>
    %mul3A_13 = arith.mulf %get3A_3, %get3A_3 : vector<64x2048xf32>
    %reduce_sum3A = arith.constant dense<0.000000e+00> : vector<2048xf32>
    %reduce_sum3A_14 = vector.multi_reduction <add>, %mul3A_13, %reduce_sum3A [0] : vector<64x2048xf32> to vector<2048xf32>
    %broadcast_in_dim3A = vector.shape_cast %reduce_sum3A_14 : vector<2048xf32> to vector<1x2048xf32>
    %mul3A_15 = arith.constant 2.000000e+00 : f32
    %mul3A_16 = vector.broadcast %mul3A_15 : f32 to vector<256x2048xf32>
    %mul3A_17 = arith.mulf %mul3A_16, %dot_general3A_12 : vector<256x2048xf32>
    %sub3A = vector.broadcast %broadcast_in_dim3A : vector<1x2048xf32> to vector<256x2048xf32>
    %sub3A_18 = arith.subf %sub3A, %mul3A_17 : vector<256x2048xf32>
    %iota3A = tpu.iota {dimensions = array<i32: 1>} : vector<256x2048xi32>
    %reduce_min3A = arith.constant dense<0x7F800000> : vector<256xf32>
    %reduce_min3A_19 = vector.multi_reduction <minimumf>, %sub3A_18, %reduce_min3A [1] : vector<256x2048xf32> to vector<256xf32>
    %broadcast_in_dim3A_20 = vector.shape_cast %reduce_min3A_19 : vector<256xf32> to vector<256x1xf32>
    %le3A = vector.broadcast %broadcast_in_dim3A_20 : vector<256x1xf32> to vector<256x2048xf32>
    %le3A_21 = arith.cmpf ole, %sub3A_18, %le3A : vector<256x2048xf32>
    %jit3A = arith.constant 2048 : i32
    %broadcast_in_dim3A_22 = vector.broadcast %jit3A : i32 to vector<256x2048xi32>
    %select_n3A = arith.select %le3A_21, %iota3A, %broadcast_in_dim3A_22 : vector<256x2048xi1>, vector<256x2048xi32>
    %reduce_min3A_23 = arith.constant dense<2147483647> : vector<256xi32>
    %reduce_min3A_24 = vector.multi_reduction <minsi>, %select_n3A, %reduce_min3A_23 [1] : vector<256x2048xi32> to vector<256xi32>
    %broadcast_in_dim3A_25 = vector.shape_cast %reduce_min3A_24 : vector<256xi32> to vector<256x1xi32>
    %jit3A_26 = arith.constant 3.000000e+38 : f32
    %broadcast_in_dim3A_27 = vector.broadcast %jit3A_26 : f32 to vector<256x2048xf32>
    %select_n3A_28 = arith.select %le3A_21, %broadcast_in_dim3A_27, %sub3A_18 : vector<256x2048xi1>, vector<256x2048xf32>
    %reduce_min3A_29 = arith.constant dense<0x7F800000> : vector<256xf32>
    %reduce_min3A_30 = vector.multi_reduction <minimumf>, %select_n3A_28, %reduce_min3A_29 [1] : vector<256x2048xf32> to vector<256xf32>
    %broadcast_in_dim3A_31 = vector.shape_cast %reduce_min3A_30 : vector<256xf32> to vector<256x1xf32>
    %le3A_32 = vector.broadcast %broadcast_in_dim3A_31 : vector<256x1xf32> to vector<256x2048xf32>
    %le3A_33 = arith.cmpf ole, %select_n3A_28, %le3A_32 : vector<256x2048xf32>
    %jit3A_34 = arith.constant 2048 : i32
    %broadcast_in_dim3A_35 = vector.broadcast %jit3A_34 : i32 to vector<256x2048xi32>
    %select_n3A_36 = arith.select %le3A_33, %iota3A, %broadcast_in_dim3A_35 : vector<256x2048xi1>, vector<256x2048xi32>
    %reduce_min3A_37 = arith.constant dense<2147483647> : vector<256xi32>
    %reduce_min3A_38 = vector.multi_reduction <minsi>, %select_n3A_36, %reduce_min3A_37 [1] : vector<256x2048xi32> to vector<256xi32>
    %broadcast_in_dim3A_39 = vector.shape_cast %reduce_min3A_38 : vector<256xi32> to vector<256x1xi32>
    %jit3A_40 = arith.constant 3.000000e+38 : f32
    %broadcast_in_dim3A_41 = vector.broadcast %jit3A_40 : f32 to vector<256x2048xf32>
    %select_n3A_42 = arith.select %le3A_33, %broadcast_in_dim3A_41, %select_n3A_28 : vector<256x2048xi1>, vector<256x2048xf32>
    %reduce_min3A_43 = arith.constant dense<0x7F800000> : vector<256xf32>
    %reduce_min3A_44 = vector.multi_reduction <minimumf>, %select_n3A_42, %reduce_min3A_43 [1] : vector<256x2048xf32> to vector<256xf32>
    %broadcast_in_dim3A_45 = vector.shape_cast %reduce_min3A_44 : vector<256xf32> to vector<256x1xf32>
    %le3A_46 = vector.broadcast %broadcast_in_dim3A_45 : vector<256x1xf32> to vector<256x2048xf32>
    %le3A_47 = arith.cmpf ole, %select_n3A_42, %le3A_46 : vector<256x2048xf32>
    %jit3A_48 = arith.constant 2048 : i32
    %broadcast_in_dim3A_49 = vector.broadcast %jit3A_48 : i32 to vector<256x2048xi32>
    %select_n3A_50 = arith.select %le3A_47, %iota3A, %broadcast_in_dim3A_49 : vector<256x2048xi1>, vector<256x2048xi32>
    %reduce_min3A_51 = arith.constant dense<2147483647> : vector<256xi32>
    %reduce_min3A_52 = vector.multi_reduction <minsi>, %select_n3A_50, %reduce_min3A_51 [1] : vector<256x2048xi32> to vector<256xi32>
    %broadcast_in_dim3A_53 = vector.shape_cast %reduce_min3A_52 : vector<256xi32> to vector<256x1xi32>
    %jit3A_54 = arith.constant 3.000000e+38 : f32
    %broadcast_in_dim3A_55 = vector.broadcast %jit3A_54 : f32 to vector<256x2048xf32>
    %select_n3A_56 = arith.select %le3A_47, %broadcast_in_dim3A_55, %select_n3A_42 : vector<256x2048xi1>, vector<256x2048xf32>
    %reduce_min3A_57 = arith.constant dense<0x7F800000> : vector<256xf32>
    %reduce_min3A_58 = vector.multi_reduction <minimumf>, %select_n3A_56, %reduce_min3A_57 [1] : vector<256x2048xf32> to vector<256xf32>
    %broadcast_in_dim3A_59 = vector.shape_cast %reduce_min3A_58 : vector<256xf32> to vector<256x1xf32>
    %le3A_60 = vector.broadcast %broadcast_in_dim3A_59 : vector<256x1xf32> to vector<256x2048xf32>
    %le3A_61 = arith.cmpf ole, %select_n3A_56, %le3A_60 : vector<256x2048xf32>
    %jit3A_62 = arith.constant 2048 : i32
    %broadcast_in_dim3A_63 = vector.broadcast %jit3A_62 : i32 to vector<256x2048xi32>
    %select_n3A_64 = arith.select %le3A_61, %iota3A, %broadcast_in_dim3A_63 : vector<256x2048xi1>, vector<256x2048xi32>
    %reduce_min3A_65 = arith.constant dense<2147483647> : vector<256xi32>
    %reduce_min3A_66 = vector.multi_reduction <minsi>, %select_n3A_64, %reduce_min3A_65 [1] : vector<256x2048xi32> to vector<256xi32>
    %broadcast_in_dim3A_67 = vector.shape_cast %reduce_min3A_66 : vector<256xi32> to vector<256x1xi32>
    %jit3A_68 = arith.constant 3.000000e+38 : f32
    %broadcast_in_dim3A_69 = vector.broadcast %jit3A_68 : f32 to vector<256x2048xf32>
    %select_n3A_70 = arith.select %le3A_61, %broadcast_in_dim3A_69, %select_n3A_56 : vector<256x2048xi1>, vector<256x2048xf32>
    %reduce_min3A_71 = arith.constant dense<0x7F800000> : vector<256xf32>
    %reduce_min3A_72 = vector.multi_reduction <minimumf>, %select_n3A_70, %reduce_min3A_71 [1] : vector<256x2048xf32> to vector<256xf32>
    %broadcast_in_dim3A_73 = vector.shape_cast %reduce_min3A_72 : vector<256xf32> to vector<256x1xf32>
    %le3A_74 = vector.broadcast %broadcast_in_dim3A_73 : vector<256x1xf32> to vector<256x2048xf32>
    %le3A_75 = arith.cmpf ole, %select_n3A_70, %le3A_74 : vector<256x2048xf32>
    %jit3A_76 = arith.constant 2048 : i32
    %broadcast_in_dim3A_77 = vector.broadcast %jit3A_76 : i32 to vector<256x2048xi32>
    %select_n3A_78 = arith.select %le3A_75, %iota3A, %broadcast_in_dim3A_77 : vector<256x2048xi1>, vector<256x2048xi32>
    %reduce_min3A_79 = arith.constant dense<2147483647> : vector<256xi32>
    %reduce_min3A_80 = vector.multi_reduction <minsi>, %select_n3A_78, %reduce_min3A_79 [1] : vector<256x2048xi32> to vector<256xi32>
    %broadcast_in_dim3A_81 = vector.shape_cast %reduce_min3A_80 : vector<256xi32> to vector<256x1xi32>
    %jit3A_82 = arith.constant 3.000000e+38 : f32
    %broadcast_in_dim3A_83 = vector.broadcast %jit3A_82 : f32 to vector<256x2048xf32>
    %select_n3A_84 = arith.select %le3A_75, %broadcast_in_dim3A_83, %select_n3A_70 : vector<256x2048xi1>, vector<256x2048xf32>
    %reduce_min3A_85 = arith.constant dense<0x7F800000> : vector<256xf32>
    %reduce_min3A_86 = vector.multi_reduction <minimumf>, %select_n3A_84, %reduce_min3A_85 [1] : vector<256x2048xf32> to vector<256xf32>
    %broadcast_in_dim3A_87 = vector.shape_cast %reduce_min3A_86 : vector<256xf32> to vector<256x1xf32>
    %le3A_88 = vector.broadcast %broadcast_in_dim3A_87 : vector<256x1xf32> to vector<256x2048xf32>
    %le3A_89 = arith.cmpf ole, %select_n3A_84, %le3A_88 : vector<256x2048xf32>
    %jit3A_90 = arith.constant 2048 : i32
    %broadcast_in_dim3A_91 = vector.broadcast %jit3A_90 : i32 to vector<256x2048xi32>
    %select_n3A_92 = arith.select %le3A_89, %iota3A, %broadcast_in_dim3A_91 : vector<256x2048xi1>, vector<256x2048xi32>
    %reduce_min3A_93 = arith.constant dense<2147483647> : vector<256xi32>
    %reduce_min3A_94 = vector.multi_reduction <minsi>, %select_n3A_92, %reduce_min3A_93 [1] : vector<256x2048xi32> to vector<256xi32>
    %broadcast_in_dim3A_95 = vector.shape_cast %reduce_min3A_94 : vector<256xi32> to vector<256x1xi32>
    %jit3A_96 = arith.constant 3.000000e+38 : f32
    %broadcast_in_dim3A_97 = vector.broadcast %jit3A_96 : f32 to vector<256x2048xf32>
    %select_n3A_98 = arith.select %le3A_89, %broadcast_in_dim3A_97, %select_n3A_84 : vector<256x2048xi1>, vector<256x2048xf32>
    %reduce_min3A_99 = arith.constant dense<0x7F800000> : vector<256xf32>
    %reduce_min3A_100 = vector.multi_reduction <minimumf>, %select_n3A_98, %reduce_min3A_99 [1] : vector<256x2048xf32> to vector<256xf32>
    %broadcast_in_dim3A_101 = vector.shape_cast %reduce_min3A_100 : vector<256xf32> to vector<256x1xf32>
    %le3A_102 = vector.broadcast %broadcast_in_dim3A_101 : vector<256x1xf32> to vector<256x2048xf32>
    %le3A_103 = arith.cmpf ole, %select_n3A_98, %le3A_102 : vector<256x2048xf32>
    %jit3A_104 = arith.constant 2048 : i32
    %broadcast_in_dim3A_105 = vector.broadcast %jit3A_104 : i32 to vector<256x2048xi32>
    %select_n3A_106 = arith.select %le3A_103, %iota3A, %broadcast_in_dim3A_105 : vector<256x2048xi1>, vector<256x2048xi32>
    %reduce_min3A_107 = arith.constant dense<2147483647> : vector<256xi32>
    %reduce_min3A_108 = vector.multi_reduction <minsi>, %select_n3A_106, %reduce_min3A_107 [1] : vector<256x2048xi32> to vector<256xi32>
    %broadcast_in_dim3A_109 = vector.shape_cast %reduce_min3A_108 : vector<256xi32> to vector<256x1xi32>
    %jit3A_110 = arith.constant 3.000000e+38 : f32
    %broadcast_in_dim3A_111 = vector.broadcast %jit3A_110 : f32 to vector<256x2048xf32>
    %select_n3A_112 = arith.select %le3A_103, %broadcast_in_dim3A_111, %select_n3A_98 : vector<256x2048xi1>, vector<256x2048xf32>
    %reduce_min3A_113 = arith.constant dense<0x7F800000> : vector<256xf32>
    %reduce_min3A_114 = vector.multi_reduction <minimumf>, %select_n3A_112, %reduce_min3A_113 [1] : vector<256x2048xf32> to vector<256xf32>
    %broadcast_in_dim3A_115 = vector.shape_cast %reduce_min3A_114 : vector<256xf32> to vector<256x1xf32>
    %le3A_116 = vector.broadcast %broadcast_in_dim3A_115 : vector<256x1xf32> to vector<256x2048xf32>
    %le3A_117 = arith.cmpf ole, %select_n3A_112, %le3A_116 : vector<256x2048xf32>
    %jit3A_118 = arith.constant 2048 : i32
    %broadcast_in_dim3A_119 = vector.broadcast %jit3A_118 : i32 to vector<256x2048xi32>
    %select_n3A_120 = arith.select %le3A_117, %iota3A, %broadcast_in_dim3A_119 : vector<256x2048xi1>, vector<256x2048xi32>
    %reduce_min3A_121 = arith.constant dense<2147483647> : vector<256xi32>
    %reduce_min3A_122 = vector.multi_reduction <minsi>, %select_n3A_120, %reduce_min3A_121 [1] : vector<256x2048xi32> to vector<256xi32>
    %broadcast_in_dim3A_123 = vector.shape_cast %reduce_min3A_122 : vector<256xi32> to vector<256x1xi32>
    %jit3A_124 = arith.constant 3.000000e+38 : f32
    %broadcast_in_dim3A_125 = vector.broadcast %jit3A_124 : f32 to vector<256x2048xf32>
    %select_n3A_126 = arith.select %le3A_117, %broadcast_in_dim3A_125, %select_n3A_112 : vector<256x2048xi1>, vector<256x2048xf32>
    %reduce_min3A_127 = arith.constant dense<0x7F800000> : vector<256xf32>
    %reduce_min3A_128 = vector.multi_reduction <minimumf>, %select_n3A_126, %reduce_min3A_127 [1] : vector<256x2048xf32> to vector<256xf32>
    %broadcast_in_dim3A_129 = vector.shape_cast %reduce_min3A_128 : vector<256xf32> to vector<256x1xf32>
    %le3A_130 = vector.broadcast %broadcast_in_dim3A_129 : vector<256x1xf32> to vector<256x2048xf32>
    %le3A_131 = arith.cmpf ole, %select_n3A_126, %le3A_130 : vector<256x2048xf32>
    %jit3A_132 = arith.constant 2048 : i32
    %broadcast_in_dim3A_133 = vector.broadcast %jit3A_132 : i32 to vector<256x2048xi32>
    %select_n3A_134 = arith.select %le3A_131, %iota3A, %broadcast_in_dim3A_133 : vector<256x2048xi1>, vector<256x2048xi32>
    %reduce_min3A_135 = arith.constant dense<2147483647> : vector<256xi32>
    %reduce_min3A_136 = vector.multi_reduction <minsi>, %select_n3A_134, %reduce_min3A_135 [1] : vector<256x2048xi32> to vector<256xi32>
    %broadcast_in_dim3A_137 = vector.shape_cast %reduce_min3A_136 : vector<256xi32> to vector<256x1xi32>
    %jit3A_138 = arith.constant 3.000000e+38 : f32
    %broadcast_in_dim3A_139 = vector.broadcast %jit3A_138 : f32 to vector<256x2048xf32>
    %select_n3A_140 = arith.select %le3A_131, %broadcast_in_dim3A_139, %select_n3A_126 : vector<256x2048xi1>, vector<256x2048xf32>
    %reduce_min3A_141 = arith.constant dense<0x7F800000> : vector<256xf32>
    %reduce_min3A_142 = vector.multi_reduction <minimumf>, %select_n3A_140, %reduce_min3A_141 [1] : vector<256x2048xf32> to vector<256xf32>
    %broadcast_in_dim3A_143 = vector.shape_cast %reduce_min3A_142 : vector<256xf32> to vector<256x1xf32>
    %le3A_144 = vector.broadcast %broadcast_in_dim3A_143 : vector<256x1xf32> to vector<256x2048xf32>
    %le3A_145 = arith.cmpf ole, %select_n3A_140, %le3A_144 : vector<256x2048xf32>
    %jit3A_146 = arith.constant 2048 : i32
    %broadcast_in_dim3A_147 = vector.broadcast %jit3A_146 : i32 to vector<256x2048xi32>
    %select_n3A_148 = arith.select %le3A_145, %iota3A, %broadcast_in_dim3A_147 : vector<256x2048xi1>, vector<256x2048xi32>
    %reduce_min3A_149 = arith.constant dense<2147483647> : vector<256xi32>
    %reduce_min3A_150 = vector.multi_reduction <minsi>, %select_n3A_148, %reduce_min3A_149 [1] : vector<256x2048xi32> to vector<256xi32>
    %broadcast_in_dim3A_151 = vector.shape_cast %reduce_min3A_150 : vector<256xi32> to vector<256x1xi32>
    %jit3A_152 = arith.constant 3.000000e+38 : f32
    %broadcast_in_dim3A_153 = vector.broadcast %jit3A_152 : f32 to vector<256x2048xf32>
    %select_n3A_154 = arith.select %le3A_145, %broadcast_in_dim3A_153, %select_n3A_140 : vector<256x2048xi1>, vector<256x2048xf32>
    %reduce_min3A_155 = arith.constant dense<0x7F800000> : vector<256xf32>
    %reduce_min3A_156 = vector.multi_reduction <minimumf>, %select_n3A_154, %reduce_min3A_155 [1] : vector<256x2048xf32> to vector<256xf32>
    %broadcast_in_dim3A_157 = vector.shape_cast %reduce_min3A_156 : vector<256xf32> to vector<256x1xf32>
    %le3A_158 = vector.broadcast %broadcast_in_dim3A_157 : vector<256x1xf32> to vector<256x2048xf32>
    %le3A_159 = arith.cmpf ole, %select_n3A_154, %le3A_158 : vector<256x2048xf32>
    %jit3A_160 = arith.constant 2048 : i32
    %broadcast_in_dim3A_161 = vector.broadcast %jit3A_160 : i32 to vector<256x2048xi32>
    %select_n3A_162 = arith.select %le3A_159, %iota3A, %broadcast_in_dim3A_161 : vector<256x2048xi1>, vector<256x2048xi32>
    %reduce_min3A_163 = arith.constant dense<2147483647> : vector<256xi32>
    %reduce_min3A_164 = vector.multi_reduction <minsi>, %select_n3A_162, %reduce_min3A_163 [1] : vector<256x2048xi32> to vector<256xi32>
    %broadcast_in_dim3A_165 = vector.shape_cast %reduce_min3A_164 : vector<256xi32> to vector<256x1xi32>
    %jit3A_166 = arith.constant 3.000000e+38 : f32
    %broadcast_in_dim3A_167 = vector.broadcast %jit3A_166 : f32 to vector<256x2048xf32>
    %select_n3A_168 = arith.select %le3A_159, %broadcast_in_dim3A_167, %select_n3A_154 : vector<256x2048xi1>, vector<256x2048xf32>
    %reduce_min3A_169 = arith.constant dense<0x7F800000> : vector<256xf32>
    %reduce_min3A_170 = vector.multi_reduction <minimumf>, %select_n3A_168, %reduce_min3A_169 [1] : vector<256x2048xf32> to vector<256xf32>
    %broadcast_in_dim3A_171 = vector.shape_cast %reduce_min3A_170 : vector<256xf32> to vector<256x1xf32>
    %le3A_172 = vector.broadcast %broadcast_in_dim3A_171 : vector<256x1xf32> to vector<256x2048xf32>
    %le3A_173 = arith.cmpf ole, %select_n3A_168, %le3A_172 : vector<256x2048xf32>
    %jit3A_174 = arith.constant 2048 : i32
    %broadcast_in_dim3A_175 = vector.broadcast %jit3A_174 : i32 to vector<256x2048xi32>
    %select_n3A_176 = arith.select %le3A_173, %iota3A, %broadcast_in_dim3A_175 : vector<256x2048xi1>, vector<256x2048xi32>
    %reduce_min3A_177 = arith.constant dense<2147483647> : vector<256xi32>
    %reduce_min3A_178 = vector.multi_reduction <minsi>, %select_n3A_176, %reduce_min3A_177 [1] : vector<256x2048xi32> to vector<256xi32>
    %broadcast_in_dim3A_179 = vector.shape_cast %reduce_min3A_178 : vector<256xi32> to vector<256x1xi32>
    %jit3A_180 = arith.constant 3.000000e+38 : f32
    %broadcast_in_dim3A_181 = vector.broadcast %jit3A_180 : f32 to vector<256x2048xf32>
    %select_n3A_182 = arith.select %le3A_173, %broadcast_in_dim3A_181, %select_n3A_168 : vector<256x2048xi1>, vector<256x2048xf32>
    %reduce_min3A_183 = arith.constant dense<0x7F800000> : vector<256xf32>
    %reduce_min3A_184 = vector.multi_reduction <minimumf>, %select_n3A_182, %reduce_min3A_183 [1] : vector<256x2048xf32> to vector<256xf32>
    %broadcast_in_dim3A_185 = vector.shape_cast %reduce_min3A_184 : vector<256xf32> to vector<256x1xf32>
    %le3A_186 = vector.broadcast %broadcast_in_dim3A_185 : vector<256x1xf32> to vector<256x2048xf32>
    %le3A_187 = arith.cmpf ole, %select_n3A_182, %le3A_186 : vector<256x2048xf32>
    %jit3A_188 = arith.constant 2048 : i32
    %broadcast_in_dim3A_189 = vector.broadcast %jit3A_188 : i32 to vector<256x2048xi32>
    %select_n3A_190 = arith.select %le3A_187, %iota3A, %broadcast_in_dim3A_189 : vector<256x2048xi1>, vector<256x2048xi32>
    %reduce_min3A_191 = arith.constant dense<2147483647> : vector<256xi32>
    %reduce_min3A_192 = vector.multi_reduction <minsi>, %select_n3A_190, %reduce_min3A_191 [1] : vector<256x2048xi32> to vector<256xi32>
    %broadcast_in_dim3A_193 = vector.shape_cast %reduce_min3A_192 : vector<256xi32> to vector<256x1xi32>
    %jit3A_194 = arith.constant 3.000000e+38 : f32
    %broadcast_in_dim3A_195 = vector.broadcast %jit3A_194 : f32 to vector<256x2048xf32>
    %select_n3A_196 = arith.select %le3A_187, %broadcast_in_dim3A_195, %select_n3A_182 : vector<256x2048xi1>, vector<256x2048xf32>
    %reduce_min3A_197 = arith.constant dense<0x7F800000> : vector<256xf32>
    %reduce_min3A_198 = vector.multi_reduction <minimumf>, %select_n3A_196, %reduce_min3A_197 [1] : vector<256x2048xf32> to vector<256xf32>
    %broadcast_in_dim3A_199 = vector.shape_cast %reduce_min3A_198 : vector<256xf32> to vector<256x1xf32>
    %le3A_200 = vector.broadcast %broadcast_in_dim3A_199 : vector<256x1xf32> to vector<256x2048xf32>
    %le3A_201 = arith.cmpf ole, %select_n3A_196, %le3A_200 : vector<256x2048xf32>
    %jit3A_202 = arith.constant 2048 : i32
    %broadcast_in_dim3A_203 = vector.broadcast %jit3A_202 : i32 to vector<256x2048xi32>
    %select_n3A_204 = arith.select %le3A_201, %iota3A, %broadcast_in_dim3A_203 : vector<256x2048xi1>, vector<256x2048xi32>
    %reduce_min3A_205 = arith.constant dense<2147483647> : vector<256xi32>
    %reduce_min3A_206 = vector.multi_reduction <minsi>, %select_n3A_204, %reduce_min3A_205 [1] : vector<256x2048xi32> to vector<256xi32>
    %broadcast_in_dim3A_207 = vector.shape_cast %reduce_min3A_206 : vector<256xi32> to vector<256x1xi32>
    %jit3A_208 = arith.constant 3.000000e+38 : f32
    %broadcast_in_dim3A_209 = vector.broadcast %jit3A_208 : f32 to vector<256x2048xf32>
    %select_n3A_210 = arith.select %le3A_201, %broadcast_in_dim3A_209, %select_n3A_196 : vector<256x2048xi1>, vector<256x2048xf32>
    %reduce_min3A_211 = arith.constant dense<0x7F800000> : vector<256xf32>
    %reduce_min3A_212 = vector.multi_reduction <minimumf>, %select_n3A_210, %reduce_min3A_211 [1] : vector<256x2048xf32> to vector<256xf32>
    %broadcast_in_dim3A_213 = vector.shape_cast %reduce_min3A_212 : vector<256xf32> to vector<256x1xf32>
    %le3A_214 = vector.broadcast %broadcast_in_dim3A_213 : vector<256x1xf32> to vector<256x2048xf32>
    %le3A_215 = arith.cmpf ole, %select_n3A_210, %le3A_214 : vector<256x2048xf32>
    %jit3A_216 = arith.constant 2048 : i32
    %broadcast_in_dim3A_217 = vector.broadcast %jit3A_216 : i32 to vector<256x2048xi32>
    %select_n3A_218 = arith.select %le3A_215, %iota3A, %broadcast_in_dim3A_217 : vector<256x2048xi1>, vector<256x2048xi32>
    %reduce_min3A_219 = arith.constant dense<2147483647> : vector<256xi32>
    %reduce_min3A_220 = vector.multi_reduction <minsi>, %select_n3A_218, %reduce_min3A_219 [1] : vector<256x2048xi32> to vector<256xi32>
    %broadcast_in_dim3A_221 = vector.shape_cast %reduce_min3A_220 : vector<256xi32> to vector<256x1xi32>
    %jit3A_222 = arith.constant 3.000000e+38 : f32
    %broadcast_in_dim3A_223 = vector.broadcast %jit3A_222 : f32 to vector<256x2048xf32>
    %select_n3A_224 = arith.select %le3A_215, %broadcast_in_dim3A_223, %select_n3A_210 : vector<256x2048xi1>, vector<256x2048xf32>
    %reduce_min3A_225 = arith.constant dense<0x7F800000> : vector<256xf32>
    %reduce_min3A_226 = vector.multi_reduction <minimumf>, %select_n3A_224, %reduce_min3A_225 [1] : vector<256x2048xf32> to vector<256xf32>
    %broadcast_in_dim3A_227 = vector.shape_cast %reduce_min3A_226 : vector<256xf32> to vector<256x1xf32>
    %le3A_228 = vector.broadcast %broadcast_in_dim3A_227 : vector<256x1xf32> to vector<256x2048xf32>
    %le3A_229 = arith.cmpf ole, %select_n3A_224, %le3A_228 : vector<256x2048xf32>
    %jit3A_230 = arith.constant 2048 : i32
    %broadcast_in_dim3A_231 = vector.broadcast %jit3A_230 : i32 to vector<256x2048xi32>
    %select_n3A_232 = arith.select %le3A_229, %iota3A, %broadcast_in_dim3A_231 : vector<256x2048xi1>, vector<256x2048xi32>
    %reduce_min3A_233 = arith.constant dense<2147483647> : vector<256xi32>
    %reduce_min3A_234 = vector.multi_reduction <minsi>, %select_n3A_232, %reduce_min3A_233 [1] : vector<256x2048xi32> to vector<256xi32>
    %broadcast_in_dim3A_235 = vector.shape_cast %reduce_min3A_234 : vector<256xi32> to vector<256x1xi32>
    %concatenate3A = tpu.concatenate %broadcast_in_dim3A_25, %broadcast_in_dim3A_39, %broadcast_in_dim3A_53, %broadcast_in_dim3A_67, %broadcast_in_dim3A_81, %broadcast_in_dim3A_95, %broadcast_in_dim3A_109, %broadcast_in_dim3A_123, %broadcast_in_dim3A_137, %broadcast_in_dim3A_151, %broadcast_in_dim3A_165, %broadcast_in_dim3A_179, %broadcast_in_dim3A_193, %broadcast_in_dim3A_207, %broadcast_in_dim3A_221, %broadcast_in_dim3A_235 in 1 : vector<256x1xi32>, vector<256x1xi32>, vector<256x1xi32>, vector<256x1xi32>, vector<256x1xi32>, vector<256x1xi32>, vector<256x1xi32>, vector<256x1xi32>, vector<256x1xi32>, vector<256x1xi32>, vector<256x1xi32>, vector<256x1xi32>, vector<256x1xi32>, vector<256x1xi32>, vector<256x1xi32>, vector<256x1xi32> -> vector<256x16xi32>
    %mul3A_236 = arith.constant 2048 : i32
    %mul3A_237 = arith.muli %arg0, %mul3A_236 : i32
    %add3A = vector.broadcast %mul3A_237 : i32 to vector<256x16xi32>
    %add3A_238 = arith.addi %concatenate3A, %add3A : vector<256x16xi32>
    %swap3A = arith.constant 0 : index
    %swap3A_239 = arith.constant 0 : index
    %swap3A_240 = arith.constant 0 : index
    %swap3A_241 = vector.load %arg5[%swap3A, %swap3A_239, %swap3A_240] : memref<1x256x16xi32, #tpu.memory_space<vmem>>, vector<1x256x16xi32>
    %swap3A_242 = vector.shape_cast %swap3A_241 : vector<1x256x16xi32> to vector<256x16xi32>
    %swap3A_243 = vector.shape_cast %add3A_238 : vector<256x16xi32> to vector<1x256x16xi32>
    tpu.vector_store %arg5[%swap3A, %swap3A_239, %swap3A_240], %swap3A_243 {strides = array<i32>} : memref<1x256x16xi32, #tpu.memory_space<vmem>>, vector<1x256x16xi32>,
    return
  }
  func.func @transform_0(%arg0: i32, %arg1: i32) -> (i32, i32, i32) {
    %c0_i32 = arith.constant 0 : i32
    %c0_i32_0 = arith.constant 0 : i32
    %c0_i32_1 = arith.constant 0 : i32
    return %arg0, %c0_i32, %c0_i32_0 : i32, i32, i32
  }
  func.func @transform_1(%arg0: i32, %arg1: i32) -> (i32, i32) {
    %c0_i32 = arith.constant 0 : i32
    %c0_i32_0 = arith.constant 0 : i32
    %c0_i32_1 = arith.constant 0 : i32
    return %c0_i32, %c0_i32_0 : i32, i32
  }
  func.func @transform_2(%arg0: i32, %arg1: i32) -> (i32, i32) {
    %c0_i32 = arith.constant 0 : i32
    %c0_i32_0 = arith.constant 0 : i32
    %c0_i32_1 = arith.constant 0 : i32
    return %c0_i32, %c0_i32_0 : i32, i32
  }
  func.func @transform_3(%arg0: i32, %arg1: i32) -> (i32, i32, i32) {
    %c0_i32 = arith.constant 0 : i32
    %c0_i32_0 = arith.constant 0 : i32
    return %arg0, %arg1, %c0_i32 : i32, i32, i32
  }
  func.func @transform_4(%arg0: i32, %arg1: i32) -> (i32, i32, i32) {
    %c0_i32 = arith.constant 0 : i32
    %c0_i32_0 = arith.constant 0 : i32
    %c0_i32_1 = arith.constant 0 : i32
    return %arg0, %c0_i32, %c0_i32_0 : i32, i32, i32
  }
  func.func @transform_5(%arg0: i32, %arg1: i32) -> (i32, i32, i32) {
    %c0_i32 = arith.constant 0 : i32
    %c0_i32_0 = arith.constant 0 : i32
    %c0_i32_1 = arith.constant 0 : i32
    return %arg0, %c0_i32, %c0_i32_0 : i32, i32, i32
  }
}

module attributes {stable_mosaic.version = 14 : i64} {
  func.func @_p4_body(%arg0: i32, %arg1: memref<2048x128xf32, #tpu.memory_space<vmem>>, %arg2: memref<128x64xf32, #tpu.memory_space<vmem>>, %arg3: memref<8x64xf32, #tpu.memory_space<vmem>>, %arg4: memref<64x64xf32, #tpu.memory_space<vmem>>, %arg5: memref<2048x64xbf16, #tpu.memory_space<vmem>>, %arg6: memref<1x8x64xf32, #tpu.memory_space<vmem>>) attributes {dimension_semantics = [#tpu.dimension_semantics<parallel>], iteration_bounds = array<i64: 32>, scalar_prefetch = 0 : i64, scratch_operands = 0 : i64, tpu.core_type = #tpu.core_type<tc>, window_params = [{transform_indices = @transform_0, window_bounds = array<i64: 2048, 128>}, {transform_indices = @transform_1, window_bounds = array<i64: 128, 64>}, {pipeline_mode = #tpu.pipeline_mode<synchronous>, transform_indices = @transform_2, window_bounds = array<i64: 8, 64>}, {pipeline_mode = #tpu.pipeline_mode<synchronous>, transform_indices = @transform_3, window_bounds = array<i64: 64, 64>}, {transform_indices = @transform_4, window_bounds = array<i64: 2048, 64>}, {transform_indices = @transform_5, window_bounds = array<i64: 1, 8, 64>}]} {
    %get3A = arith.constant 0 : index
    %get3A_0 = arith.constant 0 : index
    %get3A_1 = vector.load %arg2[%get3A, %get3A_0] : memref<128x64xf32, #tpu.memory_space<vmem>>, vector<128x64xf32>
    %broadcast_in_dim3A = vector.shape_cast %get3A_1 : vector<128x64xf32> to vector<128x1x64xf32>
    %broadcast_in_dim3A_2 = vector.shape_cast %broadcast_in_dim3A : vector<128x1x64xf32> to vector<128x1x64xf32>
    %broadcast_in_dim3A_3 = vector.broadcast %broadcast_in_dim3A_2 : vector<128x1x64xf32> to vector<128x16x64xf32>
    %reshape3A = vector.shape_cast %broadcast_in_dim3A_3 : vector<128x16x64xf32> to vector<2048x64xf32>
    %get3A_4 = arith.constant 0 : index
    %get3A_5 = arith.constant 0 : index
    %get3A_6 = vector.load %arg1[%get3A_4, %get3A_5] : memref<2048x128xf32, #tpu.memory_space<vmem>>, vector<2048x64xf32>
    %sub3A = arith.subf %reshape3A, %get3A_6 : vector<2048x64xf32>
    %get3A_7 = arith.constant 0 : index
    %get3A_8 = arith.constant 0 : index
    %get3A_9 = vector.load %arg3[%get3A_7, %get3A_8] : memref<8x64xf32, #tpu.memory_space<vmem>>, vector<1x64xf32>
    %mul3A = vector.broadcast %get3A_9 : vector<1x64xf32> to vector<2048x64xf32>
    %mul3A_10 = arith.mulf %mul3A, %sub3A : vector<2048x64xf32>
    %get3A_11 = arith.constant 1 : index
    %get3A_12 = arith.constant 0 : index
    %get3A_13 = vector.load %arg3[%get3A_11, %get3A_12] : memref<8x64xf32, #tpu.memory_space<vmem>>, vector<1x64xf32>
    %add3A = vector.broadcast %get3A_13 : vector<1x64xf32> to vector<2048x64xf32>
    %add3A_14 = arith.addf %mul3A_10, %add3A : vector<2048x64xf32>
    %gt3A = arith.constant 0.000000e+00 : f32
    %gt3A_15 = vector.broadcast %gt3A : f32 to vector<2048x64xf32>
    %gt3A_16 = arith.cmpf ogt, %add3A_14, %gt3A_15 : vector<2048x64xf32>
    %mul3A_17 = arith.constant 2.000000e-01 : f32
    %mul3A_18 = vector.broadcast %mul3A_17 : f32 to vector<2048x64xf32>
    %mul3A_19 = arith.mulf %mul3A_18, %add3A_14 : vector<2048x64xf32>
    %select_n3A = arith.select %gt3A_16, %add3A_14, %mul3A_19 : vector<2048x64xi1>, vector<2048x64xf32>
    %get3A_20 = arith.constant 0 : index
    %get3A_21 = arith.constant 0 : index
    %get3A_22 = vector.load %arg4[%get3A_20, %get3A_21] : memref<64x64xf32, #tpu.memory_space<vmem>>, vector<64x64xf32>
    %dot_general3A = arith.constant dense<0.000000e+00> : vector<2048x64xf32>
    %dot_general3A_23 = tpu.matmul %select_n3A, %get3A_22, %dot_general3A {dimension_numbers = #tpu.dot_dimension_numbers<[1], [0], [0], [1], [0, 0, 1, 1], [], []>, transpose_lhs_hint = false} : vector<2048x64xf32>, vector<64x64xf32>, vector<2048x64xf32> -> vector<2048x64xf32>
    %convert_element_type3A = arith.truncf %dot_general3A_23 : vector<2048x64xf32> to vector<2048x64xbf16>
    %swap3A = arith.constant 0 : index
    %swap3A_24 = arith.constant 0 : index
    %swap3A_25 = vector.load %arg5[%swap3A, %swap3A_24] : memref<2048x64xbf16, #tpu.memory_space<vmem>>, vector<2048x64xbf16>
    tpu.vector_store %arg5[%swap3A, %swap3A_24], %convert_element_type3A {strides = array<i32>} : memref<2048x64xbf16, #tpu.memory_space<vmem>>, vector<2048x64xbf16>,
    %reduce_sum3A = arith.constant dense<0.000000e+00> : vector<64xf32>
    %reduce_sum3A_26 = vector.multi_reduction <add>, %dot_general3A_23, %reduce_sum3A [0] : vector<2048x64xf32> to vector<64xf32>
    %broadcast_in_dim3A_27 = vector.shape_cast %reduce_sum3A_26 : vector<64xf32> to vector<1x64xf32>
    %mul3A_28 = arith.mulf %dot_general3A_23, %dot_general3A_23 : vector<2048x64xf32>
    %reduce_sum3A_29 = arith.constant dense<0.000000e+00> : vector<64xf32>
    %reduce_sum3A_30 = vector.multi_reduction <add>, %mul3A_28, %reduce_sum3A_29 [0] : vector<2048x64xf32> to vector<64xf32>
    %broadcast_in_dim3A_31 = vector.shape_cast %reduce_sum3A_30 : vector<64xf32> to vector<1x64xf32>
    %broadcast_in_dim3A_32 = arith.constant 0.000000e+00 : f32
    %broadcast_in_dim3A_33 = vector.broadcast %broadcast_in_dim3A_32 : f32 to vector<6x64xf32>
    %concatenate3A = tpu.concatenate %broadcast_in_dim3A_27, %broadcast_in_dim3A_31, %broadcast_in_dim3A_33 in 0 : vector<1x64xf32>, vector<1x64xf32>, vector<6x64xf32> -> vector<8x64xf32>
    %swap3A_34 = arith.constant 0 : index
    %swap3A_35 = arith.constant 0 : index
    %swap3A_36 = arith.constant 0 : index
    %swap3A_37 = vector.load %arg6[%swap3A_34, %swap3A_35, %swap3A_36] : memref<1x8x64xf32, #tpu.memory_space<vmem>>, vector<1x8x64xf32>
    %swap3A_38 = vector.shape_cast %swap3A_37 : vector<1x8x64xf32> to vector<8x64xf32>
    %swap3A_39 = vector.shape_cast %concatenate3A : vector<8x64xf32> to vector<1x8x64xf32>
    tpu.vector_store %arg6[%swap3A_34, %swap3A_35, %swap3A_36], %swap3A_39 {strides = array<i32>} : memref<1x8x64xf32, #tpu.memory_space<vmem>>, vector<1x8x64xf32>,
    return
  }
  func.func @transform_0(%arg0: i32) -> (i32, i32) {
    %c0_i32 = arith.constant 0 : i32
    %c0_i32_0 = arith.constant 0 : i32
    return %arg0, %c0_i32 : i32, i32
  }
  func.func @transform_1(%arg0: i32) -> (i32, i32) {
    %c0_i32 = arith.constant 0 : i32
    %c0_i32_0 = arith.constant 0 : i32
    return %arg0, %c0_i32 : i32, i32
  }
  func.func @transform_2(%arg0: i32) -> (i32, i32) {
    %c0_i32 = arith.constant 0 : i32
    %c0_i32_0 = arith.constant 0 : i32
    %c0_i32_1 = arith.constant 0 : i32
    return %c0_i32, %c0_i32_0 : i32, i32
  }
  func.func @transform_3(%arg0: i32) -> (i32, i32) {
    %c0_i32 = arith.constant 0 : i32
    %c0_i32_0 = arith.constant 0 : i32
    %c0_i32_1 = arith.constant 0 : i32
    return %c0_i32, %c0_i32_0 : i32, i32
  }
  func.func @transform_4(%arg0: i32) -> (i32, i32) {
    %c0_i32 = arith.constant 0 : i32
    %c0_i32_0 = arith.constant 0 : i32
    return %arg0, %c0_i32 : i32, i32
  }
  func.func @transform_5(%arg0: i32) -> (i32, i32, i32) {
    %c0_i32 = arith.constant 0 : i32
    %c0_i32_0 = arith.constant 0 : i32
    %c0_i32_1 = arith.constant 0 : i32
    return %arg0, %c0_i32, %c0_i32_0 : i32, i32, i32
  }
}

module attributes {stable_mosaic.version = 14 : i64} {
  func.func @_p5_body(%arg0: i32, %arg1: memref<2048x64xbf16, #tpu.memory_space<vmem>>, %arg2: memref<8x64xf32, #tpu.memory_space<vmem>>, %arg3: memref<64x128xf32, #tpu.memory_space<vmem>>, %arg4: memref<128x128xf32, #tpu.memory_space<vmem>>, %arg5: memref<8x128xf32, #tpu.memory_space<vmem>>, %arg6: memref<1x64x256xf32, #tpu.memory_space<vmem>>) attributes {dimension_semantics = [#tpu.dimension_semantics<parallel>], iteration_bounds = array<i64: 32>, scalar_prefetch = 0 : i64, scratch_operands = 0 : i64, tpu.core_type = #tpu.core_type<tc>, window_params = [{transform_indices = @transform_0, window_bounds = array<i64: 2048, 64>}, {pipeline_mode = #tpu.pipeline_mode<synchronous>, transform_indices = @transform_1, window_bounds = array<i64: 8, 64>}, {pipeline_mode = #tpu.pipeline_mode<synchronous>, transform_indices = @transform_2, window_bounds = array<i64: 64, 128>}, {pipeline_mode = #tpu.pipeline_mode<synchronous>, transform_indices = @transform_3, window_bounds = array<i64: 128, 128>}, {pipeline_mode = #tpu.pipeline_mode<synchronous>, transform_indices = @transform_4, window_bounds = array<i64: 8, 128>}, {transform_indices = @transform_5, window_bounds = array<i64: 1, 64, 256>}]} {
    %get3A = arith.constant 0 : index
    %get3A_0 = arith.constant 0 : index
    %get3A_1 = vector.load %arg1[%get3A, %get3A_0] : memref<2048x64xbf16, #tpu.memory_space<vmem>>, vector<2048x64xbf16>
    %convert_element_type3A = arith.extf %get3A_1 : vector<2048x64xbf16> to vector<2048x64xf32>
    %get3A_2 = arith.constant 0 : index
    %get3A_3 = arith.constant 0 : index
    %get3A_4 = vector.load %arg2[%get3A_2, %get3A_3] : memref<8x64xf32, #tpu.memory_space<vmem>>, vector<1x64xf32>
    %mul3A = vector.broadcast %get3A_4 : vector<1x64xf32> to vector<2048x64xf32>
    %mul3A_5 = arith.mulf %mul3A, %convert_element_type3A : vector<2048x64xf32>
    %get3A_6 = arith.constant 1 : index
    %get3A_7 = arith.constant 0 : index
    %get3A_8 = vector.load %arg2[%get3A_6, %get3A_7] : memref<8x64xf32, #tpu.memory_space<vmem>>, vector<1x64xf32>
    %add3A = vector.broadcast %get3A_8 : vector<1x64xf32> to vector<2048x64xf32>
    %add3A_9 = arith.addf %mul3A_5, %add3A : vector<2048x64xf32>
    %gt3A = arith.constant 0.000000e+00 : f32
    %gt3A_10 = vector.broadcast %gt3A : f32 to vector<2048x64xf32>
    %gt3A_11 = arith.cmpf ogt, %add3A_9, %gt3A_10 : vector<2048x64xf32>
    %mul3A_12 = arith.constant 2.000000e-01 : f32
    %mul3A_13 = vector.broadcast %mul3A_12 : f32 to vector<2048x64xf32>
    %mul3A_14 = arith.mulf %mul3A_13, %add3A_9 : vector<2048x64xf32>
    %select_n3A = arith.select %gt3A_11, %add3A_9, %mul3A_14 : vector<2048x64xi1>, vector<2048x64xf32>
    %get3A_15 = arith.constant 0 : index
    %get3A_16 = arith.constant 0 : index
    %get3A_17 = vector.load %arg3[%get3A_15, %get3A_16] : memref<64x128xf32, #tpu.memory_space<vmem>>, vector<64x128xf32>
    %dot_general3A = arith.constant dense<0.000000e+00> : vector<2048x128xf32>
    %dot_general3A_18 = tpu.matmul %select_n3A, %get3A_17, %dot_general3A {dimension_numbers = #tpu.dot_dimension_numbers<[1], [0], [0], [1], [0, 0, 1, 1], [], []>, transpose_lhs_hint = false} : vector<2048x64xf32>, vector<64x128xf32>, vector<2048x128xf32> -> vector<2048x128xf32>
    %reshape3A = vector.shape_cast %dot_general3A_18 : vector<2048x128xf32> to vector<128x16x128xf32>
    %reduce_max3A = arith.constant dense<0xFF800000> : vector<128x128xf32>
    %reduce_max3A_19 = vector.multi_reduction <maximumf>, %reshape3A, %reduce_max3A [1] : vector<128x16x128xf32> to vector<128x128xf32>
    %get3A_20 = arith.constant 0 : index
    %get3A_21 = arith.constant 0 : index
    %get3A_22 = vector.load %arg5[%get3A_20, %get3A_21] : memref<8x128xf32, #tpu.memory_space<vmem>>, vector<1x128xf32>
    %add3A_23 = vector.broadcast %get3A_22 : vector<1x128xf32> to vector<128x128xf32>
    %add3A_24 = arith.addf %reduce_max3A_19, %add3A_23 : vector<128x128xf32>
    %get3A_25 = arith.constant 0 : index
    %get3A_26 = arith.constant 0 : index
    %get3A_27 = vector.load %arg4[%get3A_25, %get3A_26] : memref<128x128xf32, #tpu.memory_space<vmem>>, vector<128x128xf32>
    %dot_general3A_28 = arith.constant dense<0.000000e+00> : vector<128x128xf32>
    %dot_general3A_29 = tpu.matmul %add3A_24, %get3A_27, %dot_general3A_28 {dimension_numbers = #tpu.dot_dimension_numbers<[1], [0], [0], [1], [0, 0, 1, 1], [], []>, transpose_lhs_hint = false} : vector<128x128xf32>, vector<128x128xf32>, vector<128x128xf32> -> vector<128x128xf32>
    %get3A_30 = arith.constant 1 : index
    %get3A_31 = arith.constant 0 : index
    %get3A_32 = vector.load %arg5[%get3A_30, %get3A_31] : memref<8x128xf32, #tpu.memory_space<vmem>>, vector<1x128xf32>
    %add3A_33 = vector.broadcast %get3A_32 : vector<1x128xf32> to vector<128x128xf32>
    %add3A_34 = arith.addf %dot_general3A_29, %add3A_33 : vector<128x128xf32>
    %slice3A = vector.extract_strided_slice %add3A_34 {offsets = [0, 0], sizes = [128, 64], strides = [1, 1]} : vector<128x128xf32> to vector<128x64xf32>
    %broadcast_in_dim3A = vector.shape_cast %slice3A : vector<128x64xf32> to vector<128x1x64xf32>
    %slice3A_35 = vector.extract_strided_slice %add3A_34 {offsets = [0, 64], sizes = [128, 64], strides = [1, 1]} : vector<128x128xf32> to vector<128x64xf32>
    %broadcast_in_dim3A_36 = vector.shape_cast %slice3A_35 : vector<128x64xf32> to vector<128x1x64xf32>
    %concatenate3A = tpu.concatenate %broadcast_in_dim3A, %broadcast_in_dim3A_36 in 1 : vector<128x1x64xf32>, vector<128x1x64xf32> -> vector<128x2x64xf32>
    %reshape3A_37 = vector.shape_cast %concatenate3A : vector<128x2x64xf32> to vector<256x64xf32>
    %transpose3A = tpu.transpose %reshape3A_37, [1, 0] : vector<256x64xf32> -> vector<64x256xf32>
    %swap3A = arith.constant 0 : index
    %swap3A_38 = arith.constant 0 : index
    %swap3A_39 = arith.constant 0 : index
    %swap3A_40 = vector.load %arg6[%swap3A, %swap3A_38, %swap3A_39] : memref<1x64x256xf32, #tpu.memory_space<vmem>>, vector<1x64x256xf32>
    %swap3A_41 = vector.shape_cast %swap3A_40 : vector<1x64x256xf32> to vector<64x256xf32>
    %swap3A_42 = vector.shape_cast %transpose3A : vector<64x256xf32> to vector<1x64x256xf32>
    tpu.vector_store %arg6[%swap3A, %swap3A_38, %swap3A_39], %swap3A_42 {strides = array<i32>} : memref<1x64x256xf32, #tpu.memory_space<vmem>>, vector<1x64x256xf32>,
    return
  }
  func.func @transform_0(%arg0: i32) -> (i32, i32) {
    %c0_i32 = arith.constant 0 : i32
    %c0_i32_0 = arith.constant 0 : i32
    return %arg0, %c0_i32 : i32, i32
  }
  func.func @transform_1(%arg0: i32) -> (i32, i32) {
    %c0_i32 = arith.constant 0 : i32
    %c0_i32_0 = arith.constant 0 : i32
    %c0_i32_1 = arith.constant 0 : i32
    return %c0_i32, %c0_i32_0 : i32, i32
  }
  func.func @transform_2(%arg0: i32) -> (i32, i32) {
    %c0_i32 = arith.constant 0 : i32
    %c0_i32_0 = arith.constant 0 : i32
    %c0_i32_1 = arith.constant 0 : i32
    return %c0_i32, %c0_i32_0 : i32, i32
  }
  func.func @transform_3(%arg0: i32) -> (i32, i32) {
    %c0_i32 = arith.constant 0 : i32
    %c0_i32_0 = arith.constant 0 : i32
    %c0_i32_1 = arith.constant 0 : i32
    return %c0_i32, %c0_i32_0 : i32, i32
  }
  func.func @transform_4(%arg0: i32) -> (i32, i32) {
    %c0_i32 = arith.constant 0 : i32
    %c0_i32_0 = arith.constant 0 : i32
    %c0_i32_1 = arith.constant 0 : i32
    return %c0_i32, %c0_i32_0 : i32, i32
  }
  func.func @transform_5(%arg0: i32) -> (i32, i32, i32) {
    %jit3A = arith.constant 16 : i32
    %div3A = arith.divsi %arg0, %jit3A : i32
    %sign3A = arith.constant 0 : i32
    %sign3A_0 = arith.cmpi sgt, %arg0, %sign3A : i32
    %sign3A_1 = arith.extui %sign3A_0 : i1 to i32
    %sign3A_2 = arith.constant 0 : i32
    %sign3A_3 = arith.cmpi slt, %arg0, %sign3A_2 : i32
    %sign3A_4 = arith.extui %sign3A_3 : i1 to i32
    %sign3A_5 = arith.subi %sign3A_1, %sign3A_4 : i32
    %sign3A_6 = arith.constant 0 : i32
    %sign3A_7 = arith.cmpi sgt, %jit3A, %sign3A_6 : i32
    %sign3A_8 = arith.extui %sign3A_7 : i1 to i32
    %sign3A_9 = arith.constant 0 : i32
    %sign3A_10 = arith.cmpi slt, %jit3A, %sign3A_9 : i32
    %sign3A_11 = arith.extui %sign3A_10 : i1 to i32
    %sign3A_12 = arith.subi %sign3A_8, %sign3A_11 : i32
    %ne3A = arith.cmpi ne, %sign3A_5, %sign3A_12 : i32
    %rem3A = arith.remsi %arg0, %jit3A : i32
    %ne3A_13 = arith.constant 0 : i32
    %ne3A_14 = arith.cmpi ne, %rem3A, %ne3A_13 : i32
    %and3A = arith.andi %ne3A, %ne3A_14 : i1
    %sub3A = arith.constant 1 : i32
    %sub3A_15 = arith.subi %div3A, %sub3A : i32
    %select_n3A = arith.select %and3A, %sub3A_15, %div3A : i32
    %jit3A_16 = arith.constant 16 : i32
    %eq3A = arith.constant 0 : i32
    %eq3A_17 = arith.cmpi eq, %jit3A_16, %eq3A : i32
    %jit3A_18 = arith.constant 1 : i32
    %select_n3A_19 = arith.select %eq3A_17, %jit3A_18, %jit3A_16 : i32
    %rem3A_20 = arith.remsi %arg0, %select_n3A_19 : i32
    %ne3A_21 = arith.constant 0 : i32
    %ne3A_22 = arith.cmpi ne, %rem3A_20, %ne3A_21 : i32
    %lt3A = arith.constant 0 : i32
    %lt3A_23 = arith.cmpi slt, %rem3A_20, %lt3A : i32
    %lt3A_24 = arith.constant 0 : i32
    %lt3A_25 = arith.cmpi slt, %select_n3A_19, %lt3A_24 : i32
    %ne3A_26 = arith.xori %lt3A_23, %lt3A_25 : i1
    %and3A_27 = arith.andi %ne3A_26, %ne3A_22 : i1
    %add3A = arith.addi %rem3A_20, %select_n3A_19 : i32
    %select_n3A_28 = arith.select %and3A_27, %add3A, %rem3A_20 : i32
    %c0_i32 = arith.constant 0 : i32
    %c0_i32_29 = arith.constant 0 : i32
    return %select_n3A, %c0_i32, %select_n3A_28 : i32, i32, i32
  }
}

</mosaic_0001>

<sc_bundles>
// kernel: kernel.22.cloned.1.call-start
scs
__scs_entry_jumppad:
0x0: {  	(pc) =	sbr.rel $0x88, $3  }
0x1: {  	(tag) =	ssettag $0x0;
	lr =	simm.s32 $0x1  }
0x2: {  	[smem:$0x3F96] =	sst lr;
	_ =	strace $0xD0000000  }
0x3: {  	_ = 	snop  }
0x4: {  	_ = 	snop  }
0x5: {  	_ = 	snop  }
0x6: {  	_ = 	snop  }
0x7: {  	_ = 	snop  }
__scs_overlays_trampoline_lowered:
0x8: {  	[smem:$0x3FA5] =	sst s0  }
0x9: {  	[smem:$0x3FA6] =	sst s1  }
0xa: {  	[smem:$0x3FA7] =	sst s2  }
0xb: {  	[smem:$0x3FA8] =	sst s3  }
0xc: {  	[smem:$0x3FA9] =	sst s4  }
0xd: {  	[smem:$0x3FAA] =	sst s5  }
0xe: {  	[smem:$0x3FAB] =	sst s6  }
0xf: {  	[smem:$0x3FAC] =	sst s7  }
0x10: {  	[smem:$0x3FAD] =	sst s8  }
0x11: {  	[smem:$0x3FAE] =	sst s9;
	s0 =	simm.s32 @!p0 $0x0  }
0x12: {  	s1 =	sld [smem:$0x3F94];
	s0 =	simm.s32 @p0 $0x1  }
0x13: {  	[smem:$0x3FAF] =	sst s0;
	s0 =	simm.s32 @!p1 $0x0  }
0x14: {  	s2 =	sld [smem:$0x3F93];
	s0 =	simm.s32 @p1 $0x1  }
0x15: {  	[smem:$0x3FB0] =	sst s0;
	s0 =	simm.s32 @!p2 $0x0  }
0x16: {  	s3 =	sld [smem:$0x3FDB];
	s0 =	simm.s32 @p2 $0x1  }
0x17: {  	s4 =	simm.s32 $0x1BF5;
	[smem:$0x3FB2] =	sst s0  }
0x18: {  	s0 =	sld [smem:$0x3F95];
	_ =	swait.ge [sflag:s4], $0x0  }
0x19: {  	s7 =	sld [smem:$0x3F96]  }
0x1a: {  	s8 =	sadd.s32 $0xFFFFE003, lr  }
0x1b: {  	s9 =	sadd.s32 $0xFFFFFEF7, lr;
	s5 =	simm.s32 $0xFFFFFFFF;
	p2 =	slt.u32 s8, $0xFFFFF086  }
0x1c: {  	p1 =	slt.u32 s9, $0xF7A;
	s5 =	simm.s32 @!p2 $0x0  }
0x1d: {  	s5 =	simm.s32 @p1 $0x1;
	p0 =	seq.s32 s7, s2  }
0x1e: {  	s7 =	smul.u32 @!p0 $0xF7A, s2;
	p2 =	seq.s32 @!p0 s5, $0x0  }
0x1f: {  	s9 =	smul.u32 $0xF7A, s1;
	s8 =	simm.s32 @!p0 $0x1BF5;
	p2 =	por !p2, p0  }
0x20: {  	[sflag:s8] =	ssyncset.s32 @!p0 $0xFFFFF086;
	s6 =	sadd.s32 @!p0 s3, s7;
	s7 =	simm.s32 @!p0 $0x108  }
0x21: {  	s3 =	sadd.s32 s3, s9;
	s6 =	sadd.s32 @!p0 $0x88, s6;
	s7 =	simm.s32 @p2 $0x1082  }
0x22: {  	[simem:s7], [sflag:s8] =	dma.local @!p0 [hbm:s6], $0xF7A  }
0x23: {  	s9 =	sor.u32 $0xD0000000, s2;
	s6 =	simm.s32 $0x108;
	_ =	swait.ge @!p0 [sflag:s8], $0x0  }
0x24: {  	s3 =	sadd.s32 $0x88, s3;
	s6 =	simm.s32 @!p1 $0x1082;
	[sflag:s4] =	ssyncset.s32 $0xFFFFF086  }
0x25: {  	[simem:s6], [sflag:s4] =	dma.local [hbm:s3], $0xF7A  }
0x26: {  	[smem:$0x3F96] =	sst s1;
	(tag) =	ssettag s2;
	_ =	strace s9  }
0x27: {  	s1 =	sld [smem:$0x3FA6]  }
0x28: {  	s2 =	sld [smem:$0x3FA7]  }
0x29: {  	s4 =	sld [smem:$0x3FA9]  }
0x2a: {  	p0 =	seq.s32 s5, $0x0;
	s5 =	sld [smem:$0x3FAA]  }
0x2b: {  	s6 =	sld [smem:$0x3FAB]  }
0x2c: {  	s7 =	sld [smem:$0x3FAC]  }
0x2d: {  	s3 =	simm.s32 $0x108;
	s8 =	sld [smem:$0x3FAD]  }
0x2e: {  	s3 =	simm.s32 @!p0 $0x1082;
	s9 =	sld [smem:$0x3FAE]  }
0x2f: {  	lr =	sadd.s32 s0, s3;
	s0 =	sld [smem:$0x3FA5]  }
0x30: {  	s3 =	sld [smem:$0x3FA8]  }
0x31: {  	[smem:$0x3FB1] =	sst s10  }
0x32: {  	s10 =	sld [smem:$0x3FAF];
	_ =	sdelay $0x3  }
0x33: {  	p0 =	seq.s32 s10, $0x1;
	s10 =	sld [smem:$0x3FB1];
	_ =	sdelay $0x3  }
0x34: {  	[smem:$0x3FB1] =	sst s10  }
0x35: {  	s10 =	sld [smem:$0x3FB0];
	_ =	sdelay $0x3  }
0x36: {  	p1 =	seq.s32 s10, $0x1;
	s10 =	sld [smem:$0x3FB1];
	_ =	sdelay $0x3  }
0x37: {  	[smem:$0x3FB1] =	sst s10  }
0x38: {  	s10 =	sld [smem:$0x3FB2]  }
0x39: {  	_ = 	snop;
	(pc) =	sbr.ind lr, $3  }
0x3a: {  	_ = 	snop  }
0x3b: {  	_ = 	snop  }
0x3c: {  	p2 =	seq.s32 s10, $0x1;
	s10 =	sld [smem:$0x3FB1]  }
0x3d: {  	_ =	shalt  }
0x3e: {  	_ =	shalt  }
0x3f: {  	_ =	shalt  }
0x40: {  	_ =	shalt  }
0x41: {  	_ =	shalt  }
0x42: {  	_ =	shalt  }
0x43: {  	_ =	shalt  }
0x44: {  	_ =	shalt  }
0x45: {  	_ =	shalt  }
0x46: {  	_ =	shalt  }
0x47: {  	_ =	shalt  }
0x48: {  	_ =	shalt  }
0x49: {  	_ =	shalt  }
0x4a: {  	_ =	shalt  }
0x4b: {  	_ =	shalt  }
0x4c: {  	_ =	shalt  }
0x4d: {  	_ =	shalt  }
0x4e: {  	_ =	shalt  }
0x4f: {  	_ =	shalt  }
0x50: {  	_ =	shalt  }
0x51: {  	_ =	shalt  }
0x52: {  	_ =	shalt  }
0x53: {  	_ =	shalt  }
0x54: {  	_ =	shalt  }
0x55: {  	_ =	shalt  }
0x56: {  	_ =	shalt  }
0x57: {  	_ =	shalt  }
0x58: {  	_ =	shalt  }
0x59: {  	_ =	shalt  }
0x5a: {  	_ =	shalt  }
0x5b: {  	_ =	shalt  }
0x5c: {  	_ =	shalt  }
0x5d: {  	_ =	shalt  }
0x5e: {  	_ =	shalt  }
0x5f: {  	_ =	shalt  }
0x60: {  	_ =	shalt  }
0x61: {  	_ =	shalt  }
0x62: {  	_ =	shalt  }
0x63: {  	_ =	shalt  }
0x64: {  	_ =	shalt  }
0x65: {  	_ =	shalt  }
0x66: {  	_ =	shalt  }
0x67: {  	_ =	shalt  }
0x68: {  	_ =	shalt  }
0x69: {  	_ =	shalt  }
0x6a: {  	_ =	shalt  }
0x6b: {  	_ =	shalt  }
0x6c: {  	_ =	shalt  }
0x6d: {  	_ =	shalt  }
0x6e: {  	_ =	shalt  }
0x6f: {  	_ =	shalt  }
0x70: {  	_ =	shalt  }
0x71: {  	_ =	shalt  }
0x72: {  	_ =	shalt  }
0x73: {  	_ =	shalt  }
0x74: {  	_ =	shalt  }
0x75: {  	_ =	shalt  }
0x76: {  	_ =	shalt  }
0x77: {  	_ =	shalt  }
0x78: {  	_ =	shalt  }
0x79: {  	_ =	shalt  }
0x7a: {  	_ =	shalt  }
0x7b: {  	_ =	shalt  }
0x7c: {  	_ =	shalt  }
0x7d: {  	_ =	shalt  }
0x7e: {  	_ =	shalt  }
0x7f: {  	_ =	shalt  }
0x80: {  	_ =	shalt  }
0x81: {  	_ =	shalt  }
0x82: {  	_ =	shalt  }
0x83: {  	_ =	shalt  }
0x84: {  	_ =	shalt  }
0x85: {  	_ =	shalt  }
0x86: {  	_ =	shalt  }
0x87: {  	_ =	shalt  }
.Lfunc_end0:
.L_simem_size_0:
called_computation_lowered:
.L_overlay_start_0:
0x88: {  	s2 =	sld [smem:$0x3FD9]  }
0x89: {  	s3 =	sld [smem:$0x3FFE];
	_ =	sdelay $0x1  }
0x8a: {  	s1 =	srdreg.scid  }
0x8b: {  	s0 =	sand.u32 $0x1, s1  }
0x8c: {  	s17 =	sshll.u32 s0, $0xA;
	s2 =	sadd.s32 s3, s2  }
0x8d: {  	s2 =	sadd.s32 s2, s17  }
0x8e: {  	[smem:$0x3FBD] =	sst s2  }
0x8f: {  	_ = 	snop  }
0x90: {  	(tm) =	ssettm $0x1  }
0x91: {  	s18 =	sld [smem:$0x3FFB];
	_ =	sdelay $0x3  }
0x92: {  	_ =	strace s18  }
0x93: {  	s2 =	sld [smem:$0x3FFC];
	_ =	sdelay $0x3  }
0x94: {  	_ =	strace s2  }
0x95: {  	s2 =	sld [smem:$0x3FFD];
	_ =	sdelay $0x3  }
0x96: {  	_ =	strace s2  }
0x97: {  	_ =	strace $0x8FFFFFFF  }
0x98: {  	s19 =	sld [smem:$0x3FDB];
	_ =	sdelay $0x1  }
0x99: {  	s20 =	simm.s32 $_scs_section_size  }
0x9a: {  	s4 =	simm.s32 $_size__tile_overlayer_lowered;
	s5 =	simm.s32 $_tile_overlayer_lowered  }
0x9b: {  	s6 =	simm.s32 $0x1BFF;
	s21 =	sshll.u32 s5, $0x1;
	s3 =	sadd.s32 s20, s19  }
0x9c: {  	s22 =	simm.s32 $0x0;
	s4 =	sshll.u32 s4, $0x1;
	s5 =	sadd.s32 s21, s3  }
0x9d: {  	[timem:s22], [sflag:s6] =	dma.local [hbm:s5], s4  }
0x9e: {  	_ =	swait.ge [sflag:s6], s4  }
0x9f: {  	s4 =	ssub.s32 $0x0, s4;
	[sflag:s6] =	ssyncset.done $0x0  }
0xa0: {  	[sflag:s6] =	ssyncadd.s32 s4;
	_ =	sdelay $0x1  }
0xa1: {  	s23 =	simm.s32 $0x1B8B  }
0xa2: {  	_ =	swait.ge [sflag:s23], $0x1  }
0xa3: {  	[sflag:s23] =	ssyncset.done $0x0  }
0xa4: {  	[sflag:s23] =	ssyncadd.s32 $0xFFFFFFFF  }
0xa5: {  	s4 =	sld [smem:$0x0]  }
0xa6: {  	s5 =	sand.u32 $0xFFFFFFFE, s1  }
0xa7: {  	p0 =	sne.s32 s1, s5  }
0xa8: {  	s5 =	sshll.u32 @p0 s5, $0xE  }
0xa9: {  	s5 =	sadd.s32 @p0 $0x11B8D, s5;
	s6 =	sshll.u32 @p0 s4, $0x11  }
0xaa: {  	s5 =	sor.u32 @p0 s6, s5  }
0xab: {  	[sflag:s5] =	ssyncadd.remote.s32 @p0 $0x1;
	_ =	sdelay $0x1  }
0xac: {  	s5 =	simm.s32 @p0 $0x1B8D  }
0xad: {  	_ =	swait.eq @p0 [sflag:s5], $0x1  }
0xae: {  	[sflag:s5] =	ssyncadd.s32 @p0 $0xFFFFFFFF  }
0xaf: {  	s6 =	sshll.u32 @!p0 s1, $0xE  }
0xb0: {  	s6 =	sor.u32 @!p0 $0x4000, s6;
	s5 =	simm.s32 @!p0 $0x1B8D  }
0xb1: {  	s4 =	sshll.u32 @!p0 s4, $0x11;
	s6 =	sadd.s32 @!p0 $0x11B8D, s6;
	_ =	swait.eq @!p0 [sflag:s5], $0x1  }
0xb2: {  	s4 =	sor.u32 @!p0 s4, s6;
	[sflag:s5] =	ssyncadd.s32 @!p0 $0xFFFFFFFF  }
0xb3: {  	s25 =	simm.s32 $0x1B8E;
	s24 =	sld [smem:$0x3FFE];
	[sflag:s4] =	ssyncadd.remote.s32 @!p0 $0x1  }
0xb4: {  	s26 =	simm.s32 $execute0_lowered;
	[smem:$0x3FD2] =	sst s25  }
0xb5: {  	s5 =	sshll.u32 s26, $0x1;
	_ =	strace $0x80000049;
	[dreg:$0x1] =	wrdreg $0xFFFFFFFF  }
0xb6: {  	s28 =	simm.s32 $_size_execute0_lowered;
	s3 =	sadd.s32 s3, s5;
	[dreg:$0x0] =	wrdreg $0x0  }
0xb7: {  	s5 =	sshll.u32 s28, $0x1;
	[dreg:$0x2] =	wrdreg s3  }
0xb8: {  	[dreg:$0x3] =	wrdreg s5  }
0xb9: {  	[dreg:$0x4] =	wrdreg $0xC0  }
0xba: {  	_ =	task [dreg:s22], $0x5FFFF  }
0xbb: {  	[dreg:$0x1] =	wrdreg $0xFFFFFFFF  }
0xbc: {  	[dreg:$0x0] =	wrdreg $0x60  }
0xbd: {  	[dreg:$0x2] =	wrdreg s24  }
0xbe: {  	[dreg:$0x3] =	wrdreg $0x9  }
0xbf: {  	_ =	task.clear_ibuf [dreg:s22], $0x4FFFF;
	_ =	strace $0x90000049  }
0xc0: {  	s29 =	simm.s32 $0x9;
	_ =	strace $0x8000004B  }
0xc1: {  	_ =	swait.ge [sflag:s29], $0x1  }
0xc2: {  	[sflag:s29] =	ssyncadd.s32 $0xFFFFFFFF  }
0xc3: {  	_ =	strace $0x9000004B  }
0xc4: {  	_ =	sfence  }
0xc5: {  	s30 =	sld [smem:$0x0];
	_ =	sdelay $0x2  }
0xc6: {  	s31 =	sshll.u32 s1, $0xD;
	s1 =	sshrl.u32 s1, $0x2  }
0xc7: {  	s4 =	sand.u32 $0x4000, s31;
	s1 =	sadd.s32 s1, s30  }
0xc8: {  	s0 =	sor.u32 s4, s0;
	s1 =	sshll.u32 s1, $0x11  }
0xc9: {  	s0 =	sor.u32 s1, s0  }
0xca: {  	s0 =	sadd.s32 $0x8F2B, s0  }
0xcb: {  	[sflag:s0] =	ssyncadd.remote.s32 $0x1  }
0xcc: {  	_ =	sfence.sel $0xFFFF  }
0xcd: {  	[dreg:$0x0] =	wrdreg $0xFFFFFFFF;
	(pc) =	sbr.abs _section_cstart, $3  }
0xce: {  	[dreg:$0x1] =	wrdreg $0xFFFFFFFF  }
0xcf: {  	_ =	task.clear_ibuf [dreg:s22], $0x2FFFF;
	_ =	strace $0x9FFFFFFF  }
0xd0: {  	(tm) =	ssettm $0x7FFFFFFF  }
0xd1: {  	_ =	shalt  }
tec
execute0_lowered:
.L_overlay_start_1:
0x0: {  	(tag) =	ssettag $0x1  }
0x1: {  	s3 =	srdreg.scid;
	s1 =	stileid.u32  }
0x2: {  	s12 =	rddreg [dreg:$0x0];
	s25 =	sand.u32 $0x1, s3;
	s21 =	sshll.u32 s1, $0x1  }
0x3: {  	s0 =	rddreg [dreg:$0x1];
	s2 =	simm.s32 $0x0;
	s14 =	sor.u32 s25, s21  }
0x4: {  	[smem:$0x7FF] =	sst s2;
	s23 =	sadd.s32 $0x134800, s12;
	s13 =	sshll.u32 s14, $0x8  }
0x5: {  	s4 =	simm.s32 $0x3;
	_ =	strace $0x8000004A;
	s3 =	sadd.s32 s23, s13  }
0x6: {  	[tilespmem:s2], [sflag:$0x3] =	stream.linear.gather [hbm4b:s3+s2], $0x100, $0x38;
	[tilespmem:$0x10200] =	vst v63  }
0x7: {  	s6 =	simm.s32 $0x100;
	s24 =	sshll.u32 s14, $0xB;
	_ =	swait.ge [sflag:s4], $0x100  }
0x8: {  	s7 =	simm.s32 $0x200;
	s15 =	sor.u32 $0x100, s24;
	[sflag:s4] =	ssyncset.done $0x0  }
0x9: {  	s5 =	sadd.s32 $0x124800, s12;
	s8 =	sshrl.u32 s15, $0x3;
	[sflag:s4] =	ssyncadd.s32 $0xFFFFFF00  }
0xa: {  	[tilespmem:s7], [sflag:$0x1] =	stream.indirect.gather [hbm4b:s5+s6], $0x80, s2, s6, $0xb8;
	[tilespmem:$0x10200] =	vst v63  }
0xb: {  	s8 =	sadd.s32 s23, s8  }
0xc: {  	[tilespmem:s6], [sflag:$0x3] =	stream.linear.gather [hbm4b:s8+s2], $0x100, $0x38;
	[tilespmem:$0x10200] =	vst v63  }
0xd: {  	_ =	swait.ge [sflag:s4], $0x100  }
0xe: {  	[sflag:s4] =	ssyncset.done $0x0  }
0xf: {  	s9 =	simm.s32 $0x8200;
	s10 =	simm.s32 $0x1;
	[sflag:s4] =	ssyncadd.s32 $0xFFFFFF00  }
0x10: {  	[tilespmem:s9], [sflag:$0x2] =	stream.indirect.gather [hbm4b:s5+s6], $0x80, s6, s6, $0xb8;
	[tilespmem:$0x10200] =	vst v63  }
0x11: {  	_ =	swait.ge [sflag:s10], $0x8000  }
0x12: {  	s26 =	sadd.s32 $0x136800, s12;
	s11 =	sshll.u32 s14, $0xF;
	[sflag:s10] =	ssyncset.done $0x0  }
0x13: {  	s11 =	sadd.s32 s26, s11;
	[sflag:s10] =	ssyncadd.s32 $0xFFFF8000  }
0x14: {  	[hbm4b:s11+s2] =	stream.linear.scatter [tilespmem:s7], [sflag:$0x3], $0x8000, $0x38;
	[tilespmem:$0x10200] =	vst v63  }
0x15: {  	_ =	swait.ge [sflag:s4], $0x8000  }
0x16: {  	s21 =	sadd.s32 $0x134840, s12;
	[sflag:s4] =	ssyncset.done $0x0  }
0x17: {  	s12 =	sadd.s32 s13, s21;
	[sflag:s4] =	ssyncadd.s32 $0xFFFF8000  }
0x18: {  	[tilespmem:s2], [sflag:$0x3] =	stream.linear.gather [hbm4b:s12+s2], $0x100, $0x38;
	[tilespmem:$0x10200] =	vst v63  }
0x19: {  	_ =	swait.ge [sflag:s4], $0x100  }
0x1a: {  	[sflag:s4] =	ssyncset.done $0x0  }
0x1b: {  	s13 =	simm.s32 $0x2;
	[sflag:s4] =	ssyncadd.s32 $0xFFFFFF00  }
0x1c: {  	[tilespmem:s7], [sflag:$0x1] =	stream.indirect.gather [hbm4b:s5+s6], $0x80, s2, s6, $0xb8;
	[tilespmem:$0x10200] =	vst v63  }
0x1d: {  	s18 =	sshll.u32 s14, $0x3;
	_ =	swait.ge [sflag:s13], $0x8000  }
0x1e: {  	s17 =	sor.u32 $0x2, s18;
	s22 =	sshll.u32 s15, $0x4;
	[sflag:s13] =	ssyncset.done $0x0  }
0x1f: {  	s28 =	sshll.u32 s17, $0x8;
	s14 =	sadd.s32 s26, s22;
	[sflag:s13] =	ssyncadd.s32 $0xFFFF8000  }
0x20: {  	[hbm4b:s14+s2] =	stream.linear.scatter [tilespmem:s9], [sflag:$0x3], $0x8000, $0x38;
	[tilespmem:$0x10200] =	vst v63  }
0x21: {  	s19 =	sor.u32 $0x100, s28;
	_ =	swait.ge [sflag:s4], $0x8000  }
0x22: {  	s15 =	sshrl.u32 s19, $0x3;
	[sflag:s4] =	ssyncset.done $0x0  }
0x23: {  	s15 =	sadd.s32 s23, s15;
	[sflag:s4] =	ssyncadd.s32 $0xFFFF8000  }
0x24: {  	[tilespmem:s6], [sflag:$0x3] =	stream.linear.gather [hbm4b:s15+s2], $0x100, $0x38;
	[tilespmem:$0x10200] =	vst v63  }
0x25: {  	_ =	swait.ge [sflag:s4], $0x100  }
0x26: {  	[sflag:s4] =	ssyncset.done $0x0  }
0x27: {  	[sflag:s4] =	ssyncadd.s32 $0xFFFFFF00  }
0x28: {  	[tilespmem:s9], [sflag:$0x2] =	stream.indirect.gather [hbm4b:s5+s6], $0x80, s6, s6, $0xb8;
	[tilespmem:$0x10200] =	vst v63  }
0x29: {  	_ =	swait.ge [sflag:s10], $0x8000  }
0x2a: {  	s16 =	sshll.u32 s17, $0xC;
	[sflag:s10] =	ssyncset.done $0x0  }
0x2b: {  	s16 =	sadd.s32 s26, s16;
	[sflag:s10] =	ssyncadd.s32 $0xFFFF8000  }
0x2c: {  	[hbm4b:s16+s2] =	stream.linear.scatter [tilespmem:s7], [sflag:$0x3], $0x8000, $0x38;
	[tilespmem:$0x10200] =	vst v63  }
0x2d: {  	_ =	swait.ge [sflag:s4], $0x8000  }
0x2e: {  	s17 =	sshll.u32 s17, $0x5;
	[sflag:s4] =	ssyncset.done $0x0  }
0x2f: {  	s17 =	sadd.s32 s17, s21;
	[sflag:s4] =	ssyncadd.s32 $0xFFFF8000  }
0x30: {  	[tilespmem:s2], [sflag:$0x3] =	stream.linear.gather [hbm4b:s17+s2], $0x100, $0x38;
	[tilespmem:$0x10200] =	vst v63  }
0x31: {  	_ =	swait.ge [sflag:s4], $0x100  }
0x32: {  	[sflag:s4] =	ssyncset.done $0x0  }
0x33: {  	[sflag:s4] =	ssyncadd.s32 $0xFFFFFF00  }
0x34: {  	[tilespmem:s7], [sflag:$0x1] =	stream.indirect.gather [hbm4b:s5+s6], $0x80, s2, s6, $0xb8;
	[tilespmem:$0x10200] =	vst v63  }
0x35: {  	_ =	swait.ge [sflag:s13], $0x8000  }
0x36: {  	s22 =	sor.u32 $0x4, s18;
	s19 =	sshll.u32 s19, $0x4;
	[sflag:s13] =	ssyncset.done $0x0  }
0x37: {  	s29 =	sshll.u32 s22, $0x8;
	s18 =	sadd.s32 s26, s19;
	[sflag:s13] =	ssyncadd.s32 $0xFFFF8000  }
0x38: {  	[hbm4b:s18+s2] =	stream.linear.scatter [tilespmem:s9], [sflag:$0x3], $0x8000, $0x38;
	[tilespmem:$0x10200] =	vst v63  }
0x39: {  	s28 =	sor.u32 $0x100, s29;
	_ =	swait.ge [sflag:s4], $0x8000  }
0x3a: {  	s19 =	sshrl.u32 s28, $0x3;
	[sflag:s4] =	ssyncset.done $0x0  }
0x3b: {  	s19 =	sadd.s32 s23, s19;
	[sflag:s4] =	ssyncadd.s32 $0xFFFF8000  }
0x3c: {  	[tilespmem:s6], [sflag:$0x3] =	stream.linear.gather [hbm4b:s19+s2], $0x100, $0x38;
	[tilespmem:$0x10200] =	vst v63  }
0x3d: {  	_ =	swait.ge [sflag:s4], $0x100  }
0x3e: {  	[sflag:s4] =	ssyncset.done $0x0  }
0x3f: {  	[sflag:s4] =	ssyncadd.s32 $0xFFFFFF00  }
0x40: {  	[tilespmem:s9], [sflag:$0x2] =	stream.indirect.gather [hbm4b:s5+s6], $0x80, s6, s6, $0xb8;
	[tilespmem:$0x10200] =	vst v63  }
0x41: {  	_ =	swait.ge [sflag:s10], $0x8000  }
0x42: {  	s20 =	sshll.u32 s22, $0xC;
	[sflag:s10] =	ssyncset.done $0x0  }
0x43: {  	s20 =	sadd.s32 s26, s20;
	[sflag:s10] =	ssyncadd.s32 $0xFFFF8000  }
0x44: {  	[hbm4b:s20+s2] =	stream.linear.scatter [tilespmem:s7], [sflag:$0x3], $0x8000, $0x38;
	[tilespmem:$0x10200] =	vst v63  }
0x45: {  	_ =	swait.ge [sflag:s4], $0x8000  }
0x46: {  	s22 =	sshll.u32 s22, $0x5;
	[sflag:s4] =	ssyncset.done $0x0  }
0x47: {  	s21 =	sadd.s32 s22, s21;
	[sflag:s4] =	ssyncadd.s32 $0xFFFF8000  }
0x48: {  	[tilespmem:s2], [sflag:$0x3] =	stream.linear.gather [hbm4b:s21+s2], $0x100, $0x38;
	[tilespmem:$0x10200] =	vst v63  }
0x49: {  	_ =	swait.ge [sflag:s4], $0x100  }
0x4a: {  	[sflag:s4] =	ssyncset.done $0x0  }
0x4b: {  	[sflag:s4] =	ssyncadd.s32 $0xFFFFFF00  }
0x4c: {  	[tilespmem:s7], [sflag:$0x1] =	stream.indirect.gather [hbm4b:s5+s6], $0x80, s2, s6, $0xb8;
	[tilespmem:$0x10200] =	vst v63  }
0x4d: {  	_ =	swait.ge [sflag:s13], $0x8000  }
0x4e: {  	s30 =	sshll.u32 s28, $0x4;
	[sflag:s13] =	ssyncset.done $0x0  }
0x4f: {  	s22 =	sadd.s32 s26, s30;
	[sflag:s13] =	ssyncadd.s32 $0xFFFF8000  }
0x50: {  	[hbm4b:s22+s2] =	stream.linear.scatter [tilespmem:s9], [sflag:$0x3], $0x8000, $0x38;
	[tilespmem:$0x10200] =	vst v63  }
0x51: {  	s31 =	sor.u32 $0x700, s24;
	_ =	swait.ge [sflag:s4], $0x8000  }
0x52: {  	s24 =	sshrl.u32 s31, $0x3;
	[sflag:s4] =	ssyncset.done $0x0  }
0x53: {  	s23 =	sadd.s32 s23, s24;
	[sflag:s4] =	ssyncadd.s32 $0xFFFF8000  }
0x54: {  	[tilespmem:s6], [sflag:$0x3] =	stream.linear.gather [hbm4b:s23+s2], $0x100, $0x38;
	[tilespmem:$0x10200] =	vst v63  }
0x55: {  	_ =	swait.ge [sflag:s4], $0x100  }
0x56: {  	[sflag:s4] =	ssyncset.done $0x0  }
0x57: {  	[sflag:s4] =	ssyncadd.s32 $0xFFFFFF00  }
0x58: {  	[tilespmem:s9], [sflag:$0x2] =	stream.indirect.gather [hbm4b:s5+s6], $0x80, s6, s6, $0xb8;
	[tilespmem:$0x10200] =	vst v63  }
0x59: {  	_ =	swait.ge [sflag:s10], $0x8000  }
0x5a: {  	[sflag:s10] =	ssyncset.done $0x0  }
0x5b: {  	s25 =	ssub.s32 $0x2, s25;
	s24 =	sadd.s32 $0x6000, s11;
	[sflag:s10] =	ssyncadd.s32 $0xFFFF8000  }
0x5c: {  	[hbm4b:s24+s2] =	stream.linear.scatter [tilespmem:s7], [sflag:$0x3], $0x8000, $0x38;
	[tilespmem:$0x10200] =	vst v63  }
0x5d: {  	s29 =	sshrl.u32 s25, $0x1;
	_ =	swait.ge [sflag:s4], $0x8000  }
0x5e: {  	s29 =	ssub.s32 s25, s29;
	[sflag:s4] =	ssyncset.done $0x0  }
0x5f: {  	s30 =	sshll.u32 s31, $0x4;
	s31 =	smax.u32 s29, $0x1;
	[sflag:s4] =	ssyncadd.s32 $0xFFFF8000  }
0x60: {  	p0 =	sne.s32 s31, $0x1;
	_ =	swait.ge [sflag:s13], $0x8000  }
.Ltmp0:
0x61: {  	[sflag:s13] =	ssyncset.done $0x0;
	(pc) =	sbr.rel @!p0 .LBB2_2-.Ltmp0, $4  }
0x62: {  	s25 =	sadd.s32 s26, s30;
	[sflag:s13] =	ssyncadd.s32 $0xFFFF8000  }
0x63: {  	[hbm4b:s25+s2] =	stream.linear.scatter [tilespmem:s9], [sflag:$0x3], $0x8000, $0x38;
	[tilespmem:$0x10200] =	vst v63  }
0x64: {  	_ =	swait.ge [sflag:s4], $0x8000  }
0x65: {  	s26 =	sadd.s32 $0xFFFFFFFF, s31;
	[sflag:s4] =	ssyncset.done $0x0  }
.LBB2_1:
0x66: {  	p0 =	sne.s32 s26, $0x1;
	s26 =	sadd.s32 $0xFFFFFFFF, s26;
	[sflag:s4] =	ssyncadd.s32 $0xFFFF8000  }
0x67: {  	[tilespmem:s2], [sflag:$0x3] =	stream.linear.gather [hbm4b:s3+s2], $0x100, $0x38;
	[tilespmem:$0x10200] =	vst v63  }
0x68: {  	_ =	swait.ge [sflag:s4], $0x100  }
0x69: {  	[sflag:s4] =	ssyncset.done $0x0  }
0x6a: {  	[sflag:s4] =	ssyncadd.s32 $0xFFFFFF00  }
0x6b: {  	[tilespmem:s7], [sflag:$0x1] =	stream.indirect.gather [hbm4b:s5+s6], $0x80, s2, s6, $0xb8;
	[tilespmem:$0x10200] =	vst v63  }
0x6c: {  	_ = 	snop  }
0x6d: {  	[tilespmem:s6], [sflag:$0x3] =	stream.linear.gather [hbm4b:s8+s2], $0x100, $0x38;
	[tilespmem:$0x10200] =	vst v63  }
0x6e: {  	_ =	swait.ge [sflag:s4], $0x100  }
0x6f: {  	[sflag:s4] =	ssyncset.done $0x0  }
0x70: {  	[sflag:s4] =	ssyncadd.s32 $0xFFFFFF00  }
0x71: {  	[tilespmem:s9], [sflag:$0x2] =	stream.indirect.gather [hbm4b:s5+s6], $0x80, s6, s6, $0xb8;
	[tilespmem:$0x10200] =	vst v63  }
0x72: {  	_ =	swait.ge [sflag:s10], $0x8000  }
0x73: {  	[sflag:s10] =	ssyncset.done $0x0  }
0x74: {  	[sflag:s10] =	ssyncadd.s32 $0xFFFF8000  }
0x75: {  	[hbm4b:s11+s2] =	stream.linear.scatter [tilespmem:s7], [sflag:$0x3], $0x8000, $0x38;
	[tilespmem:$0x10200] =	vst v63  }
0x76: {  	_ =	swait.ge [sflag:s4], $0x8000  }
0x77: {  	[sflag:s4] =	ssyncset.done $0x0  }
0x78: {  	[sflag:s4] =	ssyncadd.s32 $0xFFFF8000  }
0x79: {  	[tilespmem:s2], [sflag:$0x3] =	stream.linear.gather [hbm4b:s12+s2], $0x100, $0x38;
	[tilespmem:$0x10200] =	vst v63  }
0x7a: {  	_ =	swait.ge [sflag:s4], $0x100  }
0x7b: {  	[sflag:s4] =	ssyncset.done $0x0  }
0x7c: {  	[sflag:s4] =	ssyncadd.s32 $0xFFFFFF00  }
0x7d: {  	[tilespmem:s7], [sflag:$0x1] =	stream.indirect.gather [hbm4b:s5+s6], $0x80, s2, s6, $0xb8;
	[tilespmem:$0x10200] =	vst v63  }
0x7e: {  	_ =	swait.ge [sflag:s13], $0x8000  }
0x7f: {  	[sflag:s13] =	ssyncset.done $0x0  }
0x80: {  	[sflag:s13] =	ssyncadd.s32 $0xFFFF8000  }
0x81: {  	[hbm4b:s14+s2] =	stream.linear.scatter [tilespmem:s9], [sflag:$0x3], $0x8000, $0x38;
	[tilespmem:$0x10200] =	vst v63  }
0x82: {  	_ =	swait.ge [sflag:s4], $0x8000  }
0x83: {  	[sflag:s4] =	ssyncset.done $0x0  }
0x84: {  	[sflag:s4] =	ssyncadd.s32 $0xFFFF8000  }
0x85: {  	[tilespmem:s6], [sflag:$0x3] =	stream.linear.gather [hbm4b:s15+s2], $0x100, $0x38;
	[tilespmem:$0x10200] =	vst v63  }
0x86: {  	_ =	swait.ge [sflag:s4], $0x100  }
0x87: {  	[sflag:s4] =	ssyncset.done $0x0  }
0x88: {  	[sflag:s4] =	ssyncadd.s32 $0xFFFFFF00  }
0x89: {  	[tilespmem:s9], [sflag:$0x2] =	stream.indirect.gather [hbm4b:s5+s6], $0x80, s6, s6, $0xb8;
	[tilespmem:$0x10200] =	vst v63  }
0x8a: {  	_ =	swait.ge [sflag:s10], $0x8000  }
0x8b: {  	[sflag:s10] =	ssyncset.done $0x0  }
0x8c: {  	[sflag:s10] =	ssyncadd.s32 $0xFFFF8000  }
0x8d: {  	[hbm4b:s16+s2] =	stream.linear.scatter [tilespmem:s7], [sflag:$0x3], $0x8000, $0x38;
	[tilespmem:$0x10200] =	vst v63  }
0x8e: {  	_ =	swait.ge [sflag:s4], $0x8000  }
0x8f: {  	[sflag:s4] =	ssyncset.done $0x0  }
0x90: {  	[sflag:s4] =	ssyncadd.s32 $0xFFFF8000  }
0x91: {  	[tilespmem:s2], [sflag:$0x3] =	stream.linear.gather [hbm4b:s17+s2], $0x100, $0x38;
	[tilespmem:$0x10200] =	vst v63  }
0x92: {  	_ =	swait.ge [sflag:s4], $0x100  }
0x93: {  	[sflag:s4] =	ssyncset.done $0x0  }
0x94: {  	[sflag:s4] =	ssyncadd.s32 $0xFFFFFF00  }
0x95: {  	[tilespmem:s7], [sflag:$0x1] =	stream.indirect.gather [hbm4b:s5+s6], $0x80, s2, s6, $0xb8;
	[tilespmem:$0x10200] =	vst v63  }
0x96: {  	_ =	swait.ge [sflag:s13], $0x8000  }
0x97: {  	[sflag:s13] =	ssyncset.done $0x0  }
0x98: {  	[sflag:s13] =	ssyncadd.s32 $0xFFFF8000  }
0x99: {  	[hbm4b:s18+s2] =	stream.linear.scatter [tilespmem:s9], [sflag:$0x3], $0x8000, $0x38;
	[tilespmem:$0x10200] =	vst v63  }
0x9a: {  	_ =	swait.ge [sflag:s4], $0x8000  }
0x9b: {  	[sflag:s4] =	ssyncset.done $0x0  }
0x9c: {  	[sflag:s4] =	ssyncadd.s32 $0xFFFF8000  }
0x9d: {  	[tilespmem:s6], [sflag:$0x3] =	stream.linear.gather [hbm4b:s19+s2], $0x100, $0x38;
	[tilespmem:$0x10200] =	vst v63  }
0x9e: {  	_ =	swait.ge [sflag:s4], $0x100  }
0x9f: {  	[sflag:s4] =	ssyncset.done $0x0  }
0xa0: {  	[sflag:s4] =	ssyncadd.s32 $0xFFFFFF00  }
0xa1: {  	[tilespmem:s9], [sflag:$0x2] =	stream.indirect.gather [hbm4b:s5+s6], $0x80, s6, s6, $0xb8;
	[tilespmem:$0x10200] =	vst v63  }
0xa2: {  	_ =	swait.ge [sflag:s10], $0x8000  }
0xa3: {  	[sflag:s10] =	ssyncset.done $0x0  }
0xa4: {  	[sflag:s10] =	ssyncadd.s32 $0xFFFF8000  }
0xa5: {  	[hbm4b:s20+s2] =	stream.linear.scatter [tilespmem:s7], [sflag:$0x3], $0x8000, $0x38;
	[tilespmem:$0x10200] =	vst v63  }
0xa6: {  	_ =	swait.ge [sflag:s4], $0x8000  }
0xa7: {  	[sflag:s4] =	ssyncset.done $0x0  }
0xa8: {  	[sflag:s4] =	ssyncadd.s32 $0xFFFF8000  }
0xa9: {  	[tilespmem:s2], [sflag:$0x3] =	stream.linear.gather [hbm4b:s21+s2], $0x100, $0x38;
	[tilespmem:$0x10200] =	vst v63  }
0xaa: {  	_ =	swait.ge [sflag:s4], $0x100  }
0xab: {  	[sflag:s4] =	ssyncset.done $0x0  }
0xac: {  	[sflag:s4] =	ssyncadd.s32 $0xFFFFFF00  }
0xad: {  	[tilespmem:s7], [sflag:$0x1] =	stream.indirect.gather [hbm4b:s5+s6], $0x80, s2, s6, $0xb8;
	[tilespmem:$0x10200] =	vst v63  }
0xae: {  	_ =	swait.ge [sflag:s13], $0x8000  }
0xaf: {  	[sflag:s13] =	ssyncset.done $0x0  }
0xb0: {  	[sflag:s13] =	ssyncadd.s32 $0xFFFF8000  }
0xb1: {  	[hbm4b:s22+s2] =	stream.linear.scatter [tilespmem:s9], [sflag:$0x3], $0x8000, $0x38;
	[tilespmem:$0x10200] =	vst v63  }
0xb2: {  	_ =	swait.ge [sflag:s4], $0x8000  }
0xb3: {  	[sflag:s4] =	ssyncset.done $0x0  }
0xb4: {  	[sflag:s4] =	ssyncadd.s32 $0xFFFF8000  }
0xb5: {  	[tilespmem:s6], [sflag:$0x3] =	stream.linear.gather [hbm4b:s23+s2], $0x100, $0x38;
	[tilespmem:$0x10200] =	vst v63  }
0xb6: {  	_ =	swait.ge [sflag:s4], $0x100  }
0xb7: {  	[sflag:s4] =	ssyncset.done $0x0  }
0xb8: {  	[sflag:s4] =	ssyncadd.s32 $0xFFFFFF00  }
0xb9: {  	[tilespmem:s9], [sflag:$0x2] =	stream.indirect.gather [hbm4b:s5+s6], $0x80, s6, s6, $0xb8;
	[tilespmem:$0x10200] =	vst v63  }
0xba: {  	_ =	swait.ge [sflag:s10], $0x8000  }
0xbb: {  	[sflag:s10] =	ssyncset.done $0x0  }
0xbc: {  	[sflag:s10] =	ssyncadd.s32 $0xFFFF8000  }
0xbd: {  	[hbm4b:s24+s2] =	stream.linear.scatter [tilespmem:s7], [sflag:$0x3], $0x8000, $0x38;
	[tilespmem:$0x10200] =	vst v63  }
0xbe: {  	_ =	swait.ge [sflag:s4], $0x8000  }
0xbf: {  	[sflag:s4] =	ssyncset.done $0x0  }
0xc0: {  	[sflag:s4] =	ssyncadd.s32 $0xFFFF8000  }
0xc1: {  	_ =	swait.ge [sflag:s13], $0x8000  }
.Ltmp1:
0xc2: {  	[sflag:s13] =	ssyncset.done $0x0;
	(pc) =	sbr.rel @p0 .LBB2_1-.Ltmp1, $4  }
0xc3: {  	[sflag:s13] =	ssyncadd.s32 $0xFFFF8000  }
0xc4: {  	[hbm4b:s25+s2] =	stream.linear.scatter [tilespmem:s9], [sflag:$0x3], $0x8000, $0x38;
	[tilespmem:$0x10200] =	vst v63  }
0xc5: {  	_ =	swait.ge [sflag:s4], $0x8000  }
0xc6: {  	[sflag:s4] =	ssyncset.done $0x0  }
.LBB2_2:
0xc7: {  	[sflag:s4] =	ssyncadd.s32 $0xFFFF8000  }
0xc8: {  	_ =	sfence.sel $0x180000  }
0xc9: {  	[bflag:$0x0] =	sbarrier.arrive $0xFFFF  }
0xca: {  	p0 =	sne.s32 s1, $0x0;
	_ =	strace $0x9000004A  }
0xcb: {  	s0 =	sadd.s32 @!p0 $0x100000, s0;
	[bflag:$0x2] =	sbarrier.arrive $0xFFFF  }
0xcc: {  	[sflag:s0] =	ssyncadd.tile.s32 @!p0 $0x1;
	_ =	shalt  }
.Lfunc_end2:
_tile_overlayer_lowered:
.L_overlay_start_2:
0xcd: {  	(tag) =	ssettag $0x2  }
0xce: {  	s0 =	rddreg [dreg:$0x0];
	s2 =	stileid.u32  }
0xcf: {  	s1 =	rddreg [dreg:$0x1];
	p0 =	sne.s32 s2, $0x0  }
0xd0: {  	s3 =	rddreg [dreg:$0x2];
	[bflag:$0x3] =	sbarrier.arrive $0xFFFF;
	s2 =	simm.s32 @!p0 $0x1C03  }
0xd1: {  	[timem:s3], [sflag:s2] =	dma.local @!p0 [hbm:s0], s1  }
0xd2: {  	s0 =	simm.s32 @!p0 $0x3  }
0xd3: {  	_ =	swait.ge @!p0 [sflag:s0], s1  }
0xd4: {  	s1 =	ssub.s32 @!p0 $0x0, s1;
	[sflag:s0] =	ssyncset.done @!p0 $0x0  }
0xd5: {  	[sflag:s0] =	ssyncadd.s32 @!p0 s1  }
0xd6: {  	[bflag:$0x3] =	sbarrier.arrive $0xFFFF  }
0xd7: {  	_ =	shalt  }

// kernel: kernel.25.cloned.1.call-start
scs
__scs_entry_jumppad:
0x0: {  	(pc) =	sbr.rel $0x88, $3  }
0x1: {  	(tag) =	ssettag $0x0;
	lr =	simm.s32 $0x1  }
0x2: {  	[smem:$0x3F96] =	sst lr;
	_ =	strace $0xD0000000  }
0x3: {  	_ = 	snop  }
0x4: {  	_ = 	snop  }
0x5: {  	_ = 	snop  }
0x6: {  	_ = 	snop  }
0x7: {  	_ = 	snop  }
__scs_overlays_trampoline_lowered:
0x8: {  	[smem:$0x3FA5] =	sst s0  }
0x9: {  	[smem:$0x3FA6] =	sst s1  }
0xa: {  	[smem:$0x3FA7] =	sst s2  }
0xb: {  	[smem:$0x3FA8] =	sst s3  }
0xc: {  	[smem:$0x3FA9] =	sst s4  }
0xd: {  	[smem:$0x3FAA] =	sst s5  }
0xe: {  	[smem:$0x3FAB] =	sst s6  }
0xf: {  	[smem:$0x3FAC] =	sst s7  }
0x10: {  	[smem:$0x3FAD] =	sst s8  }
0x11: {  	[smem:$0x3FAE] =	sst s9;
	s0 =	simm.s32 @!p0 $0x0  }
0x12: {  	s1 =	sld [smem:$0x3F94];
	s0 =	simm.s32 @p0 $0x1  }
0x13: {  	[smem:$0x3FAF] =	sst s0;
	s0 =	simm.s32 @!p1 $0x0  }
0x14: {  	s2 =	sld [smem:$0x3F93];
	s0 =	simm.s32 @p1 $0x1  }
0x15: {  	[smem:$0x3FB0] =	sst s0;
	s0 =	simm.s32 @!p2 $0x0  }
0x16: {  	s3 =	sld [smem:$0x3FDB];
	s0 =	simm.s32 @p2 $0x1  }
0x17: {  	s4 =	simm.s32 $0x1BF5;
	[smem:$0x3FB2] =	sst s0  }
0x18: {  	s0 =	sld [smem:$0x3F95];
	_ =	swait.ge [sflag:s4], $0x0  }
0x19: {  	s7 =	sld [smem:$0x3F96]  }
0x1a: {  	s8 =	sadd.s32 $0xFFFFE003, lr  }
0x1b: {  	s9 =	sadd.s32 $0xFFFFFEF7, lr;
	s5 =	simm.s32 $0xFFFFFFFF;
	p2 =	slt.u32 s8, $0xFFFFF086  }
0x1c: {  	p1 =	slt.u32 s9, $0xF7A;
	s5 =	simm.s32 @!p2 $0x0  }
0x1d: {  	s5 =	simm.s32 @p1 $0x1;
	p0 =	seq.s32 s7, s2  }
0x1e: {  	s7 =	smul.u32 @!p0 $0xF7A, s2;
	p2 =	seq.s32 @!p0 s5, $0x0  }
0x1f: {  	s9 =	smul.u32 $0xF7A, s1;
	s8 =	simm.s32 @!p0 $0x1BF5;
	p2 =	por !p2, p0  }
0x20: {  	[sflag:s8] =	ssyncset.s32 @!p0 $0xFFFFF086;
	s6 =	sadd.s32 @!p0 s3, s7;
	s7 =	simm.s32 @!p0 $0x108  }
0x21: {  	s3 =	sadd.s32 s3, s9;
	s6 =	sadd.s32 @!p0 $0x88, s6;
	s7 =	simm.s32 @p2 $0x1082  }
0x22: {  	[simem:s7], [sflag:s8] =	dma.local @!p0 [hbm:s6], $0xF7A  }
0x23: {  	s9 =	sor.u32 $0xD0000000, s2;
	s6 =	simm.s32 $0x108;
	_ =	swait.ge @!p0 [sflag:s8], $0x0  }
0x24: {  	s3 =	sadd.s32 $0x88, s3;
	s6 =	simm.s32 @!p1 $0x1082;
	[sflag:s4] =	ssyncset.s32 $0xFFFFF086  }
0x25: {  	[simem:s6], [sflag:s4] =	dma.local [hbm:s3], $0xF7A  }
0x26: {  	[smem:$0x3F96] =	sst s1;
	(tag) =	ssettag s2;
	_ =	strace s9  }
0x27: {  	s1 =	sld [smem:$0x3FA6]  }
0x28: {  	s2 =	sld [smem:$0x3FA7]  }
0x29: {  	s4 =	sld [smem:$0x3FA9]  }
0x2a: {  	p0 =	seq.s32 s5, $0x0;
	s5 =	sld [smem:$0x3FAA]  }
0x2b: {  	s6 =	sld [smem:$0x3FAB]  }
0x2c: {  	s7 =	sld [smem:$0x3FAC]  }
0x2d: {  	s3 =	simm.s32 $0x108;
	s8 =	sld [smem:$0x3FAD]  }
0x2e: {  	s3 =	simm.s32 @!p0 $0x1082;
	s9 =	sld [smem:$0x3FAE]  }
0x2f: {  	lr =	sadd.s32 s0, s3;
	s0 =	sld [smem:$0x3FA5]  }
0x30: {  	s3 =	sld [smem:$0x3FA8]  }
0x31: {  	[smem:$0x3FB1] =	sst s10  }
0x32: {  	s10 =	sld [smem:$0x3FAF];
	_ =	sdelay $0x3  }
0x33: {  	p0 =	seq.s32 s10, $0x1;
	s10 =	sld [smem:$0x3FB1];
	_ =	sdelay $0x3  }
0x34: {  	[smem:$0x3FB1] =	sst s10  }
0x35: {  	s10 =	sld [smem:$0x3FB0];
	_ =	sdelay $0x3  }
0x36: {  	p1 =	seq.s32 s10, $0x1;
	s10 =	sld [smem:$0x3FB1];
	_ =	sdelay $0x3  }
0x37: {  	[smem:$0x3FB1] =	sst s10  }
0x38: {  	s10 =	sld [smem:$0x3FB2]  }
0x39: {  	_ = 	snop;
	(pc) =	sbr.ind lr, $3  }
0x3a: {  	_ = 	snop  }
0x3b: {  	_ = 	snop  }
0x3c: {  	p2 =	seq.s32 s10, $0x1;
	s10 =	sld [smem:$0x3FB1]  }
0x3d: {  	_ =	shalt  }
0x3e: {  	_ =	shalt  }
0x3f: {  	_ =	shalt  }
0x40: {  	_ =	shalt  }
0x41: {  	_ =	shalt  }
0x42: {  	_ =	shalt  }
0x43: {  	_ =	shalt  }
0x44: {  	_ =	shalt  }
0x45: {  	_ =	shalt  }
0x46: {  	_ =	shalt  }
0x47: {  	_ =	shalt  }
0x48: {  	_ =	shalt  }
0x49: {  	_ =	shalt  }
0x4a: {  	_ =	shalt  }
0x4b: {  	_ =	shalt  }
0x4c: {  	_ =	shalt  }
0x4d: {  	_ =	shalt  }
0x4e: {  	_ =	shalt  }
0x4f: {  	_ =	shalt  }
0x50: {  	_ =	shalt  }
0x51: {  	_ =	shalt  }
0x52: {  	_ =	shalt  }
0x53: {  	_ =	shalt  }
0x54: {  	_ =	shalt  }
0x55: {  	_ =	shalt  }
0x56: {  	_ =	shalt  }
0x57: {  	_ =	shalt  }
0x58: {  	_ =	shalt  }
0x59: {  	_ =	shalt  }
0x5a: {  	_ =	shalt  }
0x5b: {  	_ =	shalt  }
0x5c: {  	_ =	shalt  }
0x5d: {  	_ =	shalt  }
0x5e: {  	_ =	shalt  }
0x5f: {  	_ =	shalt  }
0x60: {  	_ =	shalt  }
0x61: {  	_ =	shalt  }
0x62: {  	_ =	shalt  }
0x63: {  	_ =	shalt  }
0x64: {  	_ =	shalt  }
0x65: {  	_ =	shalt  }
0x66: {  	_ =	shalt  }
0x67: {  	_ =	shalt  }
0x68: {  	_ =	shalt  }
0x69: {  	_ =	shalt  }
0x6a: {  	_ =	shalt  }
0x6b: {  	_ =	shalt  }
0x6c: {  	_ =	shalt  }
0x6d: {  	_ =	shalt  }
0x6e: {  	_ =	shalt  }
0x6f: {  	_ =	shalt  }
0x70: {  	_ =	shalt  }
0x71: {  	_ =	shalt  }
0x72: {  	_ =	shalt  }
0x73: {  	_ =	shalt  }
0x74: {  	_ =	shalt  }
0x75: {  	_ =	shalt  }
0x76: {  	_ =	shalt  }
0x77: {  	_ =	shalt  }
0x78: {  	_ =	shalt  }
0x79: {  	_ =	shalt  }
0x7a: {  	_ =	shalt  }
0x7b: {  	_ =	shalt  }
0x7c: {  	_ =	shalt  }
0x7d: {  	_ =	shalt  }
0x7e: {  	_ =	shalt  }
0x7f: {  	_ =	shalt  }
0x80: {  	_ =	shalt  }
0x81: {  	_ =	shalt  }
0x82: {  	_ =	shalt  }
0x83: {  	_ =	shalt  }
0x84: {  	_ =	shalt  }
0x85: {  	_ =	shalt  }
0x86: {  	_ =	shalt  }
0x87: {  	_ =	shalt  }
.Lfunc_end0:
.L_simem_size_0:
called_computation.1_lowered:
.L_overlay_start_0:
0x88: {  	s2 =	sld [smem:$0x3FD9]  }
0x89: {  	s3 =	sld [smem:$0x3FFE];
	_ =	sdelay $0x1  }
0x8a: {  	s1 =	srdreg.scid  }
0x8b: {  	s0 =	sand.u32 $0x1, s1  }
0x8c: {  	s16 =	sshll.u32 s0, $0xA;
	s2 =	sadd.s32 s3, s2  }
0x8d: {  	s2 =	sadd.s32 s2, s16  }
0x8e: {  	[smem:$0x3FBD] =	sst s2  }
0x8f: {  	_ = 	snop  }
0x90: {  	(tm) =	ssettm $0x1  }
0x91: {  	s17 =	sld [smem:$0x3FFB];
	_ =	sdelay $0x3  }
0x92: {  	_ =	strace s17  }
0x93: {  	s2 =	sld [smem:$0x3FFC];
	_ =	sdelay $0x3  }
0x94: {  	_ =	strace s2  }
0x95: {  	s2 =	sld [smem:$0x3FFD];
	_ =	sdelay $0x3  }
0x96: {  	_ =	strace s2  }
0x97: {  	_ =	strace $0x8FFFFFFF  }
0x98: {  	s18 =	sld [smem:$0x3FDB];
	_ =	sdelay $0x1  }
0x99: {  	s19 =	simm.s32 $_scs_section_size  }
0x9a: {  	s4 =	simm.s32 $_size__tile_overlayer_lowered;
	s5 =	simm.s32 $_tile_overlayer_lowered  }
0x9b: {  	s22 =	simm.s32 $0x1BFF;
	s21 =	sshll.u32 s5, $0x1;
	s2 =	sadd.s32 s19, s18  }
0x9c: {  	s6 =	simm.s32 $0x0;
	s20 =	sshll.u32 s4, $0x1;
	s4 =	sadd.s32 s21, s2  }
0x9d: {  	[timem:s6], [sflag:s22] =	dma.local [hbm:s4], s20  }
0x9e: {  	_ =	swait.ge [sflag:s22], s20  }
0x9f: {  	s3 =	ssub.s32 $0x0, s20;
	[sflag:s22] =	ssyncset.done $0x0  }
0xa0: {  	[sflag:s22] =	ssyncadd.s32 s3;
	_ =	sdelay $0x1  }
0xa1: {  	s23 =	simm.s32 $0x1B8B  }
0xa2: {  	_ =	swait.ge [sflag:s23], $0x1  }
0xa3: {  	[sflag:s23] =	ssyncset.done $0x0  }
0xa4: {  	s25 =	simm.s32 $0x1B8E;
	s24 =	sld [smem:$0x3FFE];
	[sflag:s23] =	ssyncadd.s32 $0xFFFFFFFF  }
0xa5: {  	s26 =	simm.s32 $execute0_lowered;
	[smem:$0x3FD2] =	sst s25  }
0xa6: {  	s4 =	sshll.u32 s26, $0x1;
	_ =	strace $0x80000046;
	[dreg:$0x1] =	wrdreg $0xFFFFFFFF  }
0xa7: {  	s28 =	simm.s32 $_size_execute0_lowered;
	s2 =	sadd.s32 s2, s4;
	[dreg:$0x0] =	wrdreg $0x0  }
0xa8: {  	s4 =	sshll.u32 s28, $0x1;
	[dreg:$0x2] =	wrdreg s2  }
0xa9: {  	[dreg:$0x3] =	wrdreg s4  }
0xaa: {  	[dreg:$0x4] =	wrdreg $0xC0  }
0xab: {  	_ =	task [dreg:s6], $0x5FFFF  }
0xac: {  	[dreg:$0x1] =	wrdreg $0xFFFFFFFF  }
0xad: {  	[dreg:$0x0] =	wrdreg $0x60  }
0xae: {  	[dreg:$0x2] =	wrdreg s24  }
0xaf: {  	[dreg:$0x3] =	wrdreg $0xA  }
0xb0: {  	_ =	task.clear_ibuf [dreg:s6], $0x4FFFF;
	_ =	strace $0x90000046  }
0xb1: {  	s29 =	simm.s32 $0xA;
	_ =	strace $0x80000048  }
0xb2: {  	_ =	swait.ge [sflag:s29], $0x1  }
0xb3: {  	[sflag:s29] =	ssyncadd.s32 $0xFFFFFFFF  }
0xb4: {  	_ =	strace $0x90000048  }
0xb5: {  	_ =	sfence  }
0xb6: {  	s30 =	sld [smem:$0x0];
	_ =	sdelay $0x2  }
0xb7: {  	s31 =	sshll.u32 s1, $0xD;
	s1 =	sshrl.u32 s1, $0x2  }
0xb8: {  	s3 =	sand.u32 $0x4000, s31;
	s1 =	sadd.s32 s1, s30  }
0xb9: {  	s0 =	sor.u32 s3, s0;
	s1 =	sshll.u32 s1, $0x11  }
0xba: {  	s0 =	sor.u32 s1, s0  }
0xbb: {  	s0 =	sadd.s32 $0x8F2B, s0  }
0xbc: {  	[sflag:s0] =	ssyncadd.remote.s32 $0x1  }
0xbd: {  	_ =	sfence.sel $0xFFFF  }
0xbe: {  	[dreg:$0x0] =	wrdreg $0xFFFFFFFF;
	(pc) =	sbr.abs _section_cstart, $3  }
0xbf: {  	[dreg:$0x1] =	wrdreg $0xFFFFFFFF  }
0xc0: {  	_ =	task.clear_ibuf [dreg:s6], $0x2FFFF;
	_ =	strace $0x9FFFFFFF  }
0xc1: {  	(tm) =	ssettm $0x7FFFFFFF  }
tec
execute0_lowered:
.L_overlay_start_1:
0x0: {  	(tag) =	ssettag $0x1  }
0x1: {  	s3 =	srdreg.scid;
	s1 =	stileid.u32  }
0x2: {  	s12 =	rddreg [dreg:$0x0];
	s25 =	sand.u32 $0x1, s3;
	s21 =	sshll.u32 s1, $0x1  }
0x3: {  	s0 =	rddreg [dreg:$0x1];
	s2 =	simm.s32 $0x0;
	s14 =	sor.u32 s25, s21  }
0x4: {  	[smem:$0x7FF] =	sst s2;
	s23 =	sadd.s32 $0x22800, s12;
	s13 =	sshll.u32 s14, $0x8  }
0x5: {  	s4 =	simm.s32 $0x3;
	_ =	strace $0x80000047;
	s3 =	sadd.s32 s23, s13  }
0x6: {  	[tilespmem:s2], [sflag:$0x3] =	stream.linear.gather [hbm4b:s3+s2], $0x100, $0x38;
	[tilespmem:$0x10200] =	vst v63  }
0x7: {  	s6 =	simm.s32 $0x100;
	s24 =	sshll.u32 s14, $0xB;
	_ =	swait.ge [sflag:s4], $0x100  }
0x8: {  	s7 =	simm.s32 $0x200;
	s15 =	sor.u32 $0x100, s24;
	[sflag:s4] =	ssyncset.done $0x0  }
0x9: {  	s5 =	sadd.s32 $0x2800, s12;
	s8 =	sshrl.u32 s15, $0x3;
	[sflag:s4] =	ssyncadd.s32 $0xFFFFFF00  }
0xa: {  	[tilespmem:s7], [sflag:$0x1] =	stream.indirect.gather [hbm4b:s5+s6], $0x80, s2, s6, $0xb8;
	[tilespmem:$0x10200] =	vst v63  }
0xb: {  	s8 =	sadd.s32 s23, s8  }
0xc: {  	[tilespmem:s6], [sflag:$0x3] =	stream.linear.gather [hbm4b:s8+s2], $0x100, $0x38;
	[tilespmem:$0x10200] =	vst v63  }
0xd: {  	_ =	swait.ge [sflag:s4], $0x100  }
0xe: {  	[sflag:s4] =	ssyncset.done $0x0  }
0xf: {  	s9 =	simm.s32 $0x8200;
	s10 =	simm.s32 $0x1;
	[sflag:s4] =	ssyncadd.s32 $0xFFFFFF00  }
0x10: {  	[tilespmem:s9], [sflag:$0x2] =	stream.indirect.gather [hbm4b:s5+s6], $0x80, s6, s6, $0xb8;
	[tilespmem:$0x10200] =	vst v63  }
0x11: {  	_ =	swait.ge [sflag:s10], $0x8000  }
0x12: {  	s26 =	sadd.s32 $0x24800, s12;
	s11 =	sshll.u32 s14, $0xF;
	[sflag:s10] =	ssyncset.done $0x0  }
0x13: {  	s11 =	sadd.s32 s26, s11;
	[sflag:s10] =	ssyncadd.s32 $0xFFFF8000  }
0x14: {  	[hbm4b:s11+s2] =	stream.linear.scatter [tilespmem:s7], [sflag:$0x3], $0x8000, $0x38;
	[tilespmem:$0x10200] =	vst v63  }
0x15: {  	_ =	swait.ge [sflag:s4], $0x8000  }
0x16: {  	s21 =	sadd.s32 $0x22840, s12;
	[sflag:s4] =	ssyncset.done $0x0  }
0x17: {  	s12 =	sadd.s32 s13, s21;
	[sflag:s4] =	ssyncadd.s32 $0xFFFF8000  }
0x18: {  	[tilespmem:s2], [sflag:$0x3] =	stream.linear.gather [hbm4b:s12+s2], $0x100, $0x38;
	[tilespmem:$0x10200] =	vst v63  }
0x19: {  	_ =	swait.ge [sflag:s4], $0x100  }
0x1a: {  	[sflag:s4] =	ssyncset.done $0x0  }
0x1b: {  	s13 =	simm.s32 $0x2;
	[sflag:s4] =	ssyncadd.s32 $0xFFFFFF00  }
0x1c: {  	[tilespmem:s7], [sflag:$0x1] =	stream.indirect.gather [hbm4b:s5+s6], $0x80, s2, s6, $0xb8;
	[tilespmem:$0x10200] =	vst v63  }
0x1d: {  	s18 =	sshll.u32 s14, $0x3;
	_ =	swait.ge [sflag:s13], $0x8000  }
0x1e: {  	s17 =	sor.u32 $0x2, s18;
	s22 =	sshll.u32 s15, $0x4;
	[sflag:s13] =	ssyncset.done $0x0  }
0x1f: {  	s28 =	sshll.u32 s17, $0x8;
	s14 =	sadd.s32 s26, s22;
	[sflag:s13] =	ssyncadd.s32 $0xFFFF8000  }
0x20: {  	[hbm4b:s14+s2] =	stream.linear.scatter [tilespmem:s9], [sflag:$0x3], $0x8000, $0x38;
	[tilespmem:$0x10200] =	vst v63  }
0x21: {  	s19 =	sor.u32 $0x100, s28;
	_ =	swait.ge [sflag:s4], $0x8000  }
0x22: {  	s15 =	sshrl.u32 s19, $0x3;
	[sflag:s4] =	ssyncset.done $0x0  }
0x23: {  	s15 =	sadd.s32 s23, s15;
	[sflag:s4] =	ssyncadd.s32 $0xFFFF8000  }
0x24: {  	[tilespmem:s6], [sflag:$0x3] =	stream.linear.gather [hbm4b:s15+s2], $0x100, $0x38;
	[tilespmem:$0x10200] =	vst v63  }
0x25: {  	_ =	swait.ge [sflag:s4], $0x100  }
0x26: {  	[sflag:s4] =	ssyncset.done $0x0  }
0x27: {  	[sflag:s4] =	ssyncadd.s32 $0xFFFFFF00  }
0x28: {  	[tilespmem:s9], [sflag:$0x2] =	stream.indirect.gather [hbm4b:s5+s6], $0x80, s6, s6, $0xb8;
	[tilespmem:$0x10200] =	vst v63  }
0x29: {  	_ =	swait.ge [sflag:s10], $0x8000  }
0x2a: {  	s16 =	sshll.u32 s17, $0xC;
	[sflag:s10] =	ssyncset.done $0x0  }
0x2b: {  	s16 =	sadd.s32 s26, s16;
	[sflag:s10] =	ssyncadd.s32 $0xFFFF8000  }
0x2c: {  	[hbm4b:s16+s2] =	stream.linear.scatter [tilespmem:s7], [sflag:$0x3], $0x8000, $0x38;
	[tilespmem:$0x10200] =	vst v63  }
0x2d: {  	_ =	swait.ge [sflag:s4], $0x8000  }
0x2e: {  	s17 =	sshll.u32 s17, $0x5;
	[sflag:s4] =	ssyncset.done $0x0  }
0x2f: {  	s17 =	sadd.s32 s17, s21;
	[sflag:s4] =	ssyncadd.s32 $0xFFFF8000  }
0x30: {  	[tilespmem:s2], [sflag:$0x3] =	stream.linear.gather [hbm4b:s17+s2], $0x100, $0x38;
	[tilespmem:$0x10200] =	vst v63  }
0x31: {  	_ =	swait.ge [sflag:s4], $0x100  }
0x32: {  	[sflag:s4] =	ssyncset.done $0x0  }
0x33: {  	[sflag:s4] =	ssyncadd.s32 $0xFFFFFF00  }
0x34: {  	[tilespmem:s7], [sflag:$0x1] =	stream.indirect.gather [hbm4b:s5+s6], $0x80, s2, s6, $0xb8;
	[tilespmem:$0x10200] =	vst v63  }
0x35: {  	_ =	swait.ge [sflag:s13], $0x8000  }
0x36: {  	s22 =	sor.u32 $0x4, s18;
	s19 =	sshll.u32 s19, $0x4;
	[sflag:s13] =	ssyncset.done $0x0  }
0x37: {  	s29 =	sshll.u32 s22, $0x8;
	s18 =	sadd.s32 s26, s19;
	[sflag:s13] =	ssyncadd.s32 $0xFFFF8000  }
0x38: {  	[hbm4b:s18+s2] =	stream.linear.scatter [tilespmem:s9], [sflag:$0x3], $0x8000, $0x38;
	[tilespmem:$0x10200] =	vst v63  }
0x39: {  	s28 =	sor.u32 $0x100, s29;
	_ =	swait.ge [sflag:s4], $0x8000  }
0x3a: {  	s19 =	sshrl.u32 s28, $0x3;
	[sflag:s4] =	ssyncset.done $0x0  }
0x3b: {  	s19 =	sadd.s32 s23, s19;
	[sflag:s4] =	ssyncadd.s32 $0xFFFF8000  }
0x3c: {  	[tilespmem:s6], [sflag:$0x3] =	stream.linear.gather [hbm4b:s19+s2], $0x100, $0x38;
	[tilespmem:$0x10200] =	vst v63  }
0x3d: {  	_ =	swait.ge [sflag:s4], $0x100  }
0x3e: {  	[sflag:s4] =	ssyncset.done $0x0  }
0x3f: {  	[sflag:s4] =	ssyncadd.s32 $0xFFFFFF00  }
0x40: {  	[tilespmem:s9], [sflag:$0x2] =	stream.indirect.gather [hbm4b:s5+s6], $0x80, s6, s6, $0xb8;
	[tilespmem:$0x10200] =	vst v63  }
0x41: {  	_ =	swait.ge [sflag:s10], $0x8000  }
0x42: {  	s20 =	sshll.u32 s22, $0xC;
	[sflag:s10] =	ssyncset.done $0x0  }
0x43: {  	s20 =	sadd.s32 s26, s20;
	[sflag:s10] =	ssyncadd.s32 $0xFFFF8000  }
0x44: {  	[hbm4b:s20+s2] =	stream.linear.scatter [tilespmem:s7], [sflag:$0x3], $0x8000, $0x38;
	[tilespmem:$0x10200] =	vst v63  }
0x45: {  	_ =	swait.ge [sflag:s4], $0x8000  }
0x46: {  	s22 =	sshll.u32 s22, $0x5;
	[sflag:s4] =	ssyncset.done $0x0  }
0x47: {  	s21 =	sadd.s32 s22, s21;
	[sflag:s4] =	ssyncadd.s32 $0xFFFF8000  }
0x48: {  	[tilespmem:s2], [sflag:$0x3] =	stream.linear.gather [hbm4b:s21+s2], $0x100, $0x38;
	[tilespmem:$0x10200] =	vst v63  }
0x49: {  	_ =	swait.ge [sflag:s4], $0x100  }
0x4a: {  	[sflag:s4] =	ssyncset.done $0x0  }
0x4b: {  	[sflag:s4] =	ssyncadd.s32 $0xFFFFFF00  }
0x4c: {  	[tilespmem:s7], [sflag:$0x1] =	stream.indirect.gather [hbm4b:s5+s6], $0x80, s2, s6, $0xb8;
	[tilespmem:$0x10200] =	vst v63  }
0x4d: {  	_ =	swait.ge [sflag:s13], $0x8000  }
0x4e: {  	s30 =	sshll.u32 s28, $0x4;
	[sflag:s13] =	ssyncset.done $0x0  }
0x4f: {  	s22 =	sadd.s32 s26, s30;
	[sflag:s13] =	ssyncadd.s32 $0xFFFF8000  }
0x50: {  	[hbm4b:s22+s2] =	stream.linear.scatter [tilespmem:s9], [sflag:$0x3], $0x8000, $0x38;
	[tilespmem:$0x10200] =	vst v63  }
0x51: {  	s31 =	sor.u32 $0x700, s24;
	_ =	swait.ge [sflag:s4], $0x8000  }
0x52: {  	s24 =	sshrl.u32 s31, $0x3;
	[sflag:s4] =	ssyncset.done $0x0  }
0x53: {  	s23 =	sadd.s32 s23, s24;
	[sflag:s4] =	ssyncadd.s32 $0xFFFF8000  }
0x54: {  	[tilespmem:s6], [sflag:$0x3] =	stream.linear.gather [hbm4b:s23+s2], $0x100, $0x38;
	[tilespmem:$0x10200] =	vst v63  }
0x55: {  	_ =	swait.ge [sflag:s4], $0x100  }
0x56: {  	[sflag:s4] =	ssyncset.done $0x0  }
0x57: {  	[sflag:s4] =	ssyncadd.s32 $0xFFFFFF00  }
0x58: {  	[tilespmem:s9], [sflag:$0x2] =	stream.indirect.gather [hbm4b:s5+s6], $0x80, s6, s6, $0xb8;
	[tilespmem:$0x10200] =	vst v63  }
0x59: {  	_ =	swait.ge [sflag:s10], $0x8000  }
0x5a: {  	[sflag:s10] =	ssyncset.done $0x0  }
0x5b: {  	s25 =	ssub.s32 $0x2, s25;
	s24 =	sadd.s32 $0x6000, s11;
	[sflag:s10] =	ssyncadd.s32 $0xFFFF8000  }
0x5c: {  	[hbm4b:s24+s2] =	stream.linear.scatter [tilespmem:s7], [sflag:$0x3], $0x8000, $0x38;
	[tilespmem:$0x10200] =	vst v63  }
0x5d: {  	s29 =	sshrl.u32 s25, $0x1;
	_ =	swait.ge [sflag:s4], $0x8000  }
0x5e: {  	s29 =	ssub.s32 s25, s29;
	[sflag:s4] =	ssyncset.done $0x0  }
0x5f: {  	s30 =	sshll.u32 s31, $0x4;
	s31 =	smax.u32 s29, $0x1;
	[sflag:s4] =	ssyncadd.s32 $0xFFFF8000  }
0x60: {  	p0 =	sne.s32 s31, $0x1;
	_ =	swait.ge [sflag:s13], $0x8000  }
.Ltmp0:
0x61: {  	[sflag:s13] =	ssyncset.done $0x0;
	(pc) =	sbr.rel @!p0 .LBB2_2-.Ltmp0, $4  }
0x62: {  	s25 =	sadd.s32 s26, s30;
	[sflag:s13] =	ssyncadd.s32 $0xFFFF8000  }
0x63: {  	[hbm4b:s25+s2] =	stream.linear.scatter [tilespmem:s9], [sflag:$0x3], $0x8000, $0x38;
	[tilespmem:$0x10200] =	vst v63  }
0x64: {  	_ =	swait.ge [sflag:s4], $0x8000  }
0x65: {  	s26 =	sadd.s32 $0xFFFFFFFF, s31;
	[sflag:s4] =	ssyncset.done $0x0  }
.LBB2_1:
0x66: {  	p0 =	sne.s32 s26, $0x1;
	s26 =	sadd.s32 $0xFFFFFFFF, s26;
	[sflag:s4] =	ssyncadd.s32 $0xFFFF8000  }
0x67: {  	[tilespmem:s2], [sflag:$0x3] =	stream.linear.gather [hbm4b:s3+s2], $0x100, $0x38;
	[tilespmem:$0x10200] =	vst v63  }
0x68: {  	_ =	swait.ge [sflag:s4], $0x100  }
0x69: {  	[sflag:s4] =	ssyncset.done $0x0  }
0x6a: {  	[sflag:s4] =	ssyncadd.s32 $0xFFFFFF00  }
0x6b: {  	[tilespmem:s7], [sflag:$0x1] =	stream.indirect.gather [hbm4b:s5+s6], $0x80, s2, s6, $0xb8;
	[tilespmem:$0x10200] =	vst v63  }
0x6c: {  	_ = 	snop  }
0x6d: {  	[tilespmem:s6], [sflag:$0x3] =	stream.linear.gather [hbm4b:s8+s2], $0x100, $0x38;
	[tilespmem:$0x10200] =	vst v63  }
0x6e: {  	_ =	swait.ge [sflag:s4], $0x100  }
0x6f: {  	[sflag:s4] =	ssyncset.done $0x0  }
0x70: {  	[sflag:s4] =	ssyncadd.s32 $0xFFFFFF00  }
0x71: {  	[tilespmem:s9], [sflag:$0x2] =	stream.indirect.gather [hbm4b:s5+s6], $0x80, s6, s6, $0xb8;
	[tilespmem:$0x10200] =	vst v63  }
0x72: {  	_ =	swait.ge [sflag:s10], $0x8000  }
0x73: {  	[sflag:s10] =	ssyncset.done $0x0  }
0x74: {  	[sflag:s10] =	ssyncadd.s32 $0xFFFF8000  }
0x75: {  	[hbm4b:s11+s2] =	stream.linear.scatter [tilespmem:s7], [sflag:$0x3], $0x8000, $0x38;
	[tilespmem:$0x10200] =	vst v63  }
0x76: {  	_ =	swait.ge [sflag:s4], $0x8000  }
0x77: {  	[sflag:s4] =	ssyncset.done $0x0  }
0x78: {  	[sflag:s4] =	ssyncadd.s32 $0xFFFF8000  }
0x79: {  	[tilespmem:s2], [sflag:$0x3] =	stream.linear.gather [hbm4b:s12+s2], $0x100, $0x38;
	[tilespmem:$0x10200] =	vst v63  }
0x7a: {  	_ =	swait.ge [sflag:s4], $0x100  }
0x7b: {  	[sflag:s4] =	ssyncset.done $0x0  }
0x7c: {  	[sflag:s4] =	ssyncadd.s32 $0xFFFFFF00  }
0x7d: {  	[tilespmem:s7], [sflag:$0x1] =	stream.indirect.gather [hbm4b:s5+s6], $0x80, s2, s6, $0xb8;
	[tilespmem:$0x10200] =	vst v63  }
0x7e: {  	_ =	swait.ge [sflag:s13], $0x8000  }
0x7f: {  	[sflag:s13] =	ssyncset.done $0x0  }
0x80: {  	[sflag:s13] =	ssyncadd.s32 $0xFFFF8000  }
0x81: {  	[hbm4b:s14+s2] =	stream.linear.scatter [tilespmem:s9], [sflag:$0x3], $0x8000, $0x38;
	[tilespmem:$0x10200] =	vst v63  }
0x82: {  	_ =	swait.ge [sflag:s4], $0x8000  }
0x83: {  	[sflag:s4] =	ssyncset.done $0x0  }
0x84: {  	[sflag:s4] =	ssyncadd.s32 $0xFFFF8000  }
0x85: {  	[tilespmem:s6], [sflag:$0x3] =	stream.linear.gather [hbm4b:s15+s2], $0x100, $0x38;
	[tilespmem:$0x10200] =	vst v63  }
0x86: {  	_ =	swait.ge [sflag:s4], $0x100  }
0x87: {  	[sflag:s4] =	ssyncset.done $0x0  }
0x88: {  	[sflag:s4] =	ssyncadd.s32 $0xFFFFFF00  }
0x89: {  	[tilespmem:s9], [sflag:$0x2] =	stream.indirect.gather [hbm4b:s5+s6], $0x80, s6, s6, $0xb8;
	[tilespmem:$0x10200] =	vst v63  }
0x8a: {  	_ =	swait.ge [sflag:s10], $0x8000  }
0x8b: {  	[sflag:s10] =	ssyncset.done $0x0  }
0x8c: {  	[sflag:s10] =	ssyncadd.s32 $0xFFFF8000  }
0x8d: {  	[hbm4b:s16+s2] =	stream.linear.scatter [tilespmem:s7], [sflag:$0x3], $0x8000, $0x38;
	[tilespmem:$0x10200] =	vst v63  }
0x8e: {  	_ =	swait.ge [sflag:s4], $0x8000  }
0x8f: {  	[sflag:s4] =	ssyncset.done $0x0  }
0x90: {  	[sflag:s4] =	ssyncadd.s32 $0xFFFF8000  }
0x91: {  	[tilespmem:s2], [sflag:$0x3] =	stream.linear.gather [hbm4b:s17+s2], $0x100, $0x38;
	[tilespmem:$0x10200] =	vst v63  }
0x92: {  	_ =	swait.ge [sflag:s4], $0x100  }
0x93: {  	[sflag:s4] =	ssyncset.done $0x0  }
0x94: {  	[sflag:s4] =	ssyncadd.s32 $0xFFFFFF00  }
0x95: {  	[tilespmem:s7], [sflag:$0x1] =	stream.indirect.gather [hbm4b:s5+s6], $0x80, s2, s6, $0xb8;
	[tilespmem:$0x10200] =	vst v63  }
0x96: {  	_ =	swait.ge [sflag:s13], $0x8000  }
0x97: {  	[sflag:s13] =	ssyncset.done $0x0  }
0x98: {  	[sflag:s13] =	ssyncadd.s32 $0xFFFF8000  }
0x99: {  	[hbm4b:s18+s2] =	stream.linear.scatter [tilespmem:s9], [sflag:$0x3], $0x8000, $0x38;
	[tilespmem:$0x10200] =	vst v63  }
0x9a: {  	_ =	swait.ge [sflag:s4], $0x8000  }
0x9b: {  	[sflag:s4] =	ssyncset.done $0x0  }
0x9c: {  	[sflag:s4] =	ssyncadd.s32 $0xFFFF8000  }
0x9d: {  	[tilespmem:s6], [sflag:$0x3] =	stream.linear.gather [hbm4b:s19+s2], $0x100, $0x38;
	[tilespmem:$0x10200] =	vst v63  }
0x9e: {  	_ =	swait.ge [sflag:s4], $0x100  }
0x9f: {  	[sflag:s4] =	ssyncset.done $0x0  }
0xa0: {  	[sflag:s4] =	ssyncadd.s32 $0xFFFFFF00  }
0xa1: {  	[tilespmem:s9], [sflag:$0x2] =	stream.indirect.gather [hbm4b:s5+s6], $0x80, s6, s6, $0xb8;
	[tilespmem:$0x10200] =	vst v63  }
0xa2: {  	_ =	swait.ge [sflag:s10], $0x8000  }
0xa3: {  	[sflag:s10] =	ssyncset.done $0x0  }
0xa4: {  	[sflag:s10] =	ssyncadd.s32 $0xFFFF8000  }
0xa5: {  	[hbm4b:s20+s2] =	stream.linear.scatter [tilespmem:s7], [sflag:$0x3], $0x8000, $0x38;
	[tilespmem:$0x10200] =	vst v63  }
0xa6: {  	_ =	swait.ge [sflag:s4], $0x8000  }
0xa7: {  	[sflag:s4] =	ssyncset.done $0x0  }
0xa8: {  	[sflag:s4] =	ssyncadd.s32 $0xFFFF8000  }
0xa9: {  	[tilespmem:s2], [sflag:$0x3] =	stream.linear.gather [hbm4b:s21+s2], $0x100, $0x38;
	[tilespmem:$0x10200] =	vst v63  }
0xaa: {  	_ =	swait.ge [sflag:s4], $0x100  }
0xab: {  	[sflag:s4] =	ssyncset.done $0x0  }
0xac: {  	[sflag:s4] =	ssyncadd.s32 $0xFFFFFF00  }
0xad: {  	[tilespmem:s7], [sflag:$0x1] =	stream.indirect.gather [hbm4b:s5+s6], $0x80, s2, s6, $0xb8;
	[tilespmem:$0x10200] =	vst v63  }
0xae: {  	_ =	swait.ge [sflag:s13], $0x8000  }
0xaf: {  	[sflag:s13] =	ssyncset.done $0x0  }
0xb0: {  	[sflag:s13] =	ssyncadd.s32 $0xFFFF8000  }
0xb1: {  	[hbm4b:s22+s2] =	stream.linear.scatter [tilespmem:s9], [sflag:$0x3], $0x8000, $0x38;
	[tilespmem:$0x10200] =	vst v63  }
0xb2: {  	_ =	swait.ge [sflag:s4], $0x8000  }
0xb3: {  	[sflag:s4] =	ssyncset.done $0x0  }
0xb4: {  	[sflag:s4] =	ssyncadd.s32 $0xFFFF8000  }
0xb5: {  	[tilespmem:s6], [sflag:$0x3] =	stream.linear.gather [hbm4b:s23+s2], $0x100, $0x38;
	[tilespmem:$0x10200] =	vst v63  }
0xb6: {  	_ =	swait.ge [sflag:s4], $0x100  }
0xb7: {  	[sflag:s4] =	ssyncset.done $0x0  }
0xb8: {  	[sflag:s4] =	ssyncadd.s32 $0xFFFFFF00  }
0xb9: {  	[tilespmem:s9], [sflag:$0x2] =	stream.indirect.gather [hbm4b:s5+s6], $0x80, s6, s6, $0xb8;
	[tilespmem:$0x10200] =	vst v63  }
0xba: {  	_ =	swait.ge [sflag:s10], $0x8000  }
0xbb: {  	[sflag:s10] =	ssyncset.done $0x0  }
0xbc: {  	[sflag:s10] =	ssyncadd.s32 $0xFFFF8000  }
0xbd: {  	[hbm4b:s24+s2] =	stream.linear.scatter [tilespmem:s7], [sflag:$0x3], $0x8000, $0x38;
	[tilespmem:$0x10200] =	vst v63  }
0xbe: {  	_ =	swait.ge [sflag:s4], $0x8000  }
0xbf: {  	[sflag:s4] =	ssyncset.done $0x0  }
0xc0: {  	[sflag:s4] =	ssyncadd.s32 $0xFFFF8000  }
0xc1: {  	_ =	swait.ge [sflag:s13], $0x8000  }
.Ltmp1:
0xc2: {  	[sflag:s13] =	ssyncset.done $0x0;
	(pc) =	sbr.rel @p0 .LBB2_1-.Ltmp1, $4  }
0xc3: {  	[sflag:s13] =	ssyncadd.s32 $0xFFFF8000  }
0xc4: {  	[hbm4b:s25+s2] =	stream.linear.scatter [tilespmem:s9], [sflag:$0x3], $0x8000, $0x38;
	[tilespmem:$0x10200] =	vst v63  }
0xc5: {  	_ =	swait.ge [sflag:s4], $0x8000  }
0xc6: {  	[sflag:s4] =	ssyncset.done $0x0  }
.LBB2_2:
0xc7: {  	[sflag:s4] =	ssyncadd.s32 $0xFFFF8000  }
0xc8: {  	_ =	sfence.sel $0x180000  }
0xc9: {  	[bflag:$0x0] =	sbarrier.arrive $0xFFFF  }
0xca: {  	p0 =	sne.s32 s1, $0x0;
	_ =	strace $0x90000047  }
0xcb: {  	s0 =	sadd.s32 @!p0 $0x100000, s0;
	[bflag:$0x2] =	sbarrier.arrive $0xFFFF  }
0xcc: {  	[sflag:s0] =	ssyncadd.tile.s32 @!p0 $0x1;
	_ =	shalt  }
.Lfunc_end2:
_tile_overlayer_lowered:
.L_overlay_start_2:
0xcd: {  	(tag) =	ssettag $0x2  }
0xce: {  	s0 =	rddreg [dreg:$0x0];
	s2 =	stileid.u32  }
0xcf: {  	s1 =	rddreg [dreg:$0x1];
	p0 =	sne.s32 s2, $0x0  }
0xd0: {  	s3 =	rddreg [dreg:$0x2];
	[bflag:$0x3] =	sbarrier.arrive $0xFFFF;
	s2 =	simm.s32 @!p0 $0x1C03  }
0xd1: {  	[timem:s3], [sflag:s2] =	dma.local @!p0 [hbm:s0], s1  }
0xd2: {  	s0 =	simm.s32 @!p0 $0x3  }
0xd3: {  	_ =	swait.ge @!p0 [sflag:s0], s1  }
0xd4: {  	s1 =	ssub.s32 @!p0 $0x0, s1;
	[sflag:s0] =	ssyncset.done @!p0 $0x0  }
0xd5: {  	[sflag:s0] =	ssyncadd.s32 @!p0 s1  }
0xd6: {  	[bflag:$0x3] =	sbarrier.arrive $0xFFFF  }
0xd7: {  	_ =	shalt  }

// kernel: kernel.28.cloned.1.call-start
scs
__scs_entry_jumppad:
0x0: {  	(pc) =	sbr.rel $0x88, $3  }
0x1: {  	(tag) =	ssettag $0x0;
	lr =	simm.s32 $0x1  }
0x2: {  	[smem:$0x3F96] =	sst lr;
	_ =	strace $0xD0000000  }
0x3: {  	_ = 	snop  }
0x4: {  	_ = 	snop  }
0x5: {  	_ = 	snop  }
0x6: {  	_ = 	snop  }
0x7: {  	_ = 	snop  }
__scs_overlays_trampoline_lowered:
0x8: {  	[smem:$0x3FA5] =	sst s0  }
0x9: {  	[smem:$0x3FA6] =	sst s1  }
0xa: {  	[smem:$0x3FA7] =	sst s2  }
0xb: {  	[smem:$0x3FA8] =	sst s3  }
0xc: {  	[smem:$0x3FA9] =	sst s4  }
0xd: {  	[smem:$0x3FAA] =	sst s5  }
0xe: {  	[smem:$0x3FAB] =	sst s6  }
0xf: {  	[smem:$0x3FAC] =	sst s7  }
0x10: {  	[smem:$0x3FAD] =	sst s8  }
0x11: {  	[smem:$0x3FAE] =	sst s9;
	s0 =	simm.s32 @!p0 $0x0  }
0x12: {  	s1 =	sld [smem:$0x3F94];
	s0 =	simm.s32 @p0 $0x1  }
0x13: {  	[smem:$0x3FAF] =	sst s0;
	s0 =	simm.s32 @!p1 $0x0  }
0x14: {  	s2 =	sld [smem:$0x3F93];
	s0 =	simm.s32 @p1 $0x1  }
0x15: {  	[smem:$0x3FB0] =	sst s0;
	s0 =	simm.s32 @!p2 $0x0  }
0x16: {  	s3 =	sld [smem:$0x3FDB];
	s0 =	simm.s32 @p2 $0x1  }
0x17: {  	s4 =	simm.s32 $0x1BF5;
	[smem:$0x3FB2] =	sst s0  }
0x18: {  	s0 =	sld [smem:$0x3F95];
	_ =	swait.ge [sflag:s4], $0x0  }
0x19: {  	s7 =	sld [smem:$0x3F96]  }
0x1a: {  	s8 =	sadd.s32 $0xFFFFE003, lr  }
0x1b: {  	s9 =	sadd.s32 $0xFFFFFEF7, lr;
	s5 =	simm.s32 $0xFFFFFFFF;
	p2 =	slt.u32 s8, $0xFFFFF086  }
0x1c: {  	p1 =	slt.u32 s9, $0xF7A;
	s5 =	simm.s32 @!p2 $0x0  }
0x1d: {  	s5 =	simm.s32 @p1 $0x1;
	p0 =	seq.s32 s7, s2  }
0x1e: {  	s7 =	smul.u32 @!p0 $0xF7A, s2;
	p2 =	seq.s32 @!p0 s5, $0x0  }
0x1f: {  	s9 =	smul.u32 $0xF7A, s1;
	s8 =	simm.s32 @!p0 $0x1BF5;
	p2 =	por !p2, p0  }
0x20: {  	[sflag:s8] =	ssyncset.s32 @!p0 $0xFFFFF086;
	s6 =	sadd.s32 @!p0 s3, s7;
	s7 =	simm.s32 @!p0 $0x108  }
0x21: {  	s3 =	sadd.s32 s3, s9;
	s6 =	sadd.s32 @!p0 $0x88, s6;
	s7 =	simm.s32 @p2 $0x1082  }
0x22: {  	[simem:s7], [sflag:s8] =	dma.local @!p0 [hbm:s6], $0xF7A  }
0x23: {  	s9 =	sor.u32 $0xD0000000, s2;
	s6 =	simm.s32 $0x108;
	_ =	swait.ge @!p0 [sflag:s8], $0x0  }
0x24: {  	s3 =	sadd.s32 $0x88, s3;
	s6 =	simm.s32 @!p1 $0x1082;
	[sflag:s4] =	ssyncset.s32 $0xFFFFF086  }
0x25: {  	[simem:s6], [sflag:s4] =	dma.local [hbm:s3], $0xF7A  }
0x26: {  	[smem:$0x3F96] =	sst s1;
	(tag) =	ssettag s2;
	_ =	strace s9  }
0x27: {  	s1 =	sld [smem:$0x3FA6]  }
0x28: {  	s2 =	sld [smem:$0x3FA7]  }
0x29: {  	s4 =	sld [smem:$0x3FA9]  }
0x2a: {  	p0 =	seq.s32 s5, $0x0;
	s5 =	sld [smem:$0x3FAA]  }
0x2b: {  	s6 =	sld [smem:$0x3FAB]  }
0x2c: {  	s7 =	sld [smem:$0x3FAC]  }
0x2d: {  	s3 =	simm.s32 $0x108;
	s8 =	sld [smem:$0x3FAD]  }
0x2e: {  	s3 =	simm.s32 @!p0 $0x1082;
	s9 =	sld [smem:$0x3FAE]  }
0x2f: {  	lr =	sadd.s32 s0, s3;
	s0 =	sld [smem:$0x3FA5]  }
0x30: {  	s3 =	sld [smem:$0x3FA8]  }
0x31: {  	[smem:$0x3FB1] =	sst s10  }
0x32: {  	s10 =	sld [smem:$0x3FAF];
	_ =	sdelay $0x3  }
0x33: {  	p0 =	seq.s32 s10, $0x1;
	s10 =	sld [smem:$0x3FB1];
	_ =	sdelay $0x3  }
0x34: {  	[smem:$0x3FB1] =	sst s10  }
0x35: {  	s10 =	sld [smem:$0x3FB0];
	_ =	sdelay $0x3  }
0x36: {  	p1 =	seq.s32 s10, $0x1;
	s10 =	sld [smem:$0x3FB1];
	_ =	sdelay $0x3  }
0x37: {  	[smem:$0x3FB1] =	sst s10  }
0x38: {  	s10 =	sld [smem:$0x3FB2]  }
0x39: {  	_ = 	snop;
	(pc) =	sbr.ind lr, $3  }
0x3a: {  	_ = 	snop  }
0x3b: {  	_ = 	snop  }
0x3c: {  	p2 =	seq.s32 s10, $0x1;
	s10 =	sld [smem:$0x3FB1]  }
0x3d: {  	_ =	shalt  }
0x3e: {  	_ =	shalt  }
0x3f: {  	_ =	shalt  }
0x40: {  	_ =	shalt  }
0x41: {  	_ =	shalt  }
0x42: {  	_ =	shalt  }
0x43: {  	_ =	shalt  }
0x44: {  	_ =	shalt  }
0x45: {  	_ =	shalt  }
0x46: {  	_ =	shalt  }
0x47: {  	_ =	shalt  }
0x48: {  	_ =	shalt  }
0x49: {  	_ =	shalt  }
0x4a: {  	_ =	shalt  }
0x4b: {  	_ =	shalt  }
0x4c: {  	_ =	shalt  }
0x4d: {  	_ =	shalt  }
0x4e: {  	_ =	shalt  }
0x4f: {  	_ =	shalt  }
0x50: {  	_ =	shalt  }
0x51: {  	_ =	shalt  }
0x52: {  	_ =	shalt  }
0x53: {  	_ =	shalt  }
0x54: {  	_ =	shalt  }
0x55: {  	_ =	shalt  }
0x56: {  	_ =	shalt  }
0x57: {  	_ =	shalt  }
0x58: {  	_ =	shalt  }
0x59: {  	_ =	shalt  }
0x5a: {  	_ =	shalt  }
0x5b: {  	_ =	shalt  }
0x5c: {  	_ =	shalt  }
0x5d: {  	_ =	shalt  }
0x5e: {  	_ =	shalt  }
0x5f: {  	_ =	shalt  }
0x60: {  	_ =	shalt  }
0x61: {  	_ =	shalt  }
0x62: {  	_ =	shalt  }
0x63: {  	_ =	shalt  }
0x64: {  	_ =	shalt  }
0x65: {  	_ =	shalt  }
0x66: {  	_ =	shalt  }
0x67: {  	_ =	shalt  }
0x68: {  	_ =	shalt  }
0x69: {  	_ =	shalt  }
0x6a: {  	_ =	shalt  }
0x6b: {  	_ =	shalt  }
0x6c: {  	_ =	shalt  }
0x6d: {  	_ =	shalt  }
0x6e: {  	_ =	shalt  }
0x6f: {  	_ =	shalt  }
0x70: {  	_ =	shalt  }
0x71: {  	_ =	shalt  }
0x72: {  	_ =	shalt  }
0x73: {  	_ =	shalt  }
0x74: {  	_ =	shalt  }
0x75: {  	_ =	shalt  }
0x76: {  	_ =	shalt  }
0x77: {  	_ =	shalt  }
0x78: {  	_ =	shalt  }
0x79: {  	_ =	shalt  }
0x7a: {  	_ =	shalt  }
0x7b: {  	_ =	shalt  }
0x7c: {  	_ =	shalt  }
0x7d: {  	_ =	shalt  }
0x7e: {  	_ =	shalt  }
0x7f: {  	_ =	shalt  }
0x80: {  	_ =	shalt  }
0x81: {  	_ =	shalt  }
0x82: {  	_ =	shalt  }
0x83: {  	_ =	shalt  }
0x84: {  	_ =	shalt  }
0x85: {  	_ =	shalt  }
0x86: {  	_ =	shalt  }
0x87: {  	_ =	shalt  }
.Lfunc_end0:
.L_simem_size_0:
called_computation.2_lowered:
.L_overlay_start_0:
0x88: {  	s2 =	sld [smem:$0x3FD9]  }
0x89: {  	s3 =	sld [smem:$0x3FFE];
	_ =	sdelay $0x1  }
0x8a: {  	s1 =	srdreg.scid  }
0x8b: {  	s0 =	sand.u32 $0x1, s1  }
0x8c: {  	s17 =	sshll.u32 s0, $0xA;
	s2 =	sadd.s32 s3, s2  }
0x8d: {  	s2 =	sadd.s32 s2, s17  }
0x8e: {  	[smem:$0x3FBD] =	sst s2  }
0x8f: {  	_ = 	snop  }
0x90: {  	(tm) =	ssettm $0x1  }
0x91: {  	s18 =	sld [smem:$0x3FFB];
	_ =	sdelay $0x3  }
0x92: {  	_ =	strace s18  }
0x93: {  	s2 =	sld [smem:$0x3FFC];
	_ =	sdelay $0x3  }
0x94: {  	_ =	strace s2  }
0x95: {  	s2 =	sld [smem:$0x3FFD];
	_ =	sdelay $0x3  }
0x96: {  	_ =	strace s2  }
0x97: {  	_ =	strace $0x8FFFFFFF  }
0x98: {  	s19 =	sld [smem:$0x3FDB];
	_ =	sdelay $0x1  }
0x99: {  	s20 =	simm.s32 $_scs_section_size  }
0x9a: {  	s4 =	simm.s32 $_size__tile_overlayer_lowered;
	s5 =	simm.s32 $_tile_overlayer_lowered  }
0x9b: {  	s6 =	simm.s32 $0x1BFF;
	s21 =	sshll.u32 s5, $0x1;
	s3 =	sadd.s32 s20, s19  }
0x9c: {  	s22 =	simm.s32 $0x0;
	s4 =	sshll.u32 s4, $0x1;
	s5 =	sadd.s32 s21, s3  }
0x9d: {  	[timem:s22], [sflag:s6] =	dma.local [hbm:s5], s4  }
0x9e: {  	_ =	swait.ge [sflag:s6], s4  }
0x9f: {  	s4 =	ssub.s32 $0x0, s4;
	[sflag:s6] =	ssyncset.done $0x0  }
0xa0: {  	[sflag:s6] =	ssyncadd.s32 s4;
	_ =	sdelay $0x1  }
0xa1: {  	s23 =	simm.s32 $0x1B8B  }
0xa2: {  	_ =	swait.ge [sflag:s23], $0x1  }
0xa3: {  	[sflag:s23] =	ssyncset.done $0x0  }
0xa4: {  	[sflag:s23] =	ssyncadd.s32 $0xFFFFFFFF  }
0xa5: {  	s4 =	sld [smem:$0x0]  }
0xa6: {  	s5 =	sand.u32 $0xFFFFFFFE, s1  }
0xa7: {  	p0 =	sne.s32 s1, s5  }
0xa8: {  	s5 =	sshll.u32 @p0 s5, $0xE  }
0xa9: {  	s5 =	sadd.s32 @p0 $0x11B8D, s5;
	s6 =	sshll.u32 @p0 s4, $0x11  }
0xaa: {  	s5 =	sor.u32 @p0 s6, s5  }
0xab: {  	[sflag:s5] =	ssyncadd.remote.s32 @p0 $0x1;
	_ =	sdelay $0x1  }
0xac: {  	s5 =	simm.s32 @p0 $0x1B8D  }
0xad: {  	_ =	swait.eq @p0 [sflag:s5], $0x1  }
0xae: {  	[sflag:s5] =	ssyncadd.s32 @p0 $0xFFFFFFFF  }
0xaf: {  	s6 =	sshll.u32 @!p0 s1, $0xE  }
0xb0: {  	s6 =	sor.u32 @!p0 $0x4000, s6;
	s5 =	simm.s32 @!p0 $0x1B8D  }
0xb1: {  	s4 =	sshll.u32 @!p0 s4, $0x11;
	s6 =	sadd.s32 @!p0 $0x11B8D, s6;
	_ =	swait.eq @!p0 [sflag:s5], $0x1  }
0xb2: {  	s4 =	sor.u32 @!p0 s4, s6;
	[sflag:s5] =	ssyncadd.s32 @!p0 $0xFFFFFFFF  }
0xb3: {  	s25 =	simm.s32 $0x1B8E;
	s24 =	sld [smem:$0x3FFE];
	[sflag:s4] =	ssyncadd.remote.s32 @!p0 $0x1  }
0xb4: {  	s26 =	simm.s32 $execute0_lowered;
	[smem:$0x3FD2] =	sst s25  }
0xb5: {  	s5 =	sshll.u32 s26, $0x1;
	_ =	strace $0x8000004C;
	[dreg:$0x1] =	wrdreg $0xFFFFFFFF  }
0xb6: {  	s28 =	simm.s32 $_size_execute0_lowered;
	s3 =	sadd.s32 s3, s5;
	[dreg:$0x0] =	wrdreg $0x0  }
0xb7: {  	s5 =	sshll.u32 s28, $0x1;
	[dreg:$0x2] =	wrdreg s3  }
0xb8: {  	[dreg:$0x3] =	wrdreg s5  }
0xb9: {  	[dreg:$0x4] =	wrdreg $0xC0  }
0xba: {  	_ =	task [dreg:s22], $0x5FFFF  }
0xbb: {  	[dreg:$0x1] =	wrdreg $0xFFFFFFFF  }
0xbc: {  	[dreg:$0x0] =	wrdreg $0x60  }
0xbd: {  	[dreg:$0x2] =	wrdreg s24  }
0xbe: {  	[dreg:$0x3] =	wrdreg $0xB  }
0xbf: {  	_ =	task.clear_ibuf [dreg:s22], $0x4FFFF;
	_ =	strace $0x9000004C  }
0xc0: {  	s29 =	simm.s32 $0xB;
	_ =	strace $0x8000004E  }
0xc1: {  	_ =	swait.ge [sflag:s29], $0x1  }
0xc2: {  	[sflag:s29] =	ssyncadd.s32 $0xFFFFFFFF  }
0xc3: {  	_ =	strace $0x9000004E  }
0xc4: {  	_ =	sfence  }
0xc5: {  	s30 =	sld [smem:$0x0];
	_ =	sdelay $0x2  }
0xc6: {  	s31 =	sshll.u32 s1, $0xD;
	s1 =	sshrl.u32 s1, $0x2  }
0xc7: {  	s4 =	sand.u32 $0x4000, s31;
	s1 =	sadd.s32 s1, s30  }
0xc8: {  	s0 =	sor.u32 s4, s0;
	s1 =	sshll.u32 s1, $0x11  }
0xc9: {  	s0 =	sor.u32 s1, s0  }
0xca: {  	s0 =	sadd.s32 $0x8F2B, s0  }
0xcb: {  	[sflag:s0] =	ssyncadd.remote.s32 $0x1  }
0xcc: {  	_ =	sfence.sel $0xFFFF  }
0xcd: {  	[dreg:$0x0] =	wrdreg $0xFFFFFFFF;
	(pc) =	sbr.abs _section_cstart, $3  }
0xce: {  	[dreg:$0x1] =	wrdreg $0xFFFFFFFF  }
0xcf: {  	_ =	task.clear_ibuf [dreg:s22], $0x2FFFF;
	_ =	strace $0x9FFFFFFF  }
0xd0: {  	(tm) =	ssettm $0x7FFFFFFF  }
0xd1: {  	_ =	shalt  }
tec
execute0_lowered:
.L_overlay_start_1:
0x0: {  	(tag) =	ssettag $0x1  }
0x1: {  	s3 =	srdreg.scid;
	s1 =	stileid.u32  }
0x2: {  	s12 =	rddreg [dreg:$0x0];
	s25 =	sand.u32 $0x1, s3;
	s21 =	sshll.u32 s1, $0x1  }
0x3: {  	s0 =	rddreg [dreg:$0x1];
	s2 =	simm.s32 $0x0;
	s14 =	sor.u32 s25, s21  }
0x4: {  	[smem:$0x7FF] =	sst s2;
	s23 =	sadd.s32 $0x246800, s12;
	s13 =	sshll.u32 s14, $0x8  }
0x5: {  	s4 =	simm.s32 $0x3;
	_ =	strace $0x8000004D;
	s3 =	sadd.s32 s23, s13  }
0x6: {  	[tilespmem:s2], [sflag:$0x3] =	stream.linear.gather [hbm4b:s3+s2], $0x100, $0x38;
	[tilespmem:$0x10200] =	vst v63  }
0x7: {  	s6 =	simm.s32 $0x100;
	s24 =	sshll.u32 s14, $0xB;
	_ =	swait.ge [sflag:s4], $0x100  }
0x8: {  	s7 =	simm.s32 $0x200;
	s15 =	sor.u32 $0x100, s24;
	[sflag:s4] =	ssyncset.done $0x0  }
0x9: {  	s5 =	sadd.s32 $0x236800, s12;
	s8 =	sshrl.u32 s15, $0x3;
	[sflag:s4] =	ssyncadd.s32 $0xFFFFFF00  }
0xa: {  	[tilespmem:s7], [sflag:$0x1] =	stream.indirect.gather [hbm4b:s5+s6], $0x80, s2, s6, $0xb8;
	[tilespmem:$0x10200] =	vst v63  }
0xb: {  	s8 =	sadd.s32 s23, s8  }
0xc: {  	[tilespmem:s6], [sflag:$0x3] =	stream.linear.gather [hbm4b:s8+s2], $0x100, $0x38;
	[tilespmem:$0x10200] =	vst v63  }
0xd: {  	_ =	swait.ge [sflag:s4], $0x100  }
0xe: {  	[sflag:s4] =	ssyncset.done $0x0  }
0xf: {  	s9 =	simm.s32 $0x8200;
	s10 =	simm.s32 $0x1;
	[sflag:s4] =	ssyncadd.s32 $0xFFFFFF00  }
0x10: {  	[tilespmem:s9], [sflag:$0x2] =	stream.indirect.gather [hbm4b:s5+s6], $0x80, s6, s6, $0xb8;
	[tilespmem:$0x10200] =	vst v63  }
0x11: {  	_ =	swait.ge [sflag:s10], $0x8000  }
0x12: {  	s26 =	sadd.s32 $0x248800, s12;
	s11 =	sshll.u32 s14, $0xF;
	[sflag:s10] =	ssyncset.done $0x0  }
0x13: {  	s11 =	sadd.s32 s26, s11;
	[sflag:s10] =	ssyncadd.s32 $0xFFFF8000  }
0x14: {  	[hbm4b:s11+s2] =	stream.linear.scatter [tilespmem:s7], [sflag:$0x3], $0x8000, $0x38;
	[tilespmem:$0x10200] =	vst v63  }
0x15: {  	_ =	swait.ge [sflag:s4], $0x8000  }
0x16: {  	s21 =	sadd.s32 $0x246840, s12;
	[sflag:s4] =	ssyncset.done $0x0  }
0x17: {  	s12 =	sadd.s32 s13, s21;
	[sflag:s4] =	ssyncadd.s32 $0xFFFF8000  }
0x18: {  	[tilespmem:s2], [sflag:$0x3] =	stream.linear.gather [hbm4b:s12+s2], $0x100, $0x38;
	[tilespmem:$0x10200] =	vst v63  }
0x19: {  	_ =	swait.ge [sflag:s4], $0x100  }
0x1a: {  	[sflag:s4] =	ssyncset.done $0x0  }
0x1b: {  	s13 =	simm.s32 $0x2;
	[sflag:s4] =	ssyncadd.s32 $0xFFFFFF00  }
0x1c: {  	[tilespmem:s7], [sflag:$0x1] =	stream.indirect.gather [hbm4b:s5+s6], $0x80, s2, s6, $0xb8;
	[tilespmem:$0x10200] =	vst v63  }
0x1d: {  	s18 =	sshll.u32 s14, $0x3;
	_ =	swait.ge [sflag:s13], $0x8000  }
0x1e: {  	s17 =	sor.u32 $0x2, s18;
	s22 =	sshll.u32 s15, $0x4;
	[sflag:s13] =	ssyncset.done $0x0  }
0x1f: {  	s28 =	sshll.u32 s17, $0x8;
	s14 =	sadd.s32 s26, s22;
	[sflag:s13] =	ssyncadd.s32 $0xFFFF8000  }
0x20: {  	[hbm4b:s14+s2] =	stream.linear.scatter [tilespmem:s9], [sflag:$0x3], $0x8000, $0x38;
	[tilespmem:$0x10200] =	vst v63  }
0x21: {  	s19 =	sor.u32 $0x100, s28;
	_ =	swait.ge [sflag:s4], $0x8000  }
0x22: {  	s15 =	sshrl.u32 s19, $0x3;
	[sflag:s4] =	ssyncset.done $0x0  }
0x23: {  	s15 =	sadd.s32 s23, s15;
	[sflag:s4] =	ssyncadd.s32 $0xFFFF8000  }
0x24: {  	[tilespmem:s6], [sflag:$0x3] =	stream.linear.gather [hbm4b:s15+s2], $0x100, $0x38;
	[tilespmem:$0x10200] =	vst v63  }
0x25: {  	_ =	swait.ge [sflag:s4], $0x100  }
0x26: {  	[sflag:s4] =	ssyncset.done $0x0  }
0x27: {  	[sflag:s4] =	ssyncadd.s32 $0xFFFFFF00  }
0x28: {  	[tilespmem:s9], [sflag:$0x2] =	stream.indirect.gather [hbm4b:s5+s6], $0x80, s6, s6, $0xb8;
	[tilespmem:$0x10200] =	vst v63  }
0x29: {  	_ =	swait.ge [sflag:s10], $0x8000  }
0x2a: {  	s16 =	sshll.u32 s17, $0xC;
	[sflag:s10] =	ssyncset.done $0x0  }
0x2b: {  	s16 =	sadd.s32 s26, s16;
	[sflag:s10] =	ssyncadd.s32 $0xFFFF8000  }
0x2c: {  	[hbm4b:s16+s2] =	stream.linear.scatter [tilespmem:s7], [sflag:$0x3], $0x8000, $0x38;
	[tilespmem:$0x10200] =	vst v63  }
0x2d: {  	_ =	swait.ge [sflag:s4], $0x8000  }
0x2e: {  	s17 =	sshll.u32 s17, $0x5;
	[sflag:s4] =	ssyncset.done $0x0  }
0x2f: {  	s17 =	sadd.s32 s17, s21;
	[sflag:s4] =	ssyncadd.s32 $0xFFFF8000  }
0x30: {  	[tilespmem:s2], [sflag:$0x3] =	stream.linear.gather [hbm4b:s17+s2], $0x100, $0x38;
	[tilespmem:$0x10200] =	vst v63  }
0x31: {  	_ =	swait.ge [sflag:s4], $0x100  }
0x32: {  	[sflag:s4] =	ssyncset.done $0x0  }
0x33: {  	[sflag:s4] =	ssyncadd.s32 $0xFFFFFF00  }
0x34: {  	[tilespmem:s7], [sflag:$0x1] =	stream.indirect.gather [hbm4b:s5+s6], $0x80, s2, s6, $0xb8;
	[tilespmem:$0x10200] =	vst v63  }
0x35: {  	_ =	swait.ge [sflag:s13], $0x8000  }
0x36: {  	s22 =	sor.u32 $0x4, s18;
	s19 =	sshll.u32 s19, $0x4;
	[sflag:s13] =	ssyncset.done $0x0  }
0x37: {  	s29 =	sshll.u32 s22, $0x8;
	s18 =	sadd.s32 s26, s19;
	[sflag:s13] =	ssyncadd.s32 $0xFFFF8000  }
0x38: {  	[hbm4b:s18+s2] =	stream.linear.scatter [tilespmem:s9], [sflag:$0x3], $0x8000, $0x38;
	[tilespmem:$0x10200] =	vst v63  }
0x39: {  	s28 =	sor.u32 $0x100, s29;
	_ =	swait.ge [sflag:s4], $0x8000  }
0x3a: {  	s19 =	sshrl.u32 s28, $0x3;
	[sflag:s4] =	ssyncset.done $0x0  }
0x3b: {  	s19 =	sadd.s32 s23, s19;
	[sflag:s4] =	ssyncadd.s32 $0xFFFF8000  }
0x3c: {  	[tilespmem:s6], [sflag:$0x3] =	stream.linear.gather [hbm4b:s19+s2], $0x100, $0x38;
	[tilespmem:$0x10200] =	vst v63  }
0x3d: {  	_ =	swait.ge [sflag:s4], $0x100  }
0x3e: {  	[sflag:s4] =	ssyncset.done $0x0  }
0x3f: {  	[sflag:s4] =	ssyncadd.s32 $0xFFFFFF00  }
0x40: {  	[tilespmem:s9], [sflag:$0x2] =	stream.indirect.gather [hbm4b:s5+s6], $0x80, s6, s6, $0xb8;
	[tilespmem:$0x10200] =	vst v63  }
0x41: {  	_ =	swait.ge [sflag:s10], $0x8000  }
0x42: {  	s20 =	sshll.u32 s22, $0xC;
	[sflag:s10] =	ssyncset.done $0x0  }
0x43: {  	s20 =	sadd.s32 s26, s20;
	[sflag:s10] =	ssyncadd.s32 $0xFFFF8000  }
0x44: {  	[hbm4b:s20+s2] =	stream.linear.scatter [tilespmem:s7], [sflag:$0x3], $0x8000, $0x38;
	[tilespmem:$0x10200] =	vst v63  }
0x45: {  	_ =	swait.ge [sflag:s4], $0x8000  }
0x46: {  	s22 =	sshll.u32 s22, $0x5;
	[sflag:s4] =	ssyncset.done $0x0  }
0x47: {  	s21 =	sadd.s32 s22, s21;
	[sflag:s4] =	ssyncadd.s32 $0xFFFF8000  }
0x48: {  	[tilespmem:s2], [sflag:$0x3] =	stream.linear.gather [hbm4b:s21+s2], $0x100, $0x38;
	[tilespmem:$0x10200] =	vst v63  }
0x49: {  	_ =	swait.ge [sflag:s4], $0x100  }
0x4a: {  	[sflag:s4] =	ssyncset.done $0x0  }
0x4b: {  	[sflag:s4] =	ssyncadd.s32 $0xFFFFFF00  }
0x4c: {  	[tilespmem:s7], [sflag:$0x1] =	stream.indirect.gather [hbm4b:s5+s6], $0x80, s2, s6, $0xb8;
	[tilespmem:$0x10200] =	vst v63  }
0x4d: {  	_ =	swait.ge [sflag:s13], $0x8000  }
0x4e: {  	s30 =	sshll.u32 s28, $0x4;
	[sflag:s13] =	ssyncset.done $0x0  }
0x4f: {  	s22 =	sadd.s32 s26, s30;
	[sflag:s13] =	ssyncadd.s32 $0xFFFF8000  }
0x50: {  	[hbm4b:s22+s2] =	stream.linear.scatter [tilespmem:s9], [sflag:$0x3], $0x8000, $0x38;
	[tilespmem:$0x10200] =	vst v63  }
0x51: {  	s31 =	sor.u32 $0x700, s24;
	_ =	swait.ge [sflag:s4], $0x8000  }
0x52: {  	s24 =	sshrl.u32 s31, $0x3;
	[sflag:s4] =	ssyncset.done $0x0  }
0x53: {  	s23 =	sadd.s32 s23, s24;
	[sflag:s4] =	ssyncadd.s32 $0xFFFF8000  }
0x54: {  	[tilespmem:s6], [sflag:$0x3] =	stream.linear.gather [hbm4b:s23+s2], $0x100, $0x38;
	[tilespmem:$0x10200] =	vst v63  }
0x55: {  	_ =	swait.ge [sflag:s4], $0x100  }
0x56: {  	[sflag:s4] =	ssyncset.done $0x0  }
0x57: {  	[sflag:s4] =	ssyncadd.s32 $0xFFFFFF00  }
0x58: {  	[tilespmem:s9], [sflag:$0x2] =	stream.indirect.gather [hbm4b:s5+s6], $0x80, s6, s6, $0xb8;
	[tilespmem:$0x10200] =	vst v63  }
0x59: {  	_ =	swait.ge [sflag:s10], $0x8000  }
0x5a: {  	[sflag:s10] =	ssyncset.done $0x0  }
0x5b: {  	s25 =	ssub.s32 $0x2, s25;
	s24 =	sadd.s32 $0x6000, s11;
	[sflag:s10] =	ssyncadd.s32 $0xFFFF8000  }
0x5c: {  	[hbm4b:s24+s2] =	stream.linear.scatter [tilespmem:s7], [sflag:$0x3], $0x8000, $0x38;
	[tilespmem:$0x10200] =	vst v63  }
0x5d: {  	s29 =	sshrl.u32 s25, $0x1;
	_ =	swait.ge [sflag:s4], $0x8000  }
0x5e: {  	s29 =	ssub.s32 s25, s29;
	[sflag:s4] =	ssyncset.done $0x0  }
0x5f: {  	s30 =	sshll.u32 s31, $0x4;
	s31 =	smax.u32 s29, $0x1;
	[sflag:s4] =	ssyncadd.s32 $0xFFFF8000  }
0x60: {  	p0 =	sne.s32 s31, $0x1;
	_ =	swait.ge [sflag:s13], $0x8000  }
.Ltmp0:
0x61: {  	[sflag:s13] =	ssyncset.done $0x0;
	(pc) =	sbr.rel @!p0 .LBB2_2-.Ltmp0, $4  }
0x62: {  	s25 =	sadd.s32 s26, s30;
	[sflag:s13] =	ssyncadd.s32 $0xFFFF8000  }
0x63: {  	[hbm4b:s25+s2] =	stream.linear.scatter [tilespmem:s9], [sflag:$0x3], $0x8000, $0x38;
	[tilespmem:$0x10200] =	vst v63  }
0x64: {  	_ =	swait.ge [sflag:s4], $0x8000  }
0x65: {  	s26 =	sadd.s32 $0xFFFFFFFF, s31;
	[sflag:s4] =	ssyncset.done $0x0  }
.LBB2_1:
0x66: {  	p0 =	sne.s32 s26, $0x1;
	s26 =	sadd.s32 $0xFFFFFFFF, s26;
	[sflag:s4] =	ssyncadd.s32 $0xFFFF8000  }
0x67: {  	[tilespmem:s2], [sflag:$0x3] =	stream.linear.gather [hbm4b:s3+s2], $0x100, $0x38;
	[tilespmem:$0x10200] =	vst v63  }
0x68: {  	_ =	swait.ge [sflag:s4], $0x100  }
0x69: {  	[sflag:s4] =	ssyncset.done $0x0  }
0x6a: {  	[sflag:s4] =	ssyncadd.s32 $0xFFFFFF00  }
0x6b: {  	[tilespmem:s7], [sflag:$0x1] =	stream.indirect.gather [hbm4b:s5+s6], $0x80, s2, s6, $0xb8;
	[tilespmem:$0x10200] =	vst v63  }
0x6c: {  	_ = 	snop  }
0x6d: {  	[tilespmem:s6], [sflag:$0x3] =	stream.linear.gather [hbm4b:s8+s2], $0x100, $0x38;
	[tilespmem:$0x10200] =	vst v63  }
0x6e: {  	_ =	swait.ge [sflag:s4], $0x100  }
0x6f: {  	[sflag:s4] =	ssyncset.done $0x0  }
0x70: {  	[sflag:s4] =	ssyncadd.s32 $0xFFFFFF00  }
0x71: {  	[tilespmem:s9], [sflag:$0x2] =	stream.indirect.gather [hbm4b:s5+s6], $0x80, s6, s6, $0xb8;
	[tilespmem:$0x10200] =	vst v63  }
0x72: {  	_ =	swait.ge [sflag:s10], $0x8000  }
0x73: {  	[sflag:s10] =	ssyncset.done $0x0  }
0x74: {  	[sflag:s10] =	ssyncadd.s32 $0xFFFF8000  }
0x75: {  	[hbm4b:s11+s2] =	stream.linear.scatter [tilespmem:s7], [sflag:$0x3], $0x8000, $0x38;
	[tilespmem:$0x10200] =	vst v63  }
0x76: {  	_ =	swait.ge [sflag:s4], $0x8000  }
0x77: {  	[sflag:s4] =	ssyncset.done $0x0  }
0x78: {  	[sflag:s4] =	ssyncadd.s32 $0xFFFF8000  }
0x79: {  	[tilespmem:s2], [sflag:$0x3] =	stream.linear.gather [hbm4b:s12+s2], $0x100, $0x38;
	[tilespmem:$0x10200] =	vst v63  }
0x7a: {  	_ =	swait.ge [sflag:s4], $0x100  }
0x7b: {  	[sflag:s4] =	ssyncset.done $0x0  }
0x7c: {  	[sflag:s4] =	ssyncadd.s32 $0xFFFFFF00  }
0x7d: {  	[tilespmem:s7], [sflag:$0x1] =	stream.indirect.gather [hbm4b:s5+s6], $0x80, s2, s6, $0xb8;
	[tilespmem:$0x10200] =	vst v63  }
0x7e: {  	_ =	swait.ge [sflag:s13], $0x8000  }
0x7f: {  	[sflag:s13] =	ssyncset.done $0x0  }
0x80: {  	[sflag:s13] =	ssyncadd.s32 $0xFFFF8000  }
0x81: {  	[hbm4b:s14+s2] =	stream.linear.scatter [tilespmem:s9], [sflag:$0x3], $0x8000, $0x38;
	[tilespmem:$0x10200] =	vst v63  }
0x82: {  	_ =	swait.ge [sflag:s4], $0x8000  }
0x83: {  	[sflag:s4] =	ssyncset.done $0x0  }
0x84: {  	[sflag:s4] =	ssyncadd.s32 $0xFFFF8000  }
0x85: {  	[tilespmem:s6], [sflag:$0x3] =	stream.linear.gather [hbm4b:s15+s2], $0x100, $0x38;
	[tilespmem:$0x10200] =	vst v63  }
0x86: {  	_ =	swait.ge [sflag:s4], $0x100  }
0x87: {  	[sflag:s4] =	ssyncset.done $0x0  }
0x88: {  	[sflag:s4] =	ssyncadd.s32 $0xFFFFFF00  }
0x89: {  	[tilespmem:s9], [sflag:$0x2] =	stream.indirect.gather [hbm4b:s5+s6], $0x80, s6, s6, $0xb8;
	[tilespmem:$0x10200] =	vst v63  }
0x8a: {  	_ =	swait.ge [sflag:s10], $0x8000  }
0x8b: {  	[sflag:s10] =	ssyncset.done $0x0  }
0x8c: {  	[sflag:s10] =	ssyncadd.s32 $0xFFFF8000  }
0x8d: {  	[hbm4b:s16+s2] =	stream.linear.scatter [tilespmem:s7], [sflag:$0x3], $0x8000, $0x38;
	[tilespmem:$0x10200] =	vst v63  }
0x8e: {  	_ =	swait.ge [sflag:s4], $0x8000  }
0x8f: {  	[sflag:s4] =	ssyncset.done $0x0  }
0x90: {  	[sflag:s4] =	ssyncadd.s32 $0xFFFF8000  }
0x91: {  	[tilespmem:s2], [sflag:$0x3] =	stream.linear.gather [hbm4b:s17+s2], $0x100, $0x38;
	[tilespmem:$0x10200] =	vst v63  }
0x92: {  	_ =	swait.ge [sflag:s4], $0x100  }
0x93: {  	[sflag:s4] =	ssyncset.done $0x0  }
0x94: {  	[sflag:s4] =	ssyncadd.s32 $0xFFFFFF00  }
0x95: {  	[tilespmem:s7], [sflag:$0x1] =	stream.indirect.gather [hbm4b:s5+s6], $0x80, s2, s6, $0xb8;
	[tilespmem:$0x10200] =	vst v63  }
0x96: {  	_ =	swait.ge [sflag:s13], $0x8000  }
0x97: {  	[sflag:s13] =	ssyncset.done $0x0  }
0x98: {  	[sflag:s13] =	ssyncadd.s32 $0xFFFF8000  }
0x99: {  	[hbm4b:s18+s2] =	stream.linear.scatter [tilespmem:s9], [sflag:$0x3], $0x8000, $0x38;
	[tilespmem:$0x10200] =	vst v63  }
0x9a: {  	_ =	swait.ge [sflag:s4], $0x8000  }
0x9b: {  	[sflag:s4] =	ssyncset.done $0x0  }
0x9c: {  	[sflag:s4] =	ssyncadd.s32 $0xFFFF8000  }
0x9d: {  	[tilespmem:s6], [sflag:$0x3] =	stream.linear.gather [hbm4b:s19+s2], $0x100, $0x38;
	[tilespmem:$0x10200] =	vst v63  }
0x9e: {  	_ =	swait.ge [sflag:s4], $0x100  }
0x9f: {  	[sflag:s4] =	ssyncset.done $0x0  }
0xa0: {  	[sflag:s4] =	ssyncadd.s32 $0xFFFFFF00  }
0xa1: {  	[tilespmem:s9], [sflag:$0x2] =	stream.indirect.gather [hbm4b:s5+s6], $0x80, s6, s6, $0xb8;
	[tilespmem:$0x10200] =	vst v63  }
0xa2: {  	_ =	swait.ge [sflag:s10], $0x8000  }
0xa3: {  	[sflag:s10] =	ssyncset.done $0x0  }
0xa4: {  	[sflag:s10] =	ssyncadd.s32 $0xFFFF8000  }
0xa5: {  	[hbm4b:s20+s2] =	stream.linear.scatter [tilespmem:s7], [sflag:$0x3], $0x8000, $0x38;
	[tilespmem:$0x10200] =	vst v63  }
0xa6: {  	_ =	swait.ge [sflag:s4], $0x8000  }
0xa7: {  	[sflag:s4] =	ssyncset.done $0x0  }
0xa8: {  	[sflag:s4] =	ssyncadd.s32 $0xFFFF8000  }
0xa9: {  	[tilespmem:s2], [sflag:$0x3] =	stream.linear.gather [hbm4b:s21+s2], $0x100, $0x38;
	[tilespmem:$0x10200] =	vst v63  }
0xaa: {  	_ =	swait.ge [sflag:s4], $0x100  }
0xab: {  	[sflag:s4] =	ssyncset.done $0x0  }
0xac: {  	[sflag:s4] =	ssyncadd.s32 $0xFFFFFF00  }
0xad: {  	[tilespmem:s7], [sflag:$0x1] =	stream.indirect.gather [hbm4b:s5+s6], $0x80, s2, s6, $0xb8;
	[tilespmem:$0x10200] =	vst v63  }
0xae: {  	_ =	swait.ge [sflag:s13], $0x8000  }
0xaf: {  	[sflag:s13] =	ssyncset.done $0x0  }
0xb0: {  	[sflag:s13] =	ssyncadd.s32 $0xFFFF8000  }
0xb1: {  	[hbm4b:s22+s2] =	stream.linear.scatter [tilespmem:s9], [sflag:$0x3], $0x8000, $0x38;
	[tilespmem:$0x10200] =	vst v63  }
0xb2: {  	_ =	swait.ge [sflag:s4], $0x8000  }
0xb3: {  	[sflag:s4] =	ssyncset.done $0x0  }
0xb4: {  	[sflag:s4] =	ssyncadd.s32 $0xFFFF8000  }
0xb5: {  	[tilespmem:s6], [sflag:$0x3] =	stream.linear.gather [hbm4b:s23+s2], $0x100, $0x38;
	[tilespmem:$0x10200] =	vst v63  }
0xb6: {  	_ =	swait.ge [sflag:s4], $0x100  }
0xb7: {  	[sflag:s4] =	ssyncset.done $0x0  }
0xb8: {  	[sflag:s4] =	ssyncadd.s32 $0xFFFFFF00  }
0xb9: {  	[tilespmem:s9], [sflag:$0x2] =	stream.indirect.gather [hbm4b:s5+s6], $0x80, s6, s6, $0xb8;
	[tilespmem:$0x10200] =	vst v63  }
0xba: {  	_ =	swait.ge [sflag:s10], $0x8000  }
0xbb: {  	[sflag:s10] =	ssyncset.done $0x0  }
0xbc: {  	[sflag:s10] =	ssyncadd.s32 $0xFFFF8000  }
0xbd: {  	[hbm4b:s24+s2] =	stream.linear.scatter [tilespmem:s7], [sflag:$0x3], $0x8000, $0x38;
	[tilespmem:$0x10200] =	vst v63  }
0xbe: {  	_ =	swait.ge [sflag:s4], $0x8000  }
0xbf: {  	[sflag:s4] =	ssyncset.done $0x0  }
0xc0: {  	[sflag:s4] =	ssyncadd.s32 $0xFFFF8000  }
0xc1: {  	_ =	swait.ge [sflag:s13], $0x8000  }
.Ltmp1:
0xc2: {  	[sflag:s13] =	ssyncset.done $0x0;
	(pc) =	sbr.rel @p0 .LBB2_1-.Ltmp1, $4  }
0xc3: {  	[sflag:s13] =	ssyncadd.s32 $0xFFFF8000  }
0xc4: {  	[hbm4b:s25+s2] =	stream.linear.scatter [tilespmem:s9], [sflag:$0x3], $0x8000, $0x38;
	[tilespmem:$0x10200] =	vst v63  }
0xc5: {  	_ =	swait.ge [sflag:s4], $0x8000  }
0xc6: {  	[sflag:s4] =	ssyncset.done $0x0  }
.LBB2_2:
0xc7: {  	[sflag:s4] =	ssyncadd.s32 $0xFFFF8000  }
0xc8: {  	_ =	sfence.sel $0x180000  }
0xc9: {  	[bflag:$0x0] =	sbarrier.arrive $0xFFFF  }
0xca: {  	p0 =	sne.s32 s1, $0x0;
	_ =	strace $0x9000004D  }
0xcb: {  	s0 =	sadd.s32 @!p0 $0x100000, s0;
	[bflag:$0x2] =	sbarrier.arrive $0xFFFF  }
0xcc: {  	[sflag:s0] =	ssyncadd.tile.s32 @!p0 $0x1;
	_ =	shalt  }
.Lfunc_end2:
_tile_overlayer_lowered:
.L_overlay_start_2:
0xcd: {  	(tag) =	ssettag $0x2  }
0xce: {  	s0 =	rddreg [dreg:$0x0];
	s2 =	stileid.u32  }
0xcf: {  	s1 =	rddreg [dreg:$0x1];
	p0 =	sne.s32 s2, $0x0  }
0xd0: {  	s3 =	rddreg [dreg:$0x2];
	[bflag:$0x3] =	sbarrier.arrive $0xFFFF;
	s2 =	simm.s32 @!p0 $0x1C03  }
0xd1: {  	[timem:s3], [sflag:s2] =	dma.local @!p0 [hbm:s0], s1  }
0xd2: {  	s0 =	simm.s32 @!p0 $0x3  }
0xd3: {  	_ =	swait.ge @!p0 [sflag:s0], s1  }
0xd4: {  	s1 =	ssub.s32 @!p0 $0x0, s1;
	[sflag:s0] =	ssyncset.done @!p0 $0x0  }
0xd5: {  	[sflag:s0] =	ssyncadd.s32 @!p0 s1  }
0xd6: {  	[bflag:$0x3] =	sbarrier.arrive $0xFFFF  }
0xd7: {  	_ =	shalt  }

// kernel: kernel.31.cloned.1.call-start
scs
__scs_entry_jumppad:
0x0: {  	(pc) =	sbr.rel $0x88, $3  }
0x1: {  	(tag) =	ssettag $0x0;
	lr =	simm.s32 $0x1  }
0x2: {  	[smem:$0x3F96] =	sst lr;
	_ =	strace $0xD0000000  }
0x3: {  	_ = 	snop  }
0x4: {  	_ = 	snop  }
0x5: {  	_ = 	snop  }
0x6: {  	_ = 	snop  }
0x7: {  	_ = 	snop  }
__scs_overlays_trampoline_lowered:
0x8: {  	[smem:$0x3FA5] =	sst s0  }
0x9: {  	[smem:$0x3FA6] =	sst s1  }
0xa: {  	[smem:$0x3FA7] =	sst s2  }
0xb: {  	[smem:$0x3FA8] =	sst s3  }
0xc: {  	[smem:$0x3FA9] =	sst s4  }
0xd: {  	[smem:$0x3FAA] =	sst s5  }
0xe: {  	[smem:$0x3FAB] =	sst s6  }
0xf: {  	[smem:$0x3FAC] =	sst s7  }
0x10: {  	[smem:$0x3FAD] =	sst s8  }
0x11: {  	[smem:$0x3FAE] =	sst s9;
	s0 =	simm.s32 @!p0 $0x0  }
0x12: {  	s1 =	sld [smem:$0x3F94];
	s0 =	simm.s32 @p0 $0x1  }
0x13: {  	[smem:$0x3FAF] =	sst s0;
	s0 =	simm.s32 @!p1 $0x0  }
0x14: {  	s2 =	sld [smem:$0x3F93];
	s0 =	simm.s32 @p1 $0x1  }
0x15: {  	[smem:$0x3FB0] =	sst s0;
	s0 =	simm.s32 @!p2 $0x0  }
0x16: {  	s3 =	sld [smem:$0x3FDB];
	s0 =	simm.s32 @p2 $0x1  }
0x17: {  	s4 =	simm.s32 $0x1BF5;
	[smem:$0x3FB2] =	sst s0  }
0x18: {  	s0 =	sld [smem:$0x3F95];
	_ =	swait.ge [sflag:s4], $0x0  }
0x19: {  	s7 =	sld [smem:$0x3F96]  }
0x1a: {  	s8 =	sadd.s32 $0xFFFFE003, lr  }
0x1b: {  	s9 =	sadd.s32 $0xFFFFFEF7, lr;
	s5 =	simm.s32 $0xFFFFFFFF;
	p2 =	slt.u32 s8, $0xFFFFF086  }
0x1c: {  	p1 =	slt.u32 s9, $0xF7A;
	s5 =	simm.s32 @!p2 $0x0  }
0x1d: {  	s5 =	simm.s32 @p1 $0x1;
	p0 =	seq.s32 s7, s2  }
0x1e: {  	s7 =	smul.u32 @!p0 $0xF7A, s2;
	p2 =	seq.s32 @!p0 s5, $0x0  }
0x1f: {  	s9 =	smul.u32 $0xF7A, s1;
	s8 =	simm.s32 @!p0 $0x1BF5;
	p2 =	por !p2, p0  }
0x20: {  	[sflag:s8] =	ssyncset.s32 @!p0 $0xFFFFF086;
	s6 =	sadd.s32 @!p0 s3, s7;
	s7 =	simm.s32 @!p0 $0x108  }
0x21: {  	s3 =	sadd.s32 s3, s9;
	s6 =	sadd.s32 @!p0 $0x88, s6;
	s7 =	simm.s32 @p2 $0x1082  }
0x22: {  	[simem:s7], [sflag:s8] =	dma.local @!p0 [hbm:s6], $0xF7A  }
0x23: {  	s9 =	sor.u32 $0xD0000000, s2;
	s6 =	simm.s32 $0x108;
	_ =	swait.ge @!p0 [sflag:s8], $0x0  }
0x24: {  	s3 =	sadd.s32 $0x88, s3;
	s6 =	simm.s32 @!p1 $0x1082;
	[sflag:s4] =	ssyncset.s32 $0xFFFFF086  }
0x25: {  	[simem:s6], [sflag:s4] =	dma.local [hbm:s3], $0xF7A  }
0x26: {  	[smem:$0x3F96] =	sst s1;
	(tag) =	ssettag s2;
	_ =	strace s9  }
0x27: {  	s1 =	sld [smem:$0x3FA6]  }
0x28: {  	s2 =	sld [smem:$0x3FA7]  }
0x29: {  	s4 =	sld [smem:$0x3FA9]  }
0x2a: {  	p0 =	seq.s32 s5, $0x0;
	s5 =	sld [smem:$0x3FAA]  }
0x2b: {  	s6 =	sld [smem:$0x3FAB]  }
0x2c: {  	s7 =	sld [smem:$0x3FAC]  }
0x2d: {  	s3 =	simm.s32 $0x108;
	s8 =	sld [smem:$0x3FAD]  }
0x2e: {  	s3 =	simm.s32 @!p0 $0x1082;
	s9 =	sld [smem:$0x3FAE]  }
0x2f: {  	lr =	sadd.s32 s0, s3;
	s0 =	sld [smem:$0x3FA5]  }
0x30: {  	s3 =	sld [smem:$0x3FA8]  }
0x31: {  	[smem:$0x3FB1] =	sst s10  }
0x32: {  	s10 =	sld [smem:$0x3FAF];
	_ =	sdelay $0x3  }
0x33: {  	p0 =	seq.s32 s10, $0x1;
	s10 =	sld [smem:$0x3FB1];
	_ =	sdelay $0x3  }
0x34: {  	[smem:$0x3FB1] =	sst s10  }
0x35: {  	s10 =	sld [smem:$0x3FB0];
	_ =	sdelay $0x3  }
0x36: {  	p1 =	seq.s32 s10, $0x1;
	s10 =	sld [smem:$0x3FB1];
	_ =	sdelay $0x3  }
0x37: {  	[smem:$0x3FB1] =	sst s10  }
0x38: {  	s10 =	sld [smem:$0x3FB2]  }
0x39: {  	_ = 	snop;
	(pc) =	sbr.ind lr, $3  }
0x3a: {  	_ = 	snop  }
0x3b: {  	_ = 	snop  }
0x3c: {  	p2 =	seq.s32 s10, $0x1;
	s10 =	sld [smem:$0x3FB1]  }
0x3d: {  	_ =	shalt  }
0x3e: {  	_ =	shalt  }
0x3f: {  	_ =	shalt  }
0x40: {  	_ =	shalt  }
0x41: {  	_ =	shalt  }
0x42: {  	_ =	shalt  }
0x43: {  	_ =	shalt  }
0x44: {  	_ =	shalt  }
0x45: {  	_ =	shalt  }
0x46: {  	_ =	shalt  }
0x47: {  	_ =	shalt  }
0x48: {  	_ =	shalt  }
0x49: {  	_ =	shalt  }
0x4a: {  	_ =	shalt  }
0x4b: {  	_ =	shalt  }
0x4c: {  	_ =	shalt  }
0x4d: {  	_ =	shalt  }
0x4e: {  	_ =	shalt  }
0x4f: {  	_ =	shalt  }
0x50: {  	_ =	shalt  }
0x51: {  	_ =	shalt  }
0x52: {  	_ =	shalt  }
0x53: {  	_ =	shalt  }
0x54: {  	_ =	shalt  }
0x55: {  	_ =	shalt  }
0x56: {  	_ =	shalt  }
0x57: {  	_ =	shalt  }
0x58: {  	_ =	shalt  }
0x59: {  	_ =	shalt  }
0x5a: {  	_ =	shalt  }
0x5b: {  	_ =	shalt  }
0x5c: {  	_ =	shalt  }
0x5d: {  	_ =	shalt  }
0x5e: {  	_ =	shalt  }
0x5f: {  	_ =	shalt  }
0x60: {  	_ =	shalt  }
0x61: {  	_ =	shalt  }
0x62: {  	_ =	shalt  }
0x63: {  	_ =	shalt  }
0x64: {  	_ =	shalt  }
0x65: {  	_ =	shalt  }
0x66: {  	_ =	shalt  }
0x67: {  	_ =	shalt  }
0x68: {  	_ =	shalt  }
0x69: {  	_ =	shalt  }
0x6a: {  	_ =	shalt  }
0x6b: {  	_ =	shalt  }
0x6c: {  	_ =	shalt  }
0x6d: {  	_ =	shalt  }
0x6e: {  	_ =	shalt  }
0x6f: {  	_ =	shalt  }
0x70: {  	_ =	shalt  }
0x71: {  	_ =	shalt  }
0x72: {  	_ =	shalt  }
0x73: {  	_ =	shalt  }
0x74: {  	_ =	shalt  }
0x75: {  	_ =	shalt  }
0x76: {  	_ =	shalt  }
0x77: {  	_ =	shalt  }
0x78: {  	_ =	shalt  }
0x79: {  	_ =	shalt  }
0x7a: {  	_ =	shalt  }
0x7b: {  	_ =	shalt  }
0x7c: {  	_ =	shalt  }
0x7d: {  	_ =	shalt  }
0x7e: {  	_ =	shalt  }
0x7f: {  	_ =	shalt  }
0x80: {  	_ =	shalt  }
0x81: {  	_ =	shalt  }
0x82: {  	_ =	shalt  }
0x83: {  	_ =	shalt  }
0x84: {  	_ =	shalt  }
0x85: {  	_ =	shalt  }
0x86: {  	_ =	shalt  }
0x87: {  	_ =	shalt  }
.Lfunc_end0:
.L_simem_size_0:
called_computation.3_lowered:
.L_overlay_start_0:
0x88: {  	s2 =	sld [smem:$0x3FD9]  }
0x89: {  	s3 =	sld [smem:$0x3FFE];
	_ =	sdelay $0x1  }
0x8a: {  	s1 =	srdreg.scid  }
0x8b: {  	s0 =	sand.u32 $0x1, s1  }
0x8c: {  	s17 =	sshll.u32 s0, $0xA;
	s2 =	sadd.s32 s3, s2  }
0x8d: {  	s2 =	sadd.s32 s2, s17  }
0x8e: {  	[smem:$0x3FBD] =	sst s2  }
0x8f: {  	_ = 	snop  }
0x90: {  	s18 =	sld [smem:$0x3FD0];
	(tm) =	ssettm $0x1  }
0x91: {  	s19 =	sld [smem:$0x3FFB];
	_ =	sdelay $0x3  }
0x92: {  	_ =	strace s19  }
0x93: {  	s2 =	sld [smem:$0x3FFC];
	_ =	sdelay $0x3  }
0x94: {  	_ =	strace s2  }
0x95: {  	s2 =	sld [smem:$0x3FFD];
	_ =	sdelay $0x3  }
0x96: {  	_ =	strace s2  }
0x97: {  	_ =	strace $0x8FFFFFFF  }
0x98: {  	s20 =	sld [smem:$0x3FDB];
	_ =	sdelay $0x1  }
0x99: {  	s4 =	simm.s32 $_scs_section_size  }
0x9a: {  	s5 =	simm.s32 $_size__tile_overlayer_lowered;
	s6 =	simm.s32 $_tile_overlayer_lowered  }
0x9b: {  	s7 =	simm.s32 $0x1BFF;
	s21 =	sshll.u32 s6, $0x1;
	s4 =	sadd.s32 s4, s20  }
0x9c: {  	s22 =	simm.s32 $0x0;
	s5 =	sshll.u32 s5, $0x1;
	s6 =	sadd.s32 s21, s4  }
0x9d: {  	[timem:s22], [sflag:s7] =	dma.local [hbm:s6], s5  }
0x9e: {  	_ =	swait.ge [sflag:s7], s5  }
0x9f: {  	s5 =	ssub.s32 $0x0, s5;
	[sflag:s7] =	ssyncset.done $0x0  }
0xa0: {  	[sflag:s7] =	ssyncadd.s32 s5;
	_ =	sdelay $0x1  }
0xa1: {  	s23 =	simm.s32 $0x1B8B  }
0xa2: {  	_ =	swait.ge [sflag:s23], $0x1  }
0xa3: {  	[sflag:s23] =	ssyncset.done $0x0  }
0xa4: {  	[sflag:s23] =	ssyncadd.s32 $0xFFFFFFFF  }
0xa5: {  	s5 =	sld [smem:$0x0]  }
0xa6: {  	s6 =	sand.u32 $0xFFFFFFFE, s1  }
0xa7: {  	p0 =	sne.s32 s1, s6  }
0xa8: {  	s6 =	sshll.u32 @p0 s6, $0xE  }
0xa9: {  	s6 =	sadd.s32 @p0 $0x11B8D, s6;
	s7 =	sshll.u32 @p0 s5, $0x11  }
0xaa: {  	s6 =	sor.u32 @p0 s7, s6  }
0xab: {  	[sflag:s6] =	ssyncadd.remote.s32 @p0 $0x1;
	_ =	sdelay $0x1  }
0xac: {  	s6 =	simm.s32 @p0 $0x1B8D  }
0xad: {  	_ =	swait.eq @p0 [sflag:s6], $0x1  }
0xae: {  	[sflag:s6] =	ssyncadd.s32 @p0 $0xFFFFFFFF  }
0xaf: {  	s7 =	sshll.u32 @!p0 s1, $0xE  }
0xb0: {  	s7 =	sor.u32 @!p0 $0x4000, s7;
	s6 =	simm.s32 @!p0 $0x1B8D  }
0xb1: {  	s5 =	sshll.u32 @!p0 s5, $0x11;
	s7 =	sadd.s32 @!p0 $0x11B8D, s7;
	_ =	swait.eq @!p0 [sflag:s6], $0x1  }
0xb2: {  	s5 =	sor.u32 @!p0 s5, s7;
	[sflag:s6] =	ssyncadd.s32 @!p0 $0xFFFFFFFF  }
0xb3: {  	s25 =	simm.s32 $0x1B8E;
	s24 =	sld [smem:$0x3FFE];
	[sflag:s5] =	ssyncadd.remote.s32 @!p0 $0x1  }
0xb4: {  	s26 =	simm.s32 $execute0_lowered;
	[smem:$0x3FD2] =	sst s25  }
0xb5: {  	s6 =	sshll.u32 s26, $0x1;
	_ =	strace $0x8000004F;
	[dreg:$0x1] =	wrdreg $0xFFFFFFFF  }
0xb6: {  	s28 =	simm.s32 $_size_execute0_lowered;
	s4 =	sadd.s32 s4, s6;
	[dreg:$0x0] =	wrdreg $0x0  }
0xb7: {  	s6 =	sshll.u32 s28, $0x1;
	[dreg:$0x2] =	wrdreg s4  }
0xb8: {  	[dreg:$0x3] =	wrdreg s6  }
0xb9: {  	[dreg:$0x4] =	wrdreg $0xC0  }
0xba: {  	_ =	task [dreg:s22], $0x5FFFF  }
0xbb: {  	[dreg:$0x1] =	wrdreg $0xFFFFFFFF  }
0xbc: {  	[dreg:$0x0] =	wrdreg $0x60  }
0xbd: {  	[dreg:$0x2] =	wrdreg s18  }
0xbe: {  	[dreg:$0x3] =	wrdreg s24  }
0xbf: {  	[dreg:$0x4] =	wrdreg $0xC  }
0xc0: {  	_ =	task.clear_ibuf [dreg:s22], $0x5FFFF;
	_ =	strace $0x9000004F  }
0xc1: {  	s29 =	simm.s32 $0xC;
	_ =	strace $0x80000051  }
0xc2: {  	_ =	swait.ge [sflag:s29], $0x1  }
0xc3: {  	[sflag:s29] =	ssyncadd.s32 $0xFFFFFFFF  }
0xc4: {  	_ =	strace $0x90000051  }
0xc5: {  	_ =	sfence  }
0xc6: {  	s30 =	sld [smem:$0x0];
	_ =	sdelay $0x2  }
0xc7: {  	s31 =	sshll.u32 s1, $0xD;
	s1 =	sshrl.u32 s1, $0x2  }
0xc8: {  	s4 =	sand.u32 $0x4000, s31;
	s1 =	sadd.s32 s1, s30  }
0xc9: {  	s0 =	sor.u32 s4, s0;
	s1 =	sshll.u32 s1, $0x11  }
0xca: {  	s0 =	sor.u32 s1, s0  }
0xcb: {  	s0 =	sadd.s32 $0x8F2B, s0  }
0xcc: {  	[sflag:s0] =	ssyncadd.remote.s32 $0x1  }
0xcd: {  	_ =	sfence.sel $0xFFFF  }
0xce: {  	[dreg:$0x0] =	wrdreg $0xFFFFFFFF;
	(pc) =	sbr.abs _section_cstart, $3  }
0xcf: {  	[dreg:$0x1] =	wrdreg $0xFFFFFFFF  }
0xd0: {  	_ =	task.clear_ibuf [dreg:s22], $0x2FFFF;
	_ =	strace $0x9FFFFFFF  }
0xd1: {  	(tm) =	ssettm $0x7FFFFFFF  }
tec
execute0_lowered:
.L_overlay_start_1:
0x0: {  	(tag) =	ssettag $0x1  }
0x1: {  	s2 =	rddreg [dreg:$0x0]  }
0x2: {  	s4 =	srdreg.scid;
	s1 =	stileid.u32  }
0x3: {  	s12 =	rddreg [dreg:$0x1];
	s25 =	sand.u32 $0x1, s4;
	s21 =	sshll.u32 s1, $0x1  }
0x4: {  	s0 =	rddreg [dreg:$0x2];
	s3 =	simm.s32 $0x0;
	s14 =	sor.u32 s25, s21  }
0x5: {  	[smem:$0x7FF] =	sst s3;
	s23 =	sadd.s32 $0x348800, s12;
	s13 =	sshll.u32 s14, $0x8  }
0x6: {  	s5 =	simm.s32 $0x3;
	_ =	strace $0x80000050;
	s4 =	sadd.s32 s23, s13  }
0x7: {  	[tilespmem:s3], [sflag:$0x3] =	stream.linear.gather [hbm4b:s4+s3], $0x100, $0x38;
	[tilespmem:$0x10200] =	vst v63  }
0x8: {  	s24 =	sshll.u32 s14, $0xB;
	_ =	swait.ge [sflag:s5], $0x100  }
0x9: {  	s6 =	simm.s32 $0x100;
	s15 =	sor.u32 $0x100, s24;
	[sflag:s5] =	ssyncset.done $0x0  }
0xa: {  	s7 =	simm.s32 $0x200;
	s8 =	sshrl.u32 s15, $0x3;
	[sflag:s5] =	ssyncadd.s32 $0xFFFFFF00  }
0xb: {  	[tilespmem:s7], [sflag:$0x1] =	stream.indirect.gather [hbm4b:s2+s6], $0x80, s3, s6, $0xb8;
	[tilespmem:$0x10200] =	vst v63  }
0xc: {  	s8 =	sadd.s32 s23, s8  }
0xd: {  	[tilespmem:s6], [sflag:$0x3] =	stream.linear.gather [hbm4b:s8+s3], $0x100, $0x38;
	[tilespmem:$0x10200] =	vst v63  }
0xe: {  	_ =	swait.ge [sflag:s5], $0x100  }
0xf: {  	[sflag:s5] =	ssyncset.done $0x0  }
0x10: {  	s9 =	simm.s32 $0x8200;
	s10 =	simm.s32 $0x1;
	[sflag:s5] =	ssyncadd.s32 $0xFFFFFF00  }
0x11: {  	[tilespmem:s9], [sflag:$0x2] =	stream.indirect.gather [hbm4b:s2+s6], $0x80, s6, s6, $0xb8;
	[tilespmem:$0x10200] =	vst v63  }
0x12: {  	_ =	swait.ge [sflag:s10], $0x8000  }
0x13: {  	s26 =	sadd.s32 $0x34A800, s12;
	s11 =	sshll.u32 s14, $0xF;
	[sflag:s10] =	ssyncset.done $0x0  }
0x14: {  	s11 =	sadd.s32 s26, s11;
	[sflag:s10] =	ssyncadd.s32 $0xFFFF8000  }
0x15: {  	[hbm4b:s11+s3] =	stream.linear.scatter [tilespmem:s7], [sflag:$0x3], $0x8000, $0x38;
	[tilespmem:$0x10200] =	vst v63  }
0x16: {  	_ =	swait.ge [sflag:s5], $0x8000  }
0x17: {  	s21 =	sadd.s32 $0x348840, s12;
	[sflag:s5] =	ssyncset.done $0x0  }
0x18: {  	s12 =	sadd.s32 s13, s21;
	[sflag:s5] =	ssyncadd.s32 $0xFFFF8000  }
0x19: {  	[tilespmem:s3], [sflag:$0x3] =	stream.linear.gather [hbm4b:s12+s3], $0x100, $0x38;
	[tilespmem:$0x10200] =	vst v63  }
0x1a: {  	_ =	swait.ge [sflag:s5], $0x100  }
0x1b: {  	[sflag:s5] =	ssyncset.done $0x0  }
0x1c: {  	s13 =	simm.s32 $0x2;
	[sflag:s5] =	ssyncadd.s32 $0xFFFFFF00  }
0x1d: {  	[tilespmem:s7], [sflag:$0x1] =	stream.indirect.gather [hbm4b:s2+s6], $0x80, s3, s6, $0xb8;
	[tilespmem:$0x10200] =	vst v63  }
0x1e: {  	s18 =	sshll.u32 s14, $0x3;
	_ =	swait.ge [sflag:s13], $0x8000  }
0x1f: {  	s17 =	sor.u32 $0x2, s18;
	s22 =	sshll.u32 s15, $0x4;
	[sflag:s13] =	ssyncset.done $0x0  }
0x20: {  	s28 =	sshll.u32 s17, $0x8;
	s14 =	sadd.s32 s26, s22;
	[sflag:s13] =	ssyncadd.s32 $0xFFFF8000  }
0x21: {  	[hbm4b:s14+s3] =	stream.linear.scatter [tilespmem:s9], [sflag:$0x3], $0x8000, $0x38;
	[tilespmem:$0x10200] =	vst v63  }
0x22: {  	s19 =	sor.u32 $0x100, s28;
	_ =	swait.ge [sflag:s5], $0x8000  }
0x23: {  	s15 =	sshrl.u32 s19, $0x3;
	[sflag:s5] =	ssyncset.done $0x0  }
0x24: {  	s15 =	sadd.s32 s23, s15;
	[sflag:s5] =	ssyncadd.s32 $0xFFFF8000  }
0x25: {  	[tilespmem:s6], [sflag:$0x3] =	stream.linear.gather [hbm4b:s15+s3], $0x100, $0x38;
	[tilespmem:$0x10200] =	vst v63  }
0x26: {  	_ =	swait.ge [sflag:s5], $0x100  }
0x27: {  	[sflag:s5] =	ssyncset.done $0x0  }
0x28: {  	[sflag:s5] =	ssyncadd.s32 $0xFFFFFF00  }
0x29: {  	[tilespmem:s9], [sflag:$0x2] =	stream.indirect.gather [hbm4b:s2+s6], $0x80, s6, s6, $0xb8;
	[tilespmem:$0x10200] =	vst v63  }
0x2a: {  	_ =	swait.ge [sflag:s10], $0x8000  }
0x2b: {  	s16 =	sshll.u32 s17, $0xC;
	[sflag:s10] =	ssyncset.done $0x0  }
0x2c: {  	s16 =	sadd.s32 s26, s16;
	[sflag:s10] =	ssyncadd.s32 $0xFFFF8000  }
0x2d: {  	[hbm4b:s16+s3] =	stream.linear.scatter [tilespmem:s7], [sflag:$0x3], $0x8000, $0x38;
	[tilespmem:$0x10200] =	vst v63  }
0x2e: {  	_ =	swait.ge [sflag:s5], $0x8000  }
0x2f: {  	s17 =	sshll.u32 s17, $0x5;
	[sflag:s5] =	ssyncset.done $0x0  }
0x30: {  	s17 =	sadd.s32 s17, s21;
	[sflag:s5] =	ssyncadd.s32 $0xFFFF8000  }
0x31: {  	[tilespmem:s3], [sflag:$0x3] =	stream.linear.gather [hbm4b:s17+s3], $0x100, $0x38;
	[tilespmem:$0x10200] =	vst v63  }
0x32: {  	_ =	swait.ge [sflag:s5], $0x100  }
0x33: {  	[sflag:s5] =	ssyncset.done $0x0  }
0x34: {  	[sflag:s5] =	ssyncadd.s32 $0xFFFFFF00  }
0x35: {  	[tilespmem:s7], [sflag:$0x1] =	stream.indirect.gather [hbm4b:s2+s6], $0x80, s3, s6, $0xb8;
	[tilespmem:$0x10200] =	vst v63  }
0x36: {  	_ =	swait.ge [sflag:s13], $0x8000  }
0x37: {  	s22 =	sor.u32 $0x4, s18;
	s19 =	sshll.u32 s19, $0x4;
	[sflag:s13] =	ssyncset.done $0x0  }
0x38: {  	s29 =	sshll.u32 s22, $0x8;
	s18 =	sadd.s32 s26, s19;
	[sflag:s13] =	ssyncadd.s32 $0xFFFF8000  }
0x39: {  	[hbm4b:s18+s3] =	stream.linear.scatter [tilespmem:s9], [sflag:$0x3], $0x8000, $0x38;
	[tilespmem:$0x10200] =	vst v63  }
0x3a: {  	s28 =	sor.u32 $0x100, s29;
	_ =	swait.ge [sflag:s5], $0x8000  }
0x3b: {  	s19 =	sshrl.u32 s28, $0x3;
	[sflag:s5] =	ssyncset.done $0x0  }
0x3c: {  	s19 =	sadd.s32 s23, s19;
	[sflag:s5] =	ssyncadd.s32 $0xFFFF8000  }
0x3d: {  	[tilespmem:s6], [sflag:$0x3] =	stream.linear.gather [hbm4b:s19+s3], $0x100, $0x38;
	[tilespmem:$0x10200] =	vst v63  }
0x3e: {  	_ =	swait.ge [sflag:s5], $0x100  }
0x3f: {  	[sflag:s5] =	ssyncset.done $0x0  }
0x40: {  	[sflag:s5] =	ssyncadd.s32 $0xFFFFFF00  }
0x41: {  	[tilespmem:s9], [sflag:$0x2] =	stream.indirect.gather [hbm4b:s2+s6], $0x80, s6, s6, $0xb8;
	[tilespmem:$0x10200] =	vst v63  }
0x42: {  	_ =	swait.ge [sflag:s10], $0x8000  }
0x43: {  	s20 =	sshll.u32 s22, $0xC;
	[sflag:s10] =	ssyncset.done $0x0  }
0x44: {  	s20 =	sadd.s32 s26, s20;
	[sflag:s10] =	ssyncadd.s32 $0xFFFF8000  }
0x45: {  	[hbm4b:s20+s3] =	stream.linear.scatter [tilespmem:s7], [sflag:$0x3], $0x8000, $0x38;
	[tilespmem:$0x10200] =	vst v63  }
0x46: {  	_ =	swait.ge [sflag:s5], $0x8000  }
0x47: {  	s22 =	sshll.u32 s22, $0x5;
	[sflag:s5] =	ssyncset.done $0x0  }
0x48: {  	s21 =	sadd.s32 s22, s21;
	[sflag:s5] =	ssyncadd.s32 $0xFFFF8000  }
0x49: {  	[tilespmem:s3], [sflag:$0x3] =	stream.linear.gather [hbm4b:s21+s3], $0x100, $0x38;
	[tilespmem:$0x10200] =	vst v63  }
0x4a: {  	_ =	swait.ge [sflag:s5], $0x100  }
0x4b: {  	[sflag:s5] =	ssyncset.done $0x0  }
0x4c: {  	[sflag:s5] =	ssyncadd.s32 $0xFFFFFF00  }
0x4d: {  	[tilespmem:s7], [sflag:$0x1] =	stream.indirect.gather [hbm4b:s2+s6], $0x80, s3, s6, $0xb8;
	[tilespmem:$0x10200] =	vst v63  }
0x4e: {  	_ =	swait.ge [sflag:s13], $0x8000  }
0x4f: {  	s30 =	sshll.u32 s28, $0x4;
	[sflag:s13] =	ssyncset.done $0x0  }
0x50: {  	s22 =	sadd.s32 s26, s30;
	[sflag:s13] =	ssyncadd.s32 $0xFFFF8000  }
0x51: {  	[hbm4b:s22+s3] =	stream.linear.scatter [tilespmem:s9], [sflag:$0x3], $0x8000, $0x38;
	[tilespmem:$0x10200] =	vst v63  }
0x52: {  	s31 =	sor.u32 $0x700, s24;
	_ =	swait.ge [sflag:s5], $0x8000  }
0x53: {  	s24 =	sshrl.u32 s31, $0x3;
	[sflag:s5] =	ssyncset.done $0x0  }
0x54: {  	s23 =	sadd.s32 s23, s24;
	[sflag:s5] =	ssyncadd.s32 $0xFFFF8000  }
0x55: {  	[tilespmem:s6], [sflag:$0x3] =	stream.linear.gather [hbm4b:s23+s3], $0x100, $0x38;
	[tilespmem:$0x10200] =	vst v63  }
0x56: {  	_ =	swait.ge [sflag:s5], $0x100  }
0x57: {  	[sflag:s5] =	ssyncset.done $0x0  }
0x58: {  	[sflag:s5] =	ssyncadd.s32 $0xFFFFFF00  }
0x59: {  	[tilespmem:s9], [sflag:$0x2] =	stream.indirect.gather [hbm4b:s2+s6], $0x80, s6, s6, $0xb8;
	[tilespmem:$0x10200] =	vst v63  }
0x5a: {  	_ =	swait.ge [sflag:s10], $0x8000  }
0x5b: {  	[sflag:s10] =	ssyncset.done $0x0  }
0x5c: {  	s25 =	ssub.s32 $0x2, s25;
	s24 =	sadd.s32 $0x6000, s11;
	[sflag:s10] =	ssyncadd.s32 $0xFFFF8000  }
0x5d: {  	[hbm4b:s24+s3] =	stream.linear.scatter [tilespmem:s7], [sflag:$0x3], $0x8000, $0x38;
	[tilespmem:$0x10200] =	vst v63  }
0x5e: {  	s29 =	sshrl.u32 s25, $0x1;
	_ =	swait.ge [sflag:s5], $0x8000  }
0x5f: {  	s29 =	ssub.s32 s25, s29;
	[sflag:s5] =	ssyncset.done $0x0  }
0x60: {  	s30 =	sshll.u32 s31, $0x4;
	s31 =	smax.u32 s29, $0x1;
	[sflag:s5] =	ssyncadd.s32 $0xFFFF8000  }
0x61: {  	p0 =	sne.s32 s31, $0x1;
	_ =	swait.ge [sflag:s13], $0x8000  }
.Ltmp0:
0x62: {  	[sflag:s13] =	ssyncset.done $0x0;
	(pc) =	sbr.rel @!p0 .LBB2_2-.Ltmp0, $4  }
0x63: {  	s25 =	sadd.s32 s26, s30;
	[sflag:s13] =	ssyncadd.s32 $0xFFFF8000  }
0x64: {  	[hbm4b:s25+s3] =	stream.linear.scatter [tilespmem:s9], [sflag:$0x3], $0x8000, $0x38;
	[tilespmem:$0x10200] =	vst v63  }
0x65: {  	_ =	swait.ge [sflag:s5], $0x8000  }
0x66: {  	s26 =	sadd.s32 $0xFFFFFFFF, s31;
	[sflag:s5] =	ssyncset.done $0x0  }
.LBB2_1:
0x67: {  	p0 =	sne.s32 s26, $0x1;
	s26 =	sadd.s32 $0xFFFFFFFF, s26;
	[sflag:s5] =	ssyncadd.s32 $0xFFFF8000  }
0x68: {  	[tilespmem:s3], [sflag:$0x3] =	stream.linear.gather [hbm4b:s4+s3], $0x100, $0x38;
	[tilespmem:$0x10200] =	vst v63  }
0x69: {  	_ =	swait.ge [sflag:s5], $0x100  }
0x6a: {  	[sflag:s5] =	ssyncset.done $0x0  }
0x6b: {  	[sflag:s5] =	ssyncadd.s32 $0xFFFFFF00  }
0x6c: {  	[tilespmem:s7], [sflag:$0x1] =	stream.indirect.gather [hbm4b:s2+s6], $0x80, s3, s6, $0xb8;
	[tilespmem:$0x10200] =	vst v63  }
0x6d: {  	_ = 	snop  }
0x6e: {  	[tilespmem:s6], [sflag:$0x3] =	stream.linear.gather [hbm4b:s8+s3], $0x100, $0x38;
	[tilespmem:$0x10200] =	vst v63  }
0x6f: {  	_ =	swait.ge [sflag:s5], $0x100  }
0x70: {  	[sflag:s5] =	ssyncset.done $0x0  }
0x71: {  	[sflag:s5] =	ssyncadd.s32 $0xFFFFFF00  }
0x72: {  	[tilespmem:s9], [sflag:$0x2] =	stream.indirect.gather [hbm4b:s2+s6], $0x80, s6, s6, $0xb8;
	[tilespmem:$0x10200] =	vst v63  }
0x73: {  	_ =	swait.ge [sflag:s10], $0x8000  }
0x74: {  	[sflag:s10] =	ssyncset.done $0x0  }
0x75: {  	[sflag:s10] =	ssyncadd.s32 $0xFFFF8000  }
0x76: {  	[hbm4b:s11+s3] =	stream.linear.scatter [tilespmem:s7], [sflag:$0x3], $0x8000, $0x38;
	[tilespmem:$0x10200] =	vst v63  }
0x77: {  	_ =	swait.ge [sflag:s5], $0x8000  }
0x78: {  	[sflag:s5] =	ssyncset.done $0x0  }
0x79: {  	[sflag:s5] =	ssyncadd.s32 $0xFFFF8000  }
0x7a: {  	[tilespmem:s3], [sflag:$0x3] =	stream.linear.gather [hbm4b:s12+s3], $0x100, $0x38;
	[tilespmem:$0x10200] =	vst v63  }
0x7b: {  	_ =	swait.ge [sflag:s5], $0x100  }
0x7c: {  	[sflag:s5] =	ssyncset.done $0x0  }
0x7d: {  	[sflag:s5] =	ssyncadd.s32 $0xFFFFFF00  }
0x7e: {  	[tilespmem:s7], [sflag:$0x1] =	stream.indirect.gather [hbm4b:s2+s6], $0x80, s3, s6, $0xb8;
	[tilespmem:$0x10200] =	vst v63  }
0x7f: {  	_ =	swait.ge [sflag:s13], $0x8000  }
0x80: {  	[sflag:s13] =	ssyncset.done $0x0  }
0x81: {  	[sflag:s13] =	ssyncadd.s32 $0xFFFF8000  }
0x82: {  	[hbm4b:s14+s3] =	stream.linear.scatter [tilespmem:s9], [sflag:$0x3], $0x8000, $0x38;
	[tilespmem:$0x10200] =	vst v63  }
0x83: {  	_ =	swait.ge [sflag:s5], $0x8000  }
0x84: {  	[sflag:s5] =	ssyncset.done $0x0  }
0x85: {  	[sflag:s5] =	ssyncadd.s32 $0xFFFF8000  }
0x86: {  	[tilespmem:s6], [sflag:$0x3] =	stream.linear.gather [hbm4b:s15+s3], $0x100, $0x38;
	[tilespmem:$0x10200] =	vst v63  }
0x87: {  	_ =	swait.ge [sflag:s5], $0x100  }
0x88: {  	[sflag:s5] =	ssyncset.done $0x0  }
0x89: {  	[sflag:s5] =	ssyncadd.s32 $0xFFFFFF00  }
0x8a: {  	[tilespmem:s9], [sflag:$0x2] =	stream.indirect.gather [hbm4b:s2+s6], $0x80, s6, s6, $0xb8;
	[tilespmem:$0x10200] =	vst v63  }
0x8b: {  	_ =	swait.ge [sflag:s10], $0x8000  }
0x8c: {  	[sflag:s10] =	ssyncset.done $0x0  }
0x8d: {  	[sflag:s10] =	ssyncadd.s32 $0xFFFF8000  }
0x8e: {  	[hbm4b:s16+s3] =	stream.linear.scatter [tilespmem:s7], [sflag:$0x3], $0x8000, $0x38;
	[tilespmem:$0x10200] =	vst v63  }
0x8f: {  	_ =	swait.ge [sflag:s5], $0x8000  }
0x90: {  	[sflag:s5] =	ssyncset.done $0x0  }
0x91: {  	[sflag:s5] =	ssyncadd.s32 $0xFFFF8000  }
0x92: {  	[tilespmem:s3], [sflag:$0x3] =	stream.linear.gather [hbm4b:s17+s3], $0x100, $0x38;
	[tilespmem:$0x10200] =	vst v63  }
0x93: {  	_ =	swait.ge [sflag:s5], $0x100  }
0x94: {  	[sflag:s5] =	ssyncset.done $0x0  }
0x95: {  	[sflag:s5] =	ssyncadd.s32 $0xFFFFFF00  }
0x96: {  	[tilespmem:s7], [sflag:$0x1] =	stream.indirect.gather [hbm4b:s2+s6], $0x80, s3, s6, $0xb8;
	[tilespmem:$0x10200] =	vst v63  }
0x97: {  	_ =	swait.ge [sflag:s13], $0x8000  }
0x98: {  	[sflag:s13] =	ssyncset.done $0x0  }
0x99: {  	[sflag:s13] =	ssyncadd.s32 $0xFFFF8000  }
0x9a: {  	[hbm4b:s18+s3] =	stream.linear.scatter [tilespmem:s9], [sflag:$0x3], $0x8000, $0x38;
	[tilespmem:$0x10200] =	vst v63  }
0x9b: {  	_ =	swait.ge [sflag:s5], $0x8000  }
0x9c: {  	[sflag:s5] =	ssyncset.done $0x0  }
0x9d: {  	[sflag:s5] =	ssyncadd.s32 $0xFFFF8000  }
0x9e: {  	[tilespmem:s6], [sflag:$0x3] =	stream.linear.gather [hbm4b:s19+s3], $0x100, $0x38;
	[tilespmem:$0x10200] =	vst v63  }
0x9f: {  	_ =	swait.ge [sflag:s5], $0x100  }
0xa0: {  	[sflag:s5] =	ssyncset.done $0x0  }
0xa1: {  	[sflag:s5] =	ssyncadd.s32 $0xFFFFFF00  }
0xa2: {  	[tilespmem:s9], [sflag:$0x2] =	stream.indirect.gather [hbm4b:s2+s6], $0x80, s6, s6, $0xb8;
	[tilespmem:$0x10200] =	vst v63  }
0xa3: {  	_ =	swait.ge [sflag:s10], $0x8000  }
0xa4: {  	[sflag:s10] =	ssyncset.done $0x0  }
0xa5: {  	[sflag:s10] =	ssyncadd.s32 $0xFFFF8000  }
0xa6: {  	[hbm4b:s20+s3] =	stream.linear.scatter [tilespmem:s7], [sflag:$0x3], $0x8000, $0x38;
	[tilespmem:$0x10200] =	vst v63  }
0xa7: {  	_ =	swait.ge [sflag:s5], $0x8000  }
0xa8: {  	[sflag:s5] =	ssyncset.done $0x0  }
0xa9: {  	[sflag:s5] =	ssyncadd.s32 $0xFFFF8000  }
0xaa: {  	[tilespmem:s3], [sflag:$0x3] =	stream.linear.gather [hbm4b:s21+s3], $0x100, $0x38;
	[tilespmem:$0x10200] =	vst v63  }
0xab: {  	_ =	swait.ge [sflag:s5], $0x100  }
0xac: {  	[sflag:s5] =	ssyncset.done $0x0  }
0xad: {  	[sflag:s5] =	ssyncadd.s32 $0xFFFFFF00  }
0xae: {  	[tilespmem:s7], [sflag:$0x1] =	stream.indirect.gather [hbm4b:s2+s6], $0x80, s3, s6, $0xb8;
	[tilespmem:$0x10200] =	vst v63  }
0xaf: {  	_ =	swait.ge [sflag:s13], $0x8000  }
0xb0: {  	[sflag:s13] =	ssyncset.done $0x0  }
0xb1: {  	[sflag:s13] =	ssyncadd.s32 $0xFFFF8000  }
0xb2: {  	[hbm4b:s22+s3] =	stream.linear.scatter [tilespmem:s9], [sflag:$0x3], $0x8000, $0x38;
	[tilespmem:$0x10200] =	vst v63  }
0xb3: {  	_ =	swait.ge [sflag:s5], $0x8000  }
0xb4: {  	[sflag:s5] =	ssyncset.done $0x0  }
0xb5: {  	[sflag:s5] =	ssyncadd.s32 $0xFFFF8000  }
0xb6: {  	[tilespmem:s6], [sflag:$0x3] =	stream.linear.gather [hbm4b:s23+s3], $0x100, $0x38;
	[tilespmem:$0x10200] =	vst v63  }
0xb7: {  	_ =	swait.ge [sflag:s5], $0x100  }
0xb8: {  	[sflag:s5] =	ssyncset.done $0x0  }
0xb9: {  	[sflag:s5] =	ssyncadd.s32 $0xFFFFFF00  }
0xba: {  	[tilespmem:s9], [sflag:$0x2] =	stream.indirect.gather [hbm4b:s2+s6], $0x80, s6, s6, $0xb8;
	[tilespmem:$0x10200] =	vst v63  }
0xbb: {  	_ =	swait.ge [sflag:s10], $0x8000  }
0xbc: {  	[sflag:s10] =	ssyncset.done $0x0  }
0xbd: {  	[sflag:s10] =	ssyncadd.s32 $0xFFFF8000  }
0xbe: {  	[hbm4b:s24+s3] =	stream.linear.scatter [tilespmem:s7], [sflag:$0x3], $0x8000, $0x38;
	[tilespmem:$0x10200] =	vst v63  }
0xbf: {  	_ =	swait.ge [sflag:s5], $0x8000  }
0xc0: {  	[sflag:s5] =	ssyncset.done $0x0  }
0xc1: {  	[sflag:s5] =	ssyncadd.s32 $0xFFFF8000  }
0xc2: {  	_ =	swait.ge [sflag:s13], $0x8000  }
.Ltmp1:
0xc3: {  	[sflag:s13] =	ssyncset.done $0x0;
	(pc) =	sbr.rel @p0 .LBB2_1-.Ltmp1, $4  }
0xc4: {  	[sflag:s13] =	ssyncadd.s32 $0xFFFF8000  }
0xc5: {  	[hbm4b:s25+s3] =	stream.linear.scatter [tilespmem:s9], [sflag:$0x3], $0x8000, $0x38;
	[tilespmem:$0x10200] =	vst v63  }
0xc6: {  	_ =	swait.ge [sflag:s5], $0x8000  }
0xc7: {  	[sflag:s5] =	ssyncset.done $0x0  }
.LBB2_2:
0xc8: {  	[sflag:s5] =	ssyncadd.s32 $0xFFFF8000  }
0xc9: {  	_ =	sfence.sel $0x180000  }
0xca: {  	[bflag:$0x0] =	sbarrier.arrive $0xFFFF  }
0xcb: {  	p0 =	sne.s32 s1, $0x0;
	_ =	strace $0x90000050  }
0xcc: {  	s0 =	sadd.s32 @!p0 $0x100000, s0;
	[bflag:$0x2] =	sbarrier.arrive $0xFFFF  }
0xcd: {  	[sflag:s0] =	ssyncadd.tile.s32 @!p0 $0x1;
	_ =	shalt  }
.Lfunc_end2:
_tile_overlayer_lowered:
.L_overlay_start_2:
0xce: {  	(tag) =	ssettag $0x2  }
0xcf: {  	s0 =	rddreg [dreg:$0x0];
	s2 =	stileid.u32  }
0xd0: {  	s1 =	rddreg [dreg:$0x1];
	p0 =	sne.s32 s2, $0x0  }
0xd1: {  	s3 =	rddreg [dreg:$0x2];
	[bflag:$0x3] =	sbarrier.arrive $0xFFFF;
	s2 =	simm.s32 @!p0 $0x1C03  }
0xd2: {  	[timem:s3], [sflag:s2] =	dma.local @!p0 [hbm:s0], s1  }
0xd3: {  	s0 =	simm.s32 @!p0 $0x3  }
0xd4: {  	_ =	swait.ge @!p0 [sflag:s0], s1  }
0xd5: {  	s1 =	ssub.s32 @!p0 $0x0, s1;
	[sflag:s0] =	ssyncset.done @!p0 $0x0  }
0xd6: {  	[sflag:s0] =	ssyncadd.s32 @!p0 s1  }
0xd7: {  	[bflag:$0x3] =	sbarrier.arrive $0xFFFF  }
0xd8: {  	_ =	shalt  }

</sc_bundles>
